<compile_context>
chip_gen: v7x
topology: tpu7x:2x2x1
jax: 0.10.2.dev20260603
libtpu: 0.0.44.dev20260713+nightly
codegen_flags: <defaults>
</compile_context>

<pallas_src>
import functools

import jax
import jax.numpy as jnp
from jax import lax
from jax.experimental import pallas as pl
from jax.experimental.pallas import tpu as pltpu
from jax.experimental.pallas import tpu_sc as plsc

N = 10000
E = 320000
D = 128
B = 16
H = 128
G = 16

NC = 2
NS = 16
L = 16
NW = NC * NS
CH = 64
CPT = 160
SCH = 128
SCPT = 80
EPT = CH * CPT
EP = NW * EPT
NP = 10112
RPT = NP // NS
NXT = N // NS

_mesh = plsc.VectorSubcoreMesh(core_axis_name="c", subcore_axis_name="s")
_sc_params = pltpu.CompilerParams(needs_layout_passes=False,
                                  use_tc_tiling_on_sc=False)


@functools.partial(
    pl.kernel,
    mesh=_mesh,
    out_type=[
        jax.ShapeDtypeStruct((EP, D), jnp.float32),
        jax.ShapeDtypeStruct((EP, D), jnp.float32),
        jax.ShapeDtypeStruct((EP, G), jnp.float32),
    ],
    scratch_types=[
        [pltpu.VMEM((CH,), jnp.int32)] * 2,
        [pltpu.VMEM((CH,), jnp.int32)] * 2,
        [pltpu.VMEM((CH, D), jnp.float32)] * 2,
        [pltpu.VMEM((CH, D), jnp.float32)] * 2,
        [pltpu.VMEM((CH, G), jnp.float32)] * 2,
        [pltpu.VMEM((CH, G), jnp.float32)] * 2,
        pltpu.VMEM_SHARED((N, D), jnp.float32),
        pltpu.VMEM_SHARED((N, G), jnp.float32),
        [pltpu.SemaphoreType.DMA] * 2,
        [pltpu.SemaphoreType.DMA] * 2,
        [pltpu.SemaphoreType.DMA] * 2,
        [pltpu.SemaphoreType.DMA] * 2,
        [pltpu.SemaphoreType.DMA] * 2,
        [pltpu.SemaphoreType.DMA] * 2,
        [pltpu.SemaphoreType.DMA] * 2,
        [pltpu.SemaphoreType.DMA] * 2,
        [pltpu.SemaphoreType.DMA] * 2,
    ],
    compiler_params=_sc_params,
)
def _gather_kernel(x_hbm, posp_hbm, row_hbm, col_hbm,
                   xr_hbm, xc_hbm, dr_hbm,
                   rowv, colv, xrv, xcv, prv, pcv, xspm, pspm,
                   semir, semic, semxr, semxc, sempr, sempc,
                   semwxr, semwxc, semwpr):
    cid = lax.axis_index("c")
    sid = lax.axis_index("s")
    wid = sid * NC + cid
    tbase = wid * EPT
    pltpu.sync_copy(x_hbm.at[pl.ds(sid * NXT, NXT)], xspm.at[pl.ds(sid * NXT, NXT)])
    pltpu.sync_copy(posp_hbm.at[pl.ds(sid * NXT, NXT)], pspm.at[pl.ds(sid * NXT, NXT)])
    plsc.subcore_barrier()

    def idx_start(cb, b):
        ebase = tbase + cb * CH
        pltpu.async_copy(row_hbm.at[pl.ds(ebase, CH)], rowv[b], semir[b])
        pltpu.async_copy(col_hbm.at[pl.ds(ebase, CH)], colv[b], semic[b])

    def idx_wait(cb, b):
        ebase = tbase + cb * CH
        pltpu.make_async_copy(row_hbm.at[pl.ds(ebase, CH)], rowv[b], semir[b]).wait()
        pltpu.make_async_copy(col_hbm.at[pl.ds(ebase, CH)], colv[b], semic[b]).wait()

    def wb_start(cb, b):
        ebase = tbase + cb * CH
        pltpu.async_copy(xrv[b], xr_hbm.at[pl.ds(ebase, CH)], semwxr[b])
        pltpu.async_copy(xcv[b], xc_hbm.at[pl.ds(ebase, CH)], semwxc[b])
        pltpu.async_copy(prv[b], dr_hbm.at[pl.ds(ebase, CH)], semwpr[b])

    def wb_wait(cb, b):
        ebase = tbase + cb * CH
        pltpu.make_async_copy(xrv[b], xr_hbm.at[pl.ds(ebase, CH)], semwxr[b]).wait()
        pltpu.make_async_copy(xcv[b], xc_hbm.at[pl.ds(ebase, CH)], semwxc[b]).wait()
        pltpu.make_async_copy(prv[b], dr_hbm.at[pl.ds(ebase, CH)], semwpr[b]).wait()

    idx_start(0, 0)
    idx_start(1, 1)

    def chunk(cb, carry):
        b = lax.rem(cb, 2)

        def on_buf(bb):
            idx_wait(cb, bb)

            @pl.when(cb >= 2)
            def _():
                wb_wait(cb, bb)

            g1 = pltpu.async_copy(xspm.at[rowv[bb]], xrv[bb], semxr[bb])
            g2 = pltpu.async_copy(xspm.at[colv[bb]], xcv[bb], semxc[bb])
            g3 = pltpu.async_copy(pspm.at[rowv[bb]], prv[bb], sempr[bb])
            g4 = pltpu.async_copy(pspm.at[colv[bb]], pcv[bb], sempc[bb])
            g3.wait()
            g4.wait()
            for e in range(CH):
                prv[bb][e, :] = prv[bb][e, :] - pcv[bb][e, :]
            g1.wait()
            g2.wait()

            @pl.when(cb + 2 < CPT)
            def _():
                idx_start(cb + 2, bb)

            wb_start(cb, bb)

        @pl.when(b == 0)
        def _():
            on_buf(0)

        @pl.when(b == 1)
        def _():
            on_buf(1)

        return carry

    lax.fori_loop(0, CPT, chunk, 0)
    wb_wait(CPT - 2, 0)
    wb_wait(CPT - 1, 1)


@functools.partial(
    pl.kernel,
    mesh=_mesh,
    out_type=[
        jax.ShapeDtypeStruct((NC, NP, D), jnp.float32),
        jax.ShapeDtypeStruct((NC, NP, G), jnp.float32),
    ],
    scratch_types=[
        [pltpu.VMEM((SCH,), jnp.int32)] * 2,
        [pltpu.VMEM((SCH, D), jnp.float32)] * 2,
        [pltpu.VMEM((SCH, G), jnp.float32)] * 2,
        pltpu.VMEM_SHARED((NP, D), jnp.float32),
        pltpu.VMEM_SHARED((NP, G), jnp.float32),
        [pltpu.SemaphoreType.DMA] * 2,
        [pltpu.SemaphoreType.DMA] * 2,
        [pltpu.SemaphoreType.DMA] * 2,
    ],
    compiler_params=_sc_params,
)
def _scatter_kernel(col_hbm, msg_hbm, pu_hbm, zx_hbm, zp_hbm,
                    px_hbm, pp_hbm,
                    colv, msgv, puv, accx, accp, semc, semm, semp):
    cid = lax.axis_index("c")
    sid = lax.axis_index("s")
    wid = sid * NC + cid
    rbase = sid * RPT
    pltpu.sync_copy(zx_hbm.at[pl.ds(rbase, RPT)], accx.at[pl.ds(rbase, RPT)])
    pltpu.sync_copy(zp_hbm.at[pl.ds(rbase, RPT)], accp.at[pl.ds(rbase, RPT)])
    plsc.subcore_barrier()

    def cstart(cb, b):
        ebase = wid * EPT + cb * SCH
        pltpu.async_copy(col_hbm.at[pl.ds(ebase, SCH)], colv[b], semc[b])
        pltpu.async_copy(msg_hbm.at[pl.ds(ebase, SCH)], msgv[b], semm[b])
        pltpu.async_copy(pu_hbm.at[pl.ds(ebase, SCH)], puv[b], semp[b])

    def cwait(cb, b):
        ebase = wid * EPT + cb * SCH
        pltpu.make_async_copy(col_hbm.at[pl.ds(ebase, SCH)], colv[b], semc[b]).wait()
        pltpu.make_async_copy(msg_hbm.at[pl.ds(ebase, SCH)], msgv[b], semm[b]).wait()
        pltpu.make_async_copy(pu_hbm.at[pl.ds(ebase, SCH)], puv[b], semp[b]).wait()

    cstart(0, 0)
    cstart(1, 1)

    def chunk(cb, carry):
        b = lax.rem(cb, 2)

        def on_buf(bb):
            cwait(cb, bb)
            pltpu.sync_copy(msgv[bb], accx.at[colv[bb]], add=True)
            pltpu.sync_copy(puv[bb], accp.at[colv[bb]], add=True)

            @pl.when(cb + 2 < SCPT)
            def _():
                cstart(cb + 2, bb)

        @pl.when(b == 0)
        def _():
            on_buf(0)

        @pl.when(b == 1)
        def _():
            on_buf(1)

        return carry

    lax.fori_loop(0, SCPT, chunk, 0)
    plsc.subcore_barrier()
    pltpu.sync_copy(accx.at[pl.ds(rbase, RPT)], px_hbm.at[cid].at[pl.ds(rbase, RPT)])
    pltpu.sync_copy(accp.at[pl.ds(rbase, RPT)], pp_hbm.at[cid].at[pl.ds(rbase, RPT)])


BE = 1280


def _mlp_body(xr, xc, ea, dr_ref, w1a, w1b, w1c, s1, b1, wx2, bx2, wp2, bp2,
              we2, be2, msg_o, pu_o, eu_o):
    f32 = jnp.float32
    bf16 = jnp.bfloat16
    dr = dr_ref[...]
    h = (jnp.dot(xr[...].astype(bf16), w1a[...], preferred_element_type=f32)
         + jnp.dot(xc[...].astype(bf16), w1b[...], preferred_element_type=f32)
         + jnp.dot(ea[...], w1c[...], preferred_element_type=f32)
         + jnp.dot(dr * dr, s1[...], preferred_element_type=f32)
         + b1[...])
    h = h * jax.nn.sigmoid(h)
    h16 = h.astype(bf16)
    msg_o[...] = jnp.dot(h16[:, :H], wx2[...], preferred_element_type=f32) + bx2[...]
    wp = jnp.dot(h16[:, H:2 * H], wp2[...], preferred_element_type=f32) + bp2[...]
    eu_o[...] = jnp.dot(h16[:, 2 * H:], we2[...], preferred_element_type=f32) + be2[...]
    colid = lax.broadcasted_iota(jnp.int32, (1, G), 1)
    relmask = jnp.where(colid < 3, 1.0, 0.0).astype(f32)
    pu_o[...] = wp * (dr * relmask)


def _full(shape):
    return pl.BlockSpec(shape, lambda i: (0,) * len(shape))


_mlp_call = pl.pallas_call(
    _mlp_body,
    grid=(E // BE,),
    in_specs=[
        pl.BlockSpec((BE, D), lambda i: (i, 0)),
        pl.BlockSpec((BE, D), lambda i: (i, 0)),
        pl.BlockSpec((BE, B), lambda i: (i, 0)),
        pl.BlockSpec((BE, G), lambda i: (i, 0)),
        _full((D, 3 * H)),
        _full((D, 3 * H)),
        _full((B, 3 * H)),
        _full((G, 3 * H)),
        _full((1, 3 * H)),
        _full((H, D)),
        _full((1, D)),
        _full((H, 1)),
        _full((1, 1)),
        _full((H, B)),
        _full((1, B)),
    ],
    out_specs=[
        pl.BlockSpec((BE, D), lambda i: (i, 0)),
        pl.BlockSpec((BE, G), lambda i: (i, 0)),
        pl.BlockSpec((BE, B), lambda i: (i, 0)),
    ],
    out_shape=[
        jax.ShapeDtypeStruct((EP, D), jnp.float32),
        jax.ShapeDtypeStruct((EP, G), jnp.float32),
        jax.ShapeDtypeStruct((E, B), jnp.float32),
    ],
)

BN = 2000


def _combine_body(px, pp, ax_o, ap_o):
    ax_o[...] = px[0] + px[1]
    ap_o[...] = pp[0] + pp[1]


_combine_call = pl.pallas_call(
    _combine_body,
    grid=(N // BN,),
    in_specs=[
        pl.BlockSpec((NC, BN, D), lambda i: (0, i, 0)),
        pl.BlockSpec((NC, BN, G), lambda i: (0, i, 0)),
    ],
    out_specs=[
        pl.BlockSpec((BN, D), lambda i: (i, 0)),
        pl.BlockSpec((BN, G), lambda i: (i, 0)),
    ],
    out_shape=[
        jax.ShapeDtypeStruct((N, D), jnp.float32),
        jax.ShapeDtypeStruct((N, G), jnp.float32),
    ],
)


def kernel(x, pos, edge_index, edge_attr, Wx1, bx1, Wx2, bx2,
           Wp1, bp1, Wp2, bp2, We1, be1, We2, be2):
    pad = EP - E
    rowp = jnp.concatenate([edge_index[0], jnp.zeros((pad,), jnp.int32)])
    colg = jnp.concatenate([edge_index[1], jnp.zeros((pad,), jnp.int32)])
    colp = jnp.concatenate([edge_index[1], jnp.full((pad,), N, jnp.int32)])
    posp = jnp.zeros((N, G), jnp.float32).at[:, :3].set(pos)

    xr, xc, dr = _gather_kernel(x, posp, rowp, colg)

    w1cat = jnp.concatenate([Wx1, Wp1, We1], axis=1)
    b1cat = jnp.concatenate([bx1, bp1, be1]).reshape(1, 3 * H)
    w1a = w1cat[:D]
    w1b = w1cat[D:2 * D]
    w1c = w1cat[2 * D:2 * D + B]
    w1d = w1cat[2 * D + B]
    s1 = jnp.zeros((G, 3 * H), jnp.float32).at[0].set(w1d).at[1].set(w1d).at[2].set(w1d)

    bf16 = jnp.bfloat16
    msg, pu, eu = _mlp_call(
        xr, xc, edge_attr, dr, w1a.astype(bf16), w1b.astype(bf16), w1c, s1,
        b1cat, Wx2.astype(bf16), bx2.reshape(1, D), Wp2.astype(bf16),
        bp2.reshape(1, 1), We2.astype(bf16), be2.reshape(1, B))

    zx = jnp.zeros((NP, D), jnp.float32)
    zp = jnp.zeros((NP, G), jnp.float32)
    px, pp = _scatter_kernel(colp, msg, pu, zx, zp)
    aggx, aggp = _combine_call(px, pp)
    return aggx, aggp[:, :3], eu

# --- scband reference (transcript-rebuilt; emitter-appended) ---
"""Pipeline reference for scband-bond-aware-message-passing-51943334478378 (READ-ONLY COPY).

The authoritative reference and input builder live on the scoring server;
editing this copy changes nothing except your own understanding.
"""

import jax, jax.numpy as jnp
import numpy as np

N = 10000
E = 320000
D = 128
B = 16
H = 128
DIN = 2 * D + B + 1


def _lin_init(key, fan_in, fan_out):
    k1, k2 = jax.random.split(key)
    bound = 1.0 / np.sqrt(fan_in)
    W = jax.random.uniform(k1, (fan_in, fan_out), jnp.float32, -bound, bound)
    b = jax.random.uniform(k2, (fan_out,), jnp.float32, -bound, bound)
    return W, b


def setup_inputs(seed: int = 0) -> dict:
    key = jax.random.key(seed)
    ks = jax.random.split(key, 10)
    x = jax.random.normal(ks[0], (N, D), jnp.float32)
    pos = jax.random.normal(ks[1], (N, 3), jnp.float32)
    edge_index = jax.random.randint(ks[2], (2, E), 0, N, jnp.int32)
    edge_attr = jax.random.normal(ks[3], (E, B), jnp.float32)
    Wx1, bx1 = _lin_init(ks[4], DIN, H)
    Wx2, bx2 = _lin_init(ks[5], H, D)
    Wp1, bp1 = _lin_init(ks[6], DIN, H)
    Wp2, bp2 = _lin_init(ks[7], H, 1)
    We1, be1 = _lin_init(ks[8], DIN, H)
    We2, be2 = _lin_init(ks[9], H, B)
    return {
        "x": x, "pos": pos, "edge_index": edge_index, "edge_attr": edge_attr,
        "Wx1": Wx1, "bx1": bx1, "Wx2": Wx2, "bx2": bx2,
        "Wp1": Wp1, "bp1": bp1, "Wp2": Wp2, "bp2": bp2,
        "We1": We1, "be1": be1, "We2": We2, "be2": be2,
    }


def _mlp(h, W1, b1, W2, b2):
    return jax.nn.silu(h @ W1 + b1) @ W2 + b2


def reference(x, pos, edge_index, edge_attr,
              Wx1, bx1, Wx2, bx2,
              Wp1, bp1, Wp2, bp2,
              We1, be1, We2, be2):
    row = edge_index[0]
    col = edge_index[1]
    rel_pos = pos[row] - pos[col]
    dist_sq = (rel_pos ** 2).sum(axis=-1, keepdims=True)
    combined = jnp.concatenate([x[row], x[col], edge_attr, dist_sq], axis=-1)
    msg_x = _mlp(combined, Wx1, bx1, Wx2, bx2)
    aggregated_x = jnp.zeros_like(x).at[col].add(msg_x)
    weight_pos = _mlp(combined, Wp1, bp1, Wp2, bp2)
    pos_update = weight_pos * rel_pos
    aggregated_pos = jnp.zeros_like(pos).at[col].add(pos_update)
    edge_update = _mlp(combined, We1, be1, We2, be2)
    return (aggregated_x, aggregated_pos, edge_update)

if __name__ == "__main__":
    import jax
    _d = setup_inputs()
    print(jax.jit(kernel)(*tuple(_d.values())))

</pallas_src>

<mosaic_0001>
#map = affine_map<(d0, d1) -> (0, 0)>
#map1 = affine_map<(d0, d1) -> (0)>
module attributes {stable_mosaic.version = 14 : i64} {
  func.func @_gather_kernel(%arg0: i32, %arg1: i32, %arg2: memref<10000x128xf32, #tpu.memory_space<hbm>>, %arg3: memref<10000x16xf32, #tpu.memory_space<hbm>>, %arg4: memref<327680xi32, #tpu.memory_space<hbm>>, %arg5: memref<327680xi32, #tpu.memory_space<hbm>>, %arg6: memref<327680x128xf32, #tpu.memory_space<hbm>>, %arg7: memref<327680x128xf32, #tpu.memory_space<hbm>>, %arg8: memref<327680x16xf32, #tpu.memory_space<hbm>>, %arg9: memref<64xi32, #tpu.memory_space<vmem>>, %arg10: memref<64xi32, #tpu.memory_space<vmem>>, %arg11: memref<64xi32, #tpu.memory_space<vmem>>, %arg12: memref<64xi32, #tpu.memory_space<vmem>>, %arg13: memref<64x128xf32, #tpu.memory_space<vmem>>, %arg14: memref<64x128xf32, #tpu.memory_space<vmem>>, %arg15: memref<64x128xf32, #tpu.memory_space<vmem>>, %arg16: memref<64x128xf32, #tpu.memory_space<vmem>>, %arg17: memref<64x16xf32, #tpu.memory_space<vmem>>, %arg18: memref<64x16xf32, #tpu.memory_space<vmem>>, %arg19: memref<64x16xf32, #tpu.memory_space<vmem>>, %arg20: memref<64x16xf32, #tpu.memory_space<vmem>>, %arg21: memref<10000x128xf32, #tpu.memory_space<vmem_shared>>, %arg22: memref<10000x16xf32, #tpu.memory_space<vmem_shared>>, %arg23: memref<!tpu.dma_semaphore, #tpu.memory_space<semaphore_mem>>, %arg24: memref<!tpu.dma_semaphore, #tpu.memory_space<semaphore_mem>>, %arg25: memref<!tpu.dma_semaphore, #tpu.memory_space<semaphore_mem>>, %arg26: memref<!tpu.dma_semaphore, #tpu.memory_space<semaphore_mem>>, %arg27: memref<!tpu.dma_semaphore, #tpu.memory_space<semaphore_mem>>, %arg28: memref<!tpu.dma_semaphore, #tpu.memory_space<semaphore_mem>>, %arg29: memref<!tpu.dma_semaphore, #tpu.memory_space<semaphore_mem>>, %arg30: memref<!tpu.dma_semaphore, #tpu.memory_space<semaphore_mem>>, %arg31: memref<!tpu.dma_semaphore, #tpu.memory_space<semaphore_mem>>, %arg32: memref<!tpu.dma_semaphore, #tpu.memory_space<semaphore_mem>>, %arg33: memref<!tpu.dma_semaphore, #tpu.memory_space<semaphore_mem>>, %arg34: memref<!tpu.dma_semaphore, #tpu.memory_space<semaphore_mem>>, %arg35: memref<!tpu.dma_semaphore, #tpu.memory_space<semaphore_mem>>, %arg36: memref<!tpu.dma_semaphore, #tpu.memory_space<semaphore_mem>>, %arg37: memref<!tpu.dma_semaphore, #tpu.memory_space<semaphore_mem>>, %arg38: memref<!tpu.dma_semaphore, #tpu.memory_space<semaphore_mem>>, %arg39: memref<!tpu.dma_semaphore, #tpu.memory_space<semaphore_mem>>, %arg40: memref<!tpu.dma_semaphore, #tpu.memory_space<semaphore_mem>>) attributes {dimension_semantics = [#tpu.dimension_semantics<core_parallel>, #tpu.dimension_semantics<subcore_parallel>], iteration_bounds = array<i64: 2, 16>, scalar_prefetch = 0 : i64, scratch_operands = 32 : i64, tpu.core_type = #tpu.core_type<sc_vector_subcore>, window_params = [{transform_indices = #map}, {transform_indices = #map}, {transform_indices = #map1}, {transform_indices = #map1}, {transform_indices = #map}, {transform_indices = #map}, {transform_indices = #map}]} {
    %mul3A = arith.constant 2 : i32
    %mul3A_0 = arith.muli %arg1, %mul3A : i32
    %add3A = arith.addi %mul3A_0, %arg0 : i32
    %mul3A_1 = arith.constant 10240 : i32
    %mul3A_2 = arith.muli %add3A, %mul3A_1 : i32
    %mul3A_3 = arith.constant 625 : i32
    %mul3A_4 = arith.muli %arg1, %mul3A_3 : i32
    %mul3A_5 = arith.constant 625 : i32
    %mul3A_6 = arith.muli %arg1, %mul3A_5 : i32
    "tpu.region"() ({
      %run_scoped3A = tpu.sem_alloc : memref<!tpu.dma_semaphore, #tpu.memory_space<semaphore_mem>>
      %dma_start3A_54 = arith.constant 0 : i32
      %dma_start3A_55 = tpu.memref_slice %arg21[%mul3A_6, %dma_start3A_54] : memref<10000x128xf32, #tpu.memory_space<vmem_shared>> -> memref<625x128xf32, #tpu.memory_space<vmem_shared>>
      %dma_start3A_56 = arith.constant 0 : i32
      %dma_start3A_57 = tpu.memref_slice %arg2[%mul3A_4, %dma_start3A_56] : memref<10000x128xf32, #tpu.memory_space<hbm>> -> memref<625x128xf32, #tpu.memory_space<hbm>>
      tpu.enqueue_dma source(%dma_start3A_57 : memref<625x128xf32, #tpu.memory_space<hbm>>) target(%dma_start3A_55 : memref<625x128xf32, #tpu.memory_space<vmem_shared>>) target_semaphore(%run_scoped3A : memref<!tpu.dma_semaphore, #tpu.memory_space<semaphore_mem>>)
      %dma_wait3A_58 = arith.constant 0 : i32
      %dma_wait3A_59 = tpu.memref_slice %arg21[%mul3A_6, %dma_wait3A_58] : memref<10000x128xf32, #tpu.memory_space<vmem_shared>> -> memref<625x128xf32, #tpu.memory_space<vmem_shared>>
      %dma_wait3A_60 = arith.constant 0 : i32
      %dma_wait3A_61 = tpu.memref_slice %arg2[%mul3A_4, %dma_wait3A_60] : memref<10000x128xf32, #tpu.memory_space<hbm>> -> memref<625x128xf32, #tpu.memory_space<hbm>>
      tpu.wait_dma2 semaphore(%run_scoped3A : memref<!tpu.dma_semaphore, #tpu.memory_space<semaphore_mem>>) src(%dma_wait3A_61 : memref<625x128xf32, #tpu.memory_space<hbm>>) dst(%dma_wait3A_59 : memref<625x128xf32, #tpu.memory_space<vmem_shared>>)
      tpu.yield
    }) : () -> ()
    %mul3A_7 = arith.constant 625 : i32
    %mul3A_8 = arith.muli %arg1, %mul3A_7 : i32
    %mul3A_9 = arith.constant 625 : i32
    %mul3A_10 = arith.muli %arg1, %mul3A_9 : i32
    "tpu.region"() ({
      %run_scoped3A = tpu.sem_alloc : memref<!tpu.dma_semaphore, #tpu.memory_space<semaphore_mem>>
      %dma_start3A_54 = arith.constant 0 : i32
      %dma_start3A_55 = tpu.memref_slice %arg22[%mul3A_10, %dma_start3A_54] : memref<10000x16xf32, #tpu.memory_space<vmem_shared>> -> memref<625x16xf32, #tpu.memory_space<vmem_shared>>
      %dma_start3A_56 = arith.constant 0 : i32
      %dma_start3A_57 = tpu.memref_slice %arg3[%mul3A_8, %dma_start3A_56] : memref<10000x16xf32, #tpu.memory_space<hbm>> -> memref<625x16xf32, #tpu.memory_space<hbm>>
      tpu.enqueue_dma source(%dma_start3A_57 : memref<625x16xf32, #tpu.memory_space<hbm>>) target(%dma_start3A_55 : memref<625x16xf32, #tpu.memory_space<vmem_shared>>) target_semaphore(%run_scoped3A : memref<!tpu.dma_semaphore, #tpu.memory_space<semaphore_mem>>)
      %dma_wait3A_58 = arith.constant 0 : i32
      %dma_wait3A_59 = tpu.memref_slice %arg22[%mul3A_10, %dma_wait3A_58] : memref<10000x16xf32, #tpu.memory_space<vmem_shared>> -> memref<625x16xf32, #tpu.memory_space<vmem_shared>>
      %dma_wait3A_60 = arith.constant 0 : i32
      %dma_wait3A_61 = tpu.memref_slice %arg3[%mul3A_8, %dma_wait3A_60] : memref<10000x16xf32, #tpu.memory_space<hbm>> -> memref<625x16xf32, #tpu.memory_space<hbm>>
      tpu.wait_dma2 semaphore(%run_scoped3A : memref<!tpu.dma_semaphore, #tpu.memory_space<semaphore_mem>>) src(%dma_wait3A_61 : memref<625x16xf32, #tpu.memory_space<hbm>>) dst(%dma_wait3A_59 : memref<625x16xf32, #tpu.memory_space<vmem_shared>>)
      tpu.yield
    }) : () -> ()
    %barrier3A = arith.constant 0 : index
    tpu.barrier barrier_id(%barrier3A)
    %add3A_11 = arith.constant 0 : i32
    %add3A_12 = arith.addi %mul3A_2, %add3A_11 : i32
    %dma_start3A = tpu.memref_slice %arg4[%add3A_12] : memref<327680xi32, #tpu.memory_space<hbm>> -> memref<64xi32, #tpu.memory_space<hbm>>
    %dma_start3A_13 = tpu.memref_slice %arg4[%add3A_12] : memref<327680xi32, #tpu.memory_space<hbm>> -> memref<64xi32, #tpu.memory_space<hbm>>
    tpu.enqueue_dma source(%dma_start3A_13 : memref<64xi32, #tpu.memory_space<hbm>>) target(%arg9 : memref<64xi32, #tpu.memory_space<vmem>>) target_semaphore(%arg23 : memref<!tpu.dma_semaphore, #tpu.memory_space<semaphore_mem>>)
    %dma_start3A_14 = tpu.memref_slice %arg5[%add3A_12] : memref<327680xi32, #tpu.memory_space<hbm>> -> memref<64xi32, #tpu.memory_space<hbm>>
    %dma_start3A_15 = tpu.memref_slice %arg5[%add3A_12] : memref<327680xi32, #tpu.memory_space<hbm>> -> memref<64xi32, #tpu.memory_space<hbm>>
    tpu.enqueue_dma source(%dma_start3A_15 : memref<64xi32, #tpu.memory_space<hbm>>) target(%arg11 : memref<64xi32, #tpu.memory_space<vmem>>) target_semaphore(%arg25 : memref<!tpu.dma_semaphore, #tpu.memory_space<semaphore_mem>>)
    %add3A_16 = arith.constant 64 : i32
    %add3A_17 = arith.addi %mul3A_2, %add3A_16 : i32
    %dma_start3A_18 = tpu.memref_slice %arg4[%add3A_17] : memref<327680xi32, #tpu.memory_space<hbm>> -> memref<64xi32, #tpu.memory_space<hbm>>
    %dma_start3A_19 = tpu.memref_slice %arg4[%add3A_17] : memref<327680xi32, #tpu.memory_space<hbm>> -> memref<64xi32, #tpu.memory_space<hbm>>
    tpu.enqueue_dma source(%dma_start3A_19 : memref<64xi32, #tpu.memory_space<hbm>>) target(%arg10 : memref<64xi32, #tpu.memory_space<vmem>>) target_semaphore(%arg24 : memref<!tpu.dma_semaphore, #tpu.memory_space<semaphore_mem>>)
    %dma_start3A_20 = tpu.memref_slice %arg5[%add3A_17] : memref<327680xi32, #tpu.memory_space<hbm>> -> memref<64xi32, #tpu.memory_space<hbm>>
    %dma_start3A_21 = tpu.memref_slice %arg5[%add3A_17] : memref<327680xi32, #tpu.memory_space<hbm>> -> memref<64xi32, #tpu.memory_space<hbm>>
    tpu.enqueue_dma source(%dma_start3A_21 : memref<64xi32, #tpu.memory_space<hbm>>) target(%arg12 : memref<64xi32, #tpu.memory_space<vmem>>) target_semaphore(%arg26 : memref<!tpu.dma_semaphore, #tpu.memory_space<semaphore_mem>>)
    %scan3A = arith.constant 0 : i32
    %scan3A_22 = arith.constant 0 : i32
    %scan3A_23 = arith.constant 160 : i32
    %scan3A_24 = arith.addi %scan3A_22, %scan3A_23 : i32
    %scan3A_25 = arith.constant 1 : i32
    scf.for %scan3A_54 = %scan3A_22 to %scan3A_24 step %scan3A_25  : i32 {
      %rem3A = arith.constant 2 : i32
      %rem3A_55 = arith.remsi %scan3A_54, %rem3A : i32
      %eq3A = arith.constant 0 : i32
      %eq3A_56 = arith.cmpi eq, %rem3A_55, %eq3A : i32
      %convert_element_type3A = arith.extui %eq3A_56 : i1 to i32
      %cond3A = arith.constant 0 : i32
      %cond3A_57 = arith.cmpi ne, %convert_element_type3A, %cond3A : i32
      scf.if %cond3A_57 {
        %mul3A_63 = arith.constant 64 : i32
        %mul3A_64 = arith.muli %scan3A_54, %mul3A_63 : i32
        %add3A_65 = arith.addi %mul3A_2, %mul3A_64 : i32
        %dma_wait3A_66 = tpu.memref_slice %arg4[%add3A_65] : memref<327680xi32, #tpu.memory_space<hbm>> -> memref<64xi32, #tpu.memory_space<hbm>>
        %dma_wait3A_67 = tpu.memref_slice %arg4[%add3A_65] : memref<327680xi32, #tpu.memory_space<hbm>> -> memref<64xi32, #tpu.memory_space<hbm>>
        tpu.wait_dma2 semaphore(%arg23 : memref<!tpu.dma_semaphore, #tpu.memory_space<semaphore_mem>>) src(%dma_wait3A_67 : memref<64xi32, #tpu.memory_space<hbm>>) dst(%arg9 : memref<64xi32, #tpu.memory_space<vmem>>)
        %dma_wait3A_68 = tpu.memref_slice %arg5[%add3A_65] : memref<327680xi32, #tpu.memory_space<hbm>> -> memref<64xi32, #tpu.memory_space<hbm>>
        %dma_wait3A_69 = tpu.memref_slice %arg5[%add3A_65] : memref<327680xi32, #tpu.memory_space<hbm>> -> memref<64xi32, #tpu.memory_space<hbm>>
        tpu.wait_dma2 semaphore(%arg25 : memref<!tpu.dma_semaphore, #tpu.memory_space<semaphore_mem>>) src(%dma_wait3A_69 : memref<64xi32, #tpu.memory_space<hbm>>) dst(%arg11 : memref<64xi32, #tpu.memory_space<vmem>>)
        %ge3A = arith.constant 2 : i32
        %ge3A_70 = arith.cmpi sge, %scan3A_54, %ge3A : i32
        %convert_element_type3A_71 = arith.extui %ge3A_70 : i1 to i32
        %cond3A_72 = arith.constant 0 : i32
        %cond3A_73 = arith.cmpi ne, %convert_element_type3A_71, %cond3A_72 : i32
        scf.if %cond3A_73 {
          %mul3A_948 = arith.constant 64 : i32
          %mul3A_949 = arith.muli %scan3A_54, %mul3A_948 : i32
          %add3A_950 = arith.addi %mul3A_2, %mul3A_949 : i32
          %dma_wait3A_951 = arith.constant 0 : i32
          %dma_wait3A_952 = tpu.memref_slice %arg6[%add3A_950, %dma_wait3A_951] : memref<327680x128xf32, #tpu.memory_space<hbm>> -> memref<64x128xf32, #tpu.memory_space<hbm>>
          %dma_wait3A_953 = arith.constant 0 : i32
          %dma_wait3A_954 = tpu.memref_slice %arg6[%add3A_950, %dma_wait3A_953] : memref<327680x128xf32, #tpu.memory_space<hbm>> -> memref<64x128xf32, #tpu.memory_space<hbm>>
          tpu.wait_dma2 semaphore(%arg35 : memref<!tpu.dma_semaphore, #tpu.memory_space<semaphore_mem>>) src(%arg13 : memref<64x128xf32, #tpu.memory_space<vmem>>) dst(%dma_wait3A_954 : memref<64x128xf32, #tpu.memory_space<hbm>>)
          %dma_wait3A_955 = arith.constant 0 : i32
          %dma_wait3A_956 = tpu.memref_slice %arg7[%add3A_950, %dma_wait3A_955] : memref<327680x128xf32, #tpu.memory_space<hbm>> -> memref<64x128xf32, #tpu.memory_space<hbm>>
          %dma_wait3A_957 = arith.constant 0 : i32
          %dma_wait3A_958 = tpu.memref_slice %arg7[%add3A_950, %dma_wait3A_957] : memref<327680x128xf32, #tpu.memory_space<hbm>> -> memref<64x128xf32, #tpu.memory_space<hbm>>
          tpu.wait_dma2 semaphore(%arg37 : memref<!tpu.dma_semaphore, #tpu.memory_space<semaphore_mem>>) src(%arg15 : memref<64x128xf32, #tpu.memory_space<vmem>>) dst(%dma_wait3A_958 : memref<64x128xf32, #tpu.memory_space<hbm>>)
          %dma_wait3A_959 = arith.constant 0 : i32
          %dma_wait3A_960 = tpu.memref_slice %arg8[%add3A_950, %dma_wait3A_959] : memref<327680x16xf32, #tpu.memory_space<hbm>> -> memref<64x16xf32, #tpu.memory_space<hbm>>
          %dma_wait3A_961 = arith.constant 0 : i32
          %dma_wait3A_962 = tpu.memref_slice %arg8[%add3A_950, %dma_wait3A_961] : memref<327680x16xf32, #tpu.memory_space<hbm>> -> memref<64x16xf32, #tpu.memory_space<hbm>>
          tpu.wait_dma2 semaphore(%arg39 : memref<!tpu.dma_semaphore, #tpu.memory_space<semaphore_mem>>) src(%arg17 : memref<64x16xf32, #tpu.memory_space<vmem>>) dst(%dma_wait3A_962 : memref<64x16xf32, #tpu.memory_space<hbm>>)
        } else {
        }
        %dma_start3A_74 = arith.constant 0 : i32
        %dma_start3A_75 = arith.constant 0 : i32
        %dma_start3A_76 = tpu.memref_slice %arg21[%dma_start3A_74, %dma_start3A_75] : memref<10000x128xf32, #tpu.memory_space<vmem_shared>> -> memref<10000x128xf32, #tpu.memory_space<vmem_shared>>
        tpu.enqueue_indirect_dma source(%dma_start3A_76 : memref<10000x128xf32, #tpu.memory_space<vmem_shared>>) target(%arg13 : memref<64x128xf32, #tpu.memory_space<vmem>>) offsets(%arg9 : memref<64xi32, #tpu.memory_space<vmem>>) semaphore(%arg27 : memref<!tpu.dma_semaphore, #tpu.memory_space<semaphore_mem>>)
        %dma_start3A_77 = arith.constant 0 : i32
        %dma_start3A_78 = arith.constant 0 : i32
        %dma_start3A_79 = tpu.memref_slice %arg21[%dma_start3A_77, %dma_start3A_78] : memref<10000x128xf32, #tpu.memory_space<vmem_shared>> -> memref<10000x128xf32, #tpu.memory_space<vmem_shared>>
        tpu.enqueue_indirect_dma source(%dma_start3A_79 : memref<10000x128xf32, #tpu.memory_space<vmem_shared>>) target(%arg15 : memref<64x128xf32, #tpu.memory_space<vmem>>) offsets(%arg11 : memref<64xi32, #tpu.memory_space<vmem>>) semaphore(%arg29 : memref<!tpu.dma_semaphore, #tpu.memory_space<semaphore_mem>>)
        %dma_start3A_80 = arith.constant 0 : i32
        %dma_start3A_81 = arith.constant 0 : i32
        %dma_start3A_82 = tpu.memref_slice %arg22[%dma_start3A_80, %dma_start3A_81] : memref<10000x16xf32, #tpu.memory_space<vmem_shared>> -> memref<10000x16xf32, #tpu.memory_space<vmem_shared>>
        tpu.enqueue_indirect_dma source(%dma_start3A_82 : memref<10000x16xf32, #tpu.memory_space<vmem_shared>>) target(%arg17 : memref<64x16xf32, #tpu.memory_space<vmem>>) offsets(%arg9 : memref<64xi32, #tpu.memory_space<vmem>>) semaphore(%arg31 : memref<!tpu.dma_semaphore, #tpu.memory_space<semaphore_mem>>)
        %dma_start3A_83 = arith.constant 0 : i32
        %dma_start3A_84 = arith.constant 0 : i32
        %dma_start3A_85 = tpu.memref_slice %arg22[%dma_start3A_83, %dma_start3A_84] : memref<10000x16xf32, #tpu.memory_space<vmem_shared>> -> memref<10000x16xf32, #tpu.memory_space<vmem_shared>>
        tpu.enqueue_indirect_dma source(%dma_start3A_85 : memref<10000x16xf32, #tpu.memory_space<vmem_shared>>) target(%arg19 : memref<64x16xf32, #tpu.memory_space<vmem>>) offsets(%arg11 : memref<64xi32, #tpu.memory_space<vmem>>) semaphore(%arg33 : memref<!tpu.dma_semaphore, #tpu.memory_space<semaphore_mem>>)
        %dma_wait3A_86 = arith.constant 0 : i32
        %dma_wait3A_87 = arith.constant 0 : i32
        %dma_wait3A_88 = tpu.memref_slice %arg22[%dma_wait3A_86, %dma_wait3A_87] : memref<10000x16xf32, #tpu.memory_space<vmem_shared>> -> memref<10000x16xf32, #tpu.memory_space<vmem_shared>>
        tpu.wait_indirect_dma semaphore(%arg31 : memref<!tpu.dma_semaphore, #tpu.memory_space<semaphore_mem>>) src(%dma_wait3A_88 : memref<10000x16xf32, #tpu.memory_space<vmem_shared>>) dst(%arg17 : memref<64x16xf32, #tpu.memory_space<vmem>>)
        %dma_wait3A_89 = arith.constant 0 : i32
        %dma_wait3A_90 = arith.constant 0 : i32
        %dma_wait3A_91 = tpu.memref_slice %arg22[%dma_wait3A_89, %dma_wait3A_90] : memref<10000x16xf32, #tpu.memory_space<vmem_shared>> -> memref<10000x16xf32, #tpu.memory_space<vmem_shared>>
        tpu.wait_indirect_dma semaphore(%arg33 : memref<!tpu.dma_semaphore, #tpu.memory_space<semaphore_mem>>) src(%dma_wait3A_91 : memref<10000x16xf32, #tpu.memory_space<vmem_shared>>) dst(%arg19 : memref<64x16xf32, #tpu.memory_space<vmem>>)
        %get3A = arith.constant 0 : i32
        %get3A_92 = arith.index_cast %get3A : i32 to index
        %get3A_93 = arith.constant 0 : index
        %get3A_94 = tpu.vector_load %arg17[%get3A_92, %get3A_93] {strides = array<i32>} : memref<64x16xf32, #tpu.memory_space<vmem>>, vector<16xf32>,
        %get3A_95 = arith.constant 0 : i32
        %get3A_96 = arith.index_cast %get3A_95 : i32 to index
        %get3A_97 = arith.constant 0 : index
        %get3A_98 = tpu.vector_load %arg19[%get3A_96, %get3A_97] {strides = array<i32>} : memref<64x16xf32, #tpu.memory_space<vmem>>, vector<16xf32>,
        %sub3A = arith.subf %get3A_94, %get3A_98 : vector<16xf32>
        %swap3A = arith.constant 0 : i32
        %swap3A_99 = arith.index_cast %swap3A : i32 to index
        %swap3A_100 = arith.constant 0 : index
        %swap3A_101 = tpu.vector_load %arg17[%swap3A_99, %swap3A_100] {strides = array<i32>} : memref<64x16xf32, #tpu.memory_space<vmem>>, vector<16xf32>,
        tpu.vector_store %arg17[%swap3A_99, %swap3A_100], %sub3A {strides = array<i32>} : memref<64x16xf32, #tpu.memory_space<vmem>>, vector<16xf32>,
        %get3A_102 = arith.constant 1 : i32
        %get3A_103 = arith.index_cast %get3A_102 : i32 to index
        %get3A_104 = arith.constant 0 : index
        %get3A_105 = tpu.vector_load %arg17[%get3A_103, %get3A_104] {strides = array<i32>} : memref<64x16xf32, #tpu.memory_space<vmem>>, vector<16xf32>,
        %get3A_106 = arith.constant 1 : i32
        %get3A_107 = arith.index_cast %get3A_106 : i32 to index
        %get3A_108 = arith.constant 0 : index
        %get3A_109 = tpu.vector_load %arg19[%get3A_107, %get3A_108] {strides = array<i32>} : memref<64x16xf32, #tpu.memory_space<vmem>>, vector<16xf32>,
        %sub3A_110 = arith.subf %get3A_105, %get3A_109 : vector<16xf32>
        %swap3A_111 = arith.constant 1 : i32
        %swap3A_112 = arith.index_cast %swap3A_111 : i32 to index
        %swap3A_113 = arith.constant 0 : index
        %swap3A_114 = tpu.vector_load %arg17[%swap3A_112, %swap3A_113] {strides = array<i32>} : memref<64x16xf32, #tpu.memory_space<vmem>>, vector<16xf32>,
        tpu.vector_store %arg17[%swap3A_112, %swap3A_113], %sub3A_110 {strides = array<i32>} : memref<64x16xf32, #tpu.memory_space<vmem>>, vector<16xf32>,
        %get3A_115 = arith.constant 2 : i32
        %get3A_116 = arith.index_cast %get3A_115 : i32 to index
        %get3A_117 = arith.constant 0 : index
        %get3A_118 = tpu.vector_load %arg17[%get3A_116, %get3A_117] {strides = array<i32>} : memref<64x16xf32, #tpu.memory_space<vmem>>, vector<16xf32>,
        %get3A_119 = arith.constant 2 : i32
        %get3A_120 = arith.index_cast %get3A_119 : i32 to index
        %get3A_121 = arith.constant 0 : index
        %get3A_122 = tpu.vector_load %arg19[%get3A_120, %get3A_121] {strides = array<i32>} : memref<64x16xf32, #tpu.memory_space<vmem>>, vector<16xf32>,
        %sub3A_123 = arith.subf %get3A_118, %get3A_122 : vector<16xf32>
        %swap3A_124 = arith.constant 2 : i32
        %swap3A_125 = arith.index_cast %swap3A_124 : i32 to index
        %swap3A_126 = arith.constant 0 : index
        %swap3A_127 = tpu.vector_load %arg17[%swap3A_125, %swap3A_126] {strides = array<i32>} : memref<64x16xf32, #tpu.memory_space<vmem>>, vector<16xf32>,
        tpu.vector_store %arg17[%swap3A_125, %swap3A_126], %sub3A_123 {strides = array<i32>} : memref<64x16xf32, #tpu.memory_space<vmem>>, vector<16xf32>,
        %get3A_128 = arith.constant 3 : i32
        %get3A_129 = arith.index_cast %get3A_128 : i32 to index
        %get3A_130 = arith.constant 0 : index
        %get3A_131 = tpu.vector_load %arg17[%get3A_129, %get3A_130] {strides = array<i32>} : memref<64x16xf32, #tpu.memory_space<vmem>>, vector<16xf32>,
        %get3A_132 = arith.constant 3 : i32
        %get3A_133 = arith.index_cast %get3A_132 : i32 to index
        %get3A_134 = arith.constant 0 : index
        %get3A_135 = tpu.vector_load %arg19[%get3A_133, %get3A_134] {strides = array<i32>} : memref<64x16xf32, #tpu.memory_space<vmem>>, vector<16xf32>,
        %sub3A_136 = arith.subf %get3A_131, %get3A_135 : vector<16xf32>
        %swap3A_137 = arith.constant 3 : i32
        %swap3A_138 = arith.index_cast %swap3A_137 : i32 to index
        %swap3A_139 = arith.constant 0 : index
        %swap3A_140 = tpu.vector_load %arg17[%swap3A_138, %swap3A_139] {strides = array<i32>} : memref<64x16xf32, #tpu.memory_space<vmem>>, vector<16xf32>,
        tpu.vector_store %arg17[%swap3A_138, %swap3A_139], %sub3A_136 {strides = array<i32>} : memref<64x16xf32, #tpu.memory_space<vmem>>, vector<16xf32>,
        %get3A_141 = arith.constant 4 : i32
        %get3A_142 = arith.index_cast %get3A_141 : i32 to index
        %get3A_143 = arith.constant 0 : index
        %get3A_144 = tpu.vector_load %arg17[%get3A_142, %get3A_143] {strides = array<i32>} : memref<64x16xf32, #tpu.memory_space<vmem>>, vector<16xf32>,
        %get3A_145 = arith.constant 4 : i32
        %get3A_146 = arith.index_cast %get3A_145 : i32 to index
        %get3A_147 = arith.constant 0 : index
        %get3A_148 = tpu.vector_load %arg19[%get3A_146, %get3A_147] {strides = array<i32>} : memref<64x16xf32, #tpu.memory_space<vmem>>, vector<16xf32>,
        %sub3A_149 = arith.subf %get3A_144, %get3A_148 : vector<16xf32>
        %swap3A_150 = arith.constant 4 : i32
        %swap3A_151 = arith.index_cast %swap3A_150 : i32 to index
        %swap3A_152 = arith.constant 0 : index
        %swap3A_153 = tpu.vector_load %arg17[%swap3A_151, %swap3A_152] {strides = array<i32>} : memref<64x16xf32, #tpu.memory_space<vmem>>, vector<16xf32>,
        tpu.vector_store %arg17[%swap3A_151, %swap3A_152], %sub3A_149 {strides = array<i32>} : memref<64x16xf32, #tpu.memory_space<vmem>>, vector<16xf32>,
        %get3A_154 = arith.constant 5 : i32
        %get3A_155 = arith.index_cast %get3A_154 : i32 to index
        %get3A_156 = arith.constant 0 : index
        %get3A_157 = tpu.vector_load %arg17[%get3A_155, %get3A_156] {strides = array<i32>} : memref<64x16xf32, #tpu.memory_space<vmem>>, vector<16xf32>,
        %get3A_158 = arith.constant 5 : i32
        %get3A_159 = arith.index_cast %get3A_158 : i32 to index
        %get3A_160 = arith.constant 0 : index
        %get3A_161 = tpu.vector_load %arg19[%get3A_159, %get3A_160] {strides = array<i32>} : memref<64x16xf32, #tpu.memory_space<vmem>>, vector<16xf32>,
        %sub3A_162 = arith.subf %get3A_157, %get3A_161 : vector<16xf32>
        %swap3A_163 = arith.constant 5 : i32
        %swap3A_164 = arith.index_cast %swap3A_163 : i32 to index
        %swap3A_165 = arith.constant 0 : index
        %swap3A_166 = tpu.vector_load %arg17[%swap3A_164, %swap3A_165] {strides = array<i32>} : memref<64x16xf32, #tpu.memory_space<vmem>>, vector<16xf32>,
        tpu.vector_store %arg17[%swap3A_164, %swap3A_165], %sub3A_162 {strides = array<i32>} : memref<64x16xf32, #tpu.memory_space<vmem>>, vector<16xf32>,
        %get3A_167 = arith.constant 6 : i32
        %get3A_168 = arith.index_cast %get3A_167 : i32 to index
        %get3A_169 = arith.constant 0 : index
        %get3A_170 = tpu.vector_load %arg17[%get3A_168, %get3A_169] {strides = array<i32>} : memref<64x16xf32, #tpu.memory_space<vmem>>, vector<16xf32>,
        %get3A_171 = arith.constant 6 : i32
        %get3A_172 = arith.index_cast %get3A_171 : i32 to index
        %get3A_173 = arith.constant 0 : index
        %get3A_174 = tpu.vector_load %arg19[%get3A_172, %get3A_173] {strides = array<i32>} : memref<64x16xf32, #tpu.memory_space<vmem>>, vector<16xf32>,
        %sub3A_175 = arith.subf %get3A_170, %get3A_174 : vector<16xf32>
        %swap3A_176 = arith.constant 6 : i32
        %swap3A_177 = arith.index_cast %swap3A_176 : i32 to index
        %swap3A_178 = arith.constant 0 : index
        %swap3A_179 = tpu.vector_load %arg17[%swap3A_177, %swap3A_178] {strides = array<i32>} : memref<64x16xf32, #tpu.memory_space<vmem>>, vector<16xf32>,
        tpu.vector_store %arg17[%swap3A_177, %swap3A_178], %sub3A_175 {strides = array<i32>} : memref<64x16xf32, #tpu.memory_space<vmem>>, vector<16xf32>,
        %get3A_180 = arith.constant 7 : i32
        %get3A_181 = arith.index_cast %get3A_180 : i32 to index
        %get3A_182 = arith.constant 0 : index
        %get3A_183 = tpu.vector_load %arg17[%get3A_181, %get3A_182] {strides = array<i32>} : memref<64x16xf32, #tpu.memory_space<vmem>>, vector<16xf32>,
        %get3A_184 = arith.constant 7 : i32
        %get3A_185 = arith.index_cast %get3A_184 : i32 to index
        %get3A_186 = arith.constant 0 : index
        %get3A_187 = tpu.vector_load %arg19[%get3A_185, %get3A_186] {strides = array<i32>} : memref<64x16xf32, #tpu.memory_space<vmem>>, vector<16xf32>,
        %sub3A_188 = arith.subf %get3A_183, %get3A_187 : vector<16xf32>
        %swap3A_189 = arith.constant 7 : i32
        %swap3A_190 = arith.index_cast %swap3A_189 : i32 to index
        %swap3A_191 = arith.constant 0 : index
        %swap3A_192 = tpu.vector_load %arg17[%swap3A_190, %swap3A_191] {strides = array<i32>} : memref<64x16xf32, #tpu.memory_space<vmem>>, vector<16xf32>,
        tpu.vector_store %arg17[%swap3A_190, %swap3A_191], %sub3A_188 {strides = array<i32>} : memref<64x16xf32, #tpu.memory_space<vmem>>, vector<16xf32>,
        %get3A_193 = arith.constant 8 : i32
        %get3A_194 = arith.index_cast %get3A_193 : i32 to index
        %get3A_195 = arith.constant 0 : index
        %get3A_196 = tpu.vector_load %arg17[%get3A_194, %get3A_195] {strides = array<i32>} : memref<64x16xf32, #tpu.memory_space<vmem>>, vector<16xf32>,
        %get3A_197 = arith.constant 8 : i32
        %get3A_198 = arith.index_cast %get3A_197 : i32 to index
        %get3A_199 = arith.constant 0 : index
        %get3A_200 = tpu.vector_load %arg19[%get3A_198, %get3A_199] {strides = array<i32>} : memref<64x16xf32, #tpu.memory_space<vmem>>, vector<16xf32>,
        %sub3A_201 = arith.subf %get3A_196, %get3A_200 : vector<16xf32>
        %swap3A_202 = arith.constant 8 : i32
        %swap3A_203 = arith.index_cast %swap3A_202 : i32 to index
        %swap3A_204 = arith.constant 0 : index
        %swap3A_205 = tpu.vector_load %arg17[%swap3A_203, %swap3A_204] {strides = array<i32>} : memref<64x16xf32, #tpu.memory_space<vmem>>, vector<16xf32>,
        tpu.vector_store %arg17[%swap3A_203, %swap3A_204], %sub3A_201 {strides = array<i32>} : memref<64x16xf32, #tpu.memory_space<vmem>>, vector<16xf32>,
        %get3A_206 = arith.constant 9 : i32
        %get3A_207 = arith.index_cast %get3A_206 : i32 to index
        %get3A_208 = arith.constant 0 : index
        %get3A_209 = tpu.vector_load %arg17[%get3A_207, %get3A_208] {strides = array<i32>} : memref<64x16xf32, #tpu.memory_space<vmem>>, vector<16xf32>,
        %get3A_210 = arith.constant 9 : i32
        %get3A_211 = arith.index_cast %get3A_210 : i32 to index
        %get3A_212 = arith.constant 0 : index
        %get3A_213 = tpu.vector_load %arg19[%get3A_211, %get3A_212] {strides = array<i32>} : memref<64x16xf32, #tpu.memory_space<vmem>>, vector<16xf32>,
        %sub3A_214 = arith.subf %get3A_209, %get3A_213 : vector<16xf32>
        %swap3A_215 = arith.constant 9 : i32
        %swap3A_216 = arith.index_cast %swap3A_215 : i32 to index
        %swap3A_217 = arith.constant 0 : index
        %swap3A_218 = tpu.vector_load %arg17[%swap3A_216, %swap3A_217] {strides = array<i32>} : memref<64x16xf32, #tpu.memory_space<vmem>>, vector<16xf32>,
        tpu.vector_store %arg17[%swap3A_216, %swap3A_217], %sub3A_214 {strides = array<i32>} : memref<64x16xf32, #tpu.memory_space<vmem>>, vector<16xf32>,
        %get3A_219 = arith.constant 10 : i32
        %get3A_220 = arith.index_cast %get3A_219 : i32 to index
        %get3A_221 = arith.constant 0 : index
        %get3A_222 = tpu.vector_load %arg17[%get3A_220, %get3A_221] {strides = array<i32>} : memref<64x16xf32, #tpu.memory_space<vmem>>, vector<16xf32>,
        %get3A_223 = arith.constant 10 : i32
        %get3A_224 = arith.index_cast %get3A_223 : i32 to index
        %get3A_225 = arith.constant 0 : index
        %get3A_226 = tpu.vector_load %arg19[%get3A_224, %get3A_225] {strides = array<i32>} : memref<64x16xf32, #tpu.memory_space<vmem>>, vector<16xf32>,
        %sub3A_227 = arith.subf %get3A_222, %get3A_226 : vector<16xf32>
        %swap3A_228 = arith.constant 10 : i32
        %swap3A_229 = arith.index_cast %swap3A_228 : i32 to index
        %swap3A_230 = arith.constant 0 : index
        %swap3A_231 = tpu.vector_load %arg17[%swap3A_229, %swap3A_230] {strides = array<i32>} : memref<64x16xf32, #tpu.memory_space<vmem>>, vector<16xf32>,
        tpu.vector_store %arg17[%swap3A_229, %swap3A_230], %sub3A_227 {strides = array<i32>} : memref<64x16xf32, #tpu.memory_space<vmem>>, vector<16xf32>,
        %get3A_232 = arith.constant 11 : i32
        %get3A_233 = arith.index_cast %get3A_232 : i32 to index
        %get3A_234 = arith.constant 0 : index
        %get3A_235 = tpu.vector_load %arg17[%get3A_233, %get3A_234] {strides = array<i32>} : memref<64x16xf32, #tpu.memory_space<vmem>>, vector<16xf32>,
        %get3A_236 = arith.constant 11 : i32
        %get3A_237 = arith.index_cast %get3A_236 : i32 to index
        %get3A_238 = arith.constant 0 : index
        %get3A_239 = tpu.vector_load %arg19[%get3A_237, %get3A_238] {strides = array<i32>} : memref<64x16xf32, #tpu.memory_space<vmem>>, vector<16xf32>,
        %sub3A_240 = arith.subf %get3A_235, %get3A_239 : vector<16xf32>
        %swap3A_241 = arith.constant 11 : i32
        %swap3A_242 = arith.index_cast %swap3A_241 : i32 to index
        %swap3A_243 = arith.constant 0 : index
        %swap3A_244 = tpu.vector_load %arg17[%swap3A_242, %swap3A_243] {strides = array<i32>} : memref<64x16xf32, #tpu.memory_space<vmem>>, vector<16xf32>,
        tpu.vector_store %arg17[%swap3A_242, %swap3A_243], %sub3A_240 {strides = array<i32>} : memref<64x16xf32, #tpu.memory_space<vmem>>, vector<16xf32>,
        %get3A_245 = arith.constant 12 : i32
        %get3A_246 = arith.index_cast %get3A_245 : i32 to index
        %get3A_247 = arith.constant 0 : index
        %get3A_248 = tpu.vector_load %arg17[%get3A_246, %get3A_247] {strides = array<i32>} : memref<64x16xf32, #tpu.memory_space<vmem>>, vector<16xf32>,
        %get3A_249 = arith.constant 12 : i32
        %get3A_250 = arith.index_cast %get3A_249 : i32 to index
        %get3A_251 = arith.constant 0 : index
        %get3A_252 = tpu.vector_load %arg19[%get3A_250, %get3A_251] {strides = array<i32>} : memref<64x16xf32, #tpu.memory_space<vmem>>, vector<16xf32>,
        %sub3A_253 = arith.subf %get3A_248, %get3A_252 : vector<16xf32>
        %swap3A_254 = arith.constant 12 : i32
        %swap3A_255 = arith.index_cast %swap3A_254 : i32 to index
        %swap3A_256 = arith.constant 0 : index
        %swap3A_257 = tpu.vector_load %arg17[%swap3A_255, %swap3A_256] {strides = array<i32>} : memref<64x16xf32, #tpu.memory_space<vmem>>, vector<16xf32>,
        tpu.vector_store %arg17[%swap3A_255, %swap3A_256], %sub3A_253 {strides = array<i32>} : memref<64x16xf32, #tpu.memory_space<vmem>>, vector<16xf32>,
        %get3A_258 = arith.constant 13 : i32
        %get3A_259 = arith.index_cast %get3A_258 : i32 to index
        %get3A_260 = arith.constant 0 : index
        %get3A_261 = tpu.vector_load %arg17[%get3A_259, %get3A_260] {strides = array<i32>} : memref<64x16xf32, #tpu.memory_space<vmem>>, vector<16xf32>,
        %get3A_262 = arith.constant 13 : i32
        %get3A_263 = arith.index_cast %get3A_262 : i32 to index
        %get3A_264 = arith.constant 0 : index
        %get3A_265 = tpu.vector_load %arg19[%get3A_263, %get3A_264] {strides = array<i32>} : memref<64x16xf32, #tpu.memory_space<vmem>>, vector<16xf32>,
        %sub3A_266 = arith.subf %get3A_261, %get3A_265 : vector<16xf32>
        %swap3A_267 = arith.constant 13 : i32
        %swap3A_268 = arith.index_cast %swap3A_267 : i32 to index
        %swap3A_269 = arith.constant 0 : index
        %swap3A_270 = tpu.vector_load %arg17[%swap3A_268, %swap3A_269] {strides = array<i32>} : memref<64x16xf32, #tpu.memory_space<vmem>>, vector<16xf32>,
        tpu.vector_store %arg17[%swap3A_268, %swap3A_269], %sub3A_266 {strides = array<i32>} : memref<64x16xf32, #tpu.memory_space<vmem>>, vector<16xf32>,
        %get3A_271 = arith.constant 14 : i32
        %get3A_272 = arith.index_cast %get3A_271 : i32 to index
        %get3A_273 = arith.constant 0 : index
        %get3A_274 = tpu.vector_load %arg17[%get3A_272, %get3A_273] {strides = array<i32>} : memref<64x16xf32, #tpu.memory_space<vmem>>, vector<16xf32>,
        %get3A_275 = arith.constant 14 : i32
        %get3A_276 = arith.index_cast %get3A_275 : i32 to index
        %get3A_277 = arith.constant 0 : index
        %get3A_278 = tpu.vector_load %arg19[%get3A_276, %get3A_277] {strides = array<i32>} : memref<64x16xf32, #tpu.memory_space<vmem>>, vector<16xf32>,
        %sub3A_279 = arith.subf %get3A_274, %get3A_278 : vector<16xf32>
        %swap3A_280 = arith.constant 14 : i32
        %swap3A_281 = arith.index_cast %swap3A_280 : i32 to index
        %swap3A_282 = arith.constant 0 : index
        %swap3A_283 = tpu.vector_load %arg17[%swap3A_281, %swap3A_282] {strides = array<i32>} : memref<64x16xf32, #tpu.memory_space<vmem>>, vector<16xf32>,
        tpu.vector_store %arg17[%swap3A_281, %swap3A_282], %sub3A_279 {strides = array<i32>} : memref<64x16xf32, #tpu.memory_space<vmem>>, vector<16xf32>,
        %get3A_284 = arith.constant 15 : i32
        %get3A_285 = arith.index_cast %get3A_284 : i32 to index
        %get3A_286 = arith.constant 0 : index
        %get3A_287 = tpu.vector_load %arg17[%get3A_285, %get3A_286] {strides = array<i32>} : memref<64x16xf32, #tpu.memory_space<vmem>>, vector<16xf32>,
        %get3A_288 = arith.constant 15 : i32
        %get3A_289 = arith.index_cast %get3A_288 : i32 to index
        %get3A_290 = arith.constant 0 : index
        %get3A_291 = tpu.vector_load %arg19[%get3A_289, %get3A_290] {strides = array<i32>} : memref<64x16xf32, #tpu.memory_space<vmem>>, vector<16xf32>,
        %sub3A_292 = arith.subf %get3A_287, %get3A_291 : vector<16xf32>
        %swap3A_293 = arith.constant 15 : i32
        %swap3A_294 = arith.index_cast %swap3A_293 : i32 to index
        %swap3A_295 = arith.constant 0 : index
        %swap3A_296 = tpu.vector_load %arg17[%swap3A_294, %swap3A_295] {strides = array<i32>} : memref<64x16xf32, #tpu.memory_space<vmem>>, vector<16xf32>,
        tpu.vector_store %arg17[%swap3A_294, %swap3A_295], %sub3A_292 {strides = array<i32>} : memref<64x16xf32, #tpu.memory_space<vmem>>, vector<16xf32>,
        %get3A_297 = arith.constant 16 : i32
        %get3A_298 = arith.index_cast %get3A_297 : i32 to index
        %get3A_299 = arith.constant 0 : index
        %get3A_300 = tpu.vector_load %arg17[%get3A_298, %get3A_299] {strides = array<i32>} : memref<64x16xf32, #tpu.memory_space<vmem>>, vector<16xf32>,
        %get3A_301 = arith.constant 16 : i32
        %get3A_302 = arith.index_cast %get3A_301 : i32 to index
        %get3A_303 = arith.constant 0 : index
        %get3A_304 = tpu.vector_load %arg19[%get3A_302, %get3A_303] {strides = array<i32>} : memref<64x16xf32, #tpu.memory_space<vmem>>, vector<16xf32>,
        %sub3A_305 = arith.subf %get3A_300, %get3A_304 : vector<16xf32>
        %swap3A_306 = arith.constant 16 : i32
        %swap3A_307 = arith.index_cast %swap3A_306 : i32 to index
        %swap3A_308 = arith.constant 0 : index
        %swap3A_309 = tpu.vector_load %arg17[%swap3A_307, %swap3A_308] {strides = array<i32>} : memref<64x16xf32, #tpu.memory_space<vmem>>, vector<16xf32>,
        tpu.vector_store %arg17[%swap3A_307, %swap3A_308], %sub3A_305 {strides = array<i32>} : memref<64x16xf32, #tpu.memory_space<vmem>>, vector<16xf32>,
        %get3A_310 = arith.constant 17 : i32
        %get3A_311 = arith.index_cast %get3A_310 : i32 to index
        %get3A_312 = arith.constant 0 : index
        %get3A_313 = tpu.vector_load %arg17[%get3A_311, %get3A_312] {strides = array<i32>} : memref<64x16xf32, #tpu.memory_space<vmem>>, vector<16xf32>,
        %get3A_314 = arith.constant 17 : i32
        %get3A_315 = arith.index_cast %get3A_314 : i32 to index
        %get3A_316 = arith.constant 0 : index
        %get3A_317 = tpu.vector_load %arg19[%get3A_315, %get3A_316] {strides = array<i32>} : memref<64x16xf32, #tpu.memory_space<vmem>>, vector<16xf32>,
        %sub3A_318 = arith.subf %get3A_313, %get3A_317 : vector<16xf32>
        %swap3A_319 = arith.constant 17 : i32
        %swap3A_320 = arith.index_cast %swap3A_319 : i32 to index
        %swap3A_321 = arith.constant 0 : index
        %swap3A_322 = tpu.vector_load %arg17[%swap3A_320, %swap3A_321] {strides = array<i32>} : memref<64x16xf32, #tpu.memory_space<vmem>>, vector<16xf32>,
        tpu.vector_store %arg17[%swap3A_320, %swap3A_321], %sub3A_318 {strides = array<i32>} : memref<64x16xf32, #tpu.memory_space<vmem>>, vector<16xf32>,
        %get3A_323 = arith.constant 18 : i32
        %get3A_324 = arith.index_cast %get3A_323 : i32 to index
        %get3A_325 = arith.constant 0 : index
        %get3A_326 = tpu.vector_load %arg17[%get3A_324, %get3A_325] {strides = array<i32>} : memref<64x16xf32, #tpu.memory_space<vmem>>, vector<16xf32>,
        %get3A_327 = arith.constant 18 : i32
        %get3A_328 = arith.index_cast %get3A_327 : i32 to index
        %get3A_329 = arith.constant 0 : index
        %get3A_330 = tpu.vector_load %arg19[%get3A_328, %get3A_329] {strides = array<i32>} : memref<64x16xf32, #tpu.memory_space<vmem>>, vector<16xf32>,
        %sub3A_331 = arith.subf %get3A_326, %get3A_330 : vector<16xf32>
        %swap3A_332 = arith.constant 18 : i32
        %swap3A_333 = arith.index_cast %swap3A_332 : i32 to index
        %swap3A_334 = arith.constant 0 : index
        %swap3A_335 = tpu.vector_load %arg17[%swap3A_333, %swap3A_334] {strides = array<i32>} : memref<64x16xf32, #tpu.memory_space<vmem>>, vector<16xf32>,
        tpu.vector_store %arg17[%swap3A_333, %swap3A_334], %sub3A_331 {strides = array<i32>} : memref<64x16xf32, #tpu.memory_space<vmem>>, vector<16xf32>,
        %get3A_336 = arith.constant 19 : i32
        %get3A_337 = arith.index_cast %get3A_336 : i32 to index
        %get3A_338 = arith.constant 0 : index
        %get3A_339 = tpu.vector_load %arg17[%get3A_337, %get3A_338] {strides = array<i32>} : memref<64x16xf32, #tpu.memory_space<vmem>>, vector<16xf32>,
        %get3A_340 = arith.constant 19 : i32
        %get3A_341 = arith.index_cast %get3A_340 : i32 to index
        %get3A_342 = arith.constant 0 : index
        %get3A_343 = tpu.vector_load %arg19[%get3A_341, %get3A_342] {strides = array<i32>} : memref<64x16xf32, #tpu.memory_space<vmem>>, vector<16xf32>,
        %sub3A_344 = arith.subf %get3A_339, %get3A_343 : vector<16xf32>
        %swap3A_345 = arith.constant 19 : i32
        %swap3A_346 = arith.index_cast %swap3A_345 : i32 to index
        %swap3A_347 = arith.constant 0 : index
        %swap3A_348 = tpu.vector_load %arg17[%swap3A_346, %swap3A_347] {strides = array<i32>} : memref<64x16xf32, #tpu.memory_space<vmem>>, vector<16xf32>,
        tpu.vector_store %arg17[%swap3A_346, %swap3A_347], %sub3A_344 {strides = array<i32>} : memref<64x16xf32, #tpu.memory_space<vmem>>, vector<16xf32>,
        %get3A_349 = arith.constant 20 : i32
        %get3A_350 = arith.index_cast %get3A_349 : i32 to index
        %get3A_351 = arith.constant 0 : index
        %get3A_352 = tpu.vector_load %arg17[%get3A_350, %get3A_351] {strides = array<i32>} : memref<64x16xf32, #tpu.memory_space<vmem>>, vector<16xf32>,
        %get3A_353 = arith.constant 20 : i32
        %get3A_354 = arith.index_cast %get3A_353 : i32 to index
        %get3A_355 = arith.constant 0 : index
        %get3A_356 = tpu.vector_load %arg19[%get3A_354, %get3A_355] {strides = array<i32>} : memref<64x16xf32, #tpu.memory_space<vmem>>, vector<16xf32>,
        %sub3A_357 = arith.subf %get3A_352, %get3A_356 : vector<16xf32>
        %swap3A_358 = arith.constant 20 : i32
        %swap3A_359 = arith.index_cast %swap3A_358 : i32 to index
        %swap3A_360 = arith.constant 0 : index
        %swap3A_361 = tpu.vector_load %arg17[%swap3A_359, %swap3A_360] {strides = array<i32>} : memref<64x16xf32, #tpu.memory_space<vmem>>, vector<16xf32>,
        tpu.vector_store %arg17[%swap3A_359, %swap3A_360], %sub3A_357 {strides = array<i32>} : memref<64x16xf32, #tpu.memory_space<vmem>>, vector<16xf32>,
        %get3A_362 = arith.constant 21 : i32
        %get3A_363 = arith.index_cast %get3A_362 : i32 to index
        %get3A_364 = arith.constant 0 : index
        %get3A_365 = tpu.vector_load %arg17[%get3A_363, %get3A_364] {strides = array<i32>} : memref<64x16xf32, #tpu.memory_space<vmem>>, vector<16xf32>,
        %get3A_366 = arith.constant 21 : i32
        %get3A_367 = arith.index_cast %get3A_366 : i32 to index
        %get3A_368 = arith.constant 0 : index
        %get3A_369 = tpu.vector_load %arg19[%get3A_367, %get3A_368] {strides = array<i32>} : memref<64x16xf32, #tpu.memory_space<vmem>>, vector<16xf32>,
        %sub3A_370 = arith.subf %get3A_365, %get3A_369 : vector<16xf32>
        %swap3A_371 = arith.constant 21 : i32
        %swap3A_372 = arith.index_cast %swap3A_371 : i32 to index
        %swap3A_373 = arith.constant 0 : index
        %swap3A_374 = tpu.vector_load %arg17[%swap3A_372, %swap3A_373] {strides = array<i32>} : memref<64x16xf32, #tpu.memory_space<vmem>>, vector<16xf32>,
        tpu.vector_store %arg17[%swap3A_372, %swap3A_373], %sub3A_370 {strides = array<i32>} : memref<64x16xf32, #tpu.memory_space<vmem>>, vector<16xf32>,
        %get3A_375 = arith.constant 22 : i32
        %get3A_376 = arith.index_cast %get3A_375 : i32 to index
        %get3A_377 = arith.constant 0 : index
        %get3A_378 = tpu.vector_load %arg17[%get3A_376, %get3A_377] {strides = array<i32>} : memref<64x16xf32, #tpu.memory_space<vmem>>, vector<16xf32>,
        %get3A_379 = arith.constant 22 : i32
        %get3A_380 = arith.index_cast %get3A_379 : i32 to index
        %get3A_381 = arith.constant 0 : index
        %get3A_382 = tpu.vector_load %arg19[%get3A_380, %get3A_381] {strides = array<i32>} : memref<64x16xf32, #tpu.memory_space<vmem>>, vector<16xf32>,
        %sub3A_383 = arith.subf %get3A_378, %get3A_382 : vector<16xf32>
        %swap3A_384 = arith.constant 22 : i32
        %swap3A_385 = arith.index_cast %swap3A_384 : i32 to index
        %swap3A_386 = arith.constant 0 : index
        %swap3A_387 = tpu.vector_load %arg17[%swap3A_385, %swap3A_386] {strides = array<i32>} : memref<64x16xf32, #tpu.memory_space<vmem>>, vector<16xf32>,
        tpu.vector_store %arg17[%swap3A_385, %swap3A_386], %sub3A_383 {strides = array<i32>} : memref<64x16xf32, #tpu.memory_space<vmem>>, vector<16xf32>,
        %get3A_388 = arith.constant 23 : i32
        %get3A_389 = arith.index_cast %get3A_388 : i32 to index
        %get3A_390 = arith.constant 0 : index
        %get3A_391 = tpu.vector_load %arg17[%get3A_389, %get3A_390] {strides = array<i32>} : memref<64x16xf32, #tpu.memory_space<vmem>>, vector<16xf32>,
        %get3A_392 = arith.constant 23 : i32
        %get3A_393 = arith.index_cast %get3A_392 : i32 to index
        %get3A_394 = arith.constant 0 : index
        %get3A_395 = tpu.vector_load %arg19[%get3A_393, %get3A_394] {strides = array<i32>} : memref<64x16xf32, #tpu.memory_space<vmem>>, vector<16xf32>,
        %sub3A_396 = arith.subf %get3A_391, %get3A_395 : vector<16xf32>
        %swap3A_397 = arith.constant 23 : i32
        %swap3A_398 = arith.index_cast %swap3A_397 : i32 to index
        %swap3A_399 = arith.constant 0 : index
        %swap3A_400 = tpu.vector_load %arg17[%swap3A_398, %swap3A_399] {strides = array<i32>} : memref<64x16xf32, #tpu.memory_space<vmem>>, vector<16xf32>,
        tpu.vector_store %arg17[%swap3A_398, %swap3A_399], %sub3A_396 {strides = array<i32>} : memref<64x16xf32, #tpu.memory_space<vmem>>, vector<16xf32>,
        %get3A_401 = arith.constant 24 : i32
        %get3A_402 = arith.index_cast %get3A_401 : i32 to index
        %get3A_403 = arith.constant 0 : index
        %get3A_404 = tpu.vector_load %arg17[%get3A_402, %get3A_403] {strides = array<i32>} : memref<64x16xf32, #tpu.memory_space<vmem>>, vector<16xf32>,
        %get3A_405 = arith.constant 24 : i32
        %get3A_406 = arith.index_cast %get3A_405 : i32 to index
        %get3A_407 = arith.constant 0 : index
        %get3A_408 = tpu.vector_load %arg19[%get3A_406, %get3A_407] {strides = array<i32>} : memref<64x16xf32, #tpu.memory_space<vmem>>, vector<16xf32>,
        %sub3A_409 = arith.subf %get3A_404, %get3A_408 : vector<16xf32>
        %swap3A_410 = arith.constant 24 : i32
        %swap3A_411 = arith.index_cast %swap3A_410 : i32 to index
        %swap3A_412 = arith.constant 0 : index
        %swap3A_413 = tpu.vector_load %arg17[%swap3A_411, %swap3A_412] {strides = array<i32>} : memref<64x16xf32, #tpu.memory_space<vmem>>, vector<16xf32>,
        tpu.vector_store %arg17[%swap3A_411, %swap3A_412], %sub3A_409 {strides = array<i32>} : memref<64x16xf32, #tpu.memory_space<vmem>>, vector<16xf32>,
        %get3A_414 = arith.constant 25 : i32
        %get3A_415 = arith.index_cast %get3A_414 : i32 to index
        %get3A_416 = arith.constant 0 : index
        %get3A_417 = tpu.vector_load %arg17[%get3A_415, %get3A_416] {strides = array<i32>} : memref<64x16xf32, #tpu.memory_space<vmem>>, vector<16xf32>,
        %get3A_418 = arith.constant 25 : i32
        %get3A_419 = arith.index_cast %get3A_418 : i32 to index
        %get3A_420 = arith.constant 0 : index
        %get3A_421 = tpu.vector_load %arg19[%get3A_419, %get3A_420] {strides = array<i32>} : memref<64x16xf32, #tpu.memory_space<vmem>>, vector<16xf32>,
        %sub3A_422 = arith.subf %get3A_417, %get3A_421 : vector<16xf32>
        %swap3A_423 = arith.constant 25 : i32
        %swap3A_424 = arith.index_cast %swap3A_423 : i32 to index
        %swap3A_425 = arith.constant 0 : index
        %swap3A_426 = tpu.vector_load %arg17[%swap3A_424, %swap3A_425] {strides = array<i32>} : memref<64x16xf32, #tpu.memory_space<vmem>>, vector<16xf32>,
        tpu.vector_store %arg17[%swap3A_424, %swap3A_425], %sub3A_422 {strides = array<i32>} : memref<64x16xf32, #tpu.memory_space<vmem>>, vector<16xf32>,
        %get3A_427 = arith.constant 26 : i32
        %get3A_428 = arith.index_cast %get3A_427 : i32 to index
        %get3A_429 = arith.constant 0 : index
        %get3A_430 = tpu.vector_load %arg17[%get3A_428, %get3A_429] {strides = array<i32>} : memref<64x16xf32, #tpu.memory_space<vmem>>, vector<16xf32>,
        %get3A_431 = arith.constant 26 : i32
        %get3A_432 = arith.index_cast %get3A_431 : i32 to index
        %get3A_433 = arith.constant 0 : index
        %get3A_434 = tpu.vector_load %arg19[%get3A_432, %get3A_433] {strides = array<i32>} : memref<64x16xf32, #tpu.memory_space<vmem>>, vector<16xf32>,
        %sub3A_435 = arith.subf %get3A_430, %get3A_434 : vector<16xf32>
        %swap3A_436 = arith.constant 26 : i32
        %swap3A_437 = arith.index_cast %swap3A_436 : i32 to index
        %swap3A_438 = arith.constant 0 : index
        %swap3A_439 = tpu.vector_load %arg17[%swap3A_437, %swap3A_438] {strides = array<i32>} : memref<64x16xf32, #tpu.memory_space<vmem>>, vector<16xf32>,
        tpu.vector_store %arg17[%swap3A_437, %swap3A_438], %sub3A_435 {strides = array<i32>} : memref<64x16xf32, #tpu.memory_space<vmem>>, vector<16xf32>,
        %get3A_440 = arith.constant 27 : i32
        %get3A_441 = arith.index_cast %get3A_440 : i32 to index
        %get3A_442 = arith.constant 0 : index
        %get3A_443 = tpu.vector_load %arg17[%get3A_441, %get3A_442] {strides = array<i32>} : memref<64x16xf32, #tpu.memory_space<vmem>>, vector<16xf32>,
        %get3A_444 = arith.constant 27 : i32
        %get3A_445 = arith.index_cast %get3A_444 : i32 to index
        %get3A_446 = arith.constant 0 : index
        %get3A_447 = tpu.vector_load %arg19[%get3A_445, %get3A_446] {strides = array<i32>} : memref<64x16xf32, #tpu.memory_space<vmem>>, vector<16xf32>,
        %sub3A_448 = arith.subf %get3A_443, %get3A_447 : vector<16xf32>
        %swap3A_449 = arith.constant 27 : i32
        %swap3A_450 = arith.index_cast %swap3A_449 : i32 to index
        %swap3A_451 = arith.constant 0 : index
        %swap3A_452 = tpu.vector_load %arg17[%swap3A_450, %swap3A_451] {strides = array<i32>} : memref<64x16xf32, #tpu.memory_space<vmem>>, vector<16xf32>,
        tpu.vector_store %arg17[%swap3A_450, %swap3A_451], %sub3A_448 {strides = array<i32>} : memref<64x16xf32, #tpu.memory_space<vmem>>, vector<16xf32>,
        %get3A_453 = arith.constant 28 : i32
        %get3A_454 = arith.index_cast %get3A_453 : i32 to index
        %get3A_455 = arith.constant 0 : index
        %get3A_456 = tpu.vector_load %arg17[%get3A_454, %get3A_455] {strides = array<i32>} : memref<64x16xf32, #tpu.memory_space<vmem>>, vector<16xf32>,
        %get3A_457 = arith.constant 28 : i32
        %get3A_458 = arith.index_cast %get3A_457 : i32 to index
        %get3A_459 = arith.constant 0 : index
        %get3A_460 = tpu.vector_load %arg19[%get3A_458, %get3A_459] {strides = array<i32>} : memref<64x16xf32, #tpu.memory_space<vmem>>, vector<16xf32>,
        %sub3A_461 = arith.subf %get3A_456, %get3A_460 : vector<16xf32>
        %swap3A_462 = arith.constant 28 : i32
        %swap3A_463 = arith.index_cast %swap3A_462 : i32 to index
        %swap3A_464 = arith.constant 0 : index
        %swap3A_465 = tpu.vector_load %arg17[%swap3A_463, %swap3A_464] {strides = array<i32>} : memref<64x16xf32, #tpu.memory_space<vmem>>, vector<16xf32>,
        tpu.vector_store %arg17[%swap3A_463, %swap3A_464], %sub3A_461 {strides = array<i32>} : memref<64x16xf32, #tpu.memory_space<vmem>>, vector<16xf32>,
        %get3A_466 = arith.constant 29 : i32
        %get3A_467 = arith.index_cast %get3A_466 : i32 to index
        %get3A_468 = arith.constant 0 : index
        %get3A_469 = tpu.vector_load %arg17[%get3A_467, %get3A_468] {strides = array<i32>} : memref<64x16xf32, #tpu.memory_space<vmem>>, vector<16xf32>,
        %get3A_470 = arith.constant 29 : i32
        %get3A_471 = arith.index_cast %get3A_470 : i32 to index
        %get3A_472 = arith.constant 0 : index
        %get3A_473 = tpu.vector_load %arg19[%get3A_471, %get3A_472] {strides = array<i32>} : memref<64x16xf32, #tpu.memory_space<vmem>>, vector<16xf32>,
        %sub3A_474 = arith.subf %get3A_469, %get3A_473 : vector<16xf32>
        %swap3A_475 = arith.constant 29 : i32
        %swap3A_476 = arith.index_cast %swap3A_475 : i32 to index
        %swap3A_477 = arith.constant 0 : index
        %swap3A_478 = tpu.vector_load %arg17[%swap3A_476, %swap3A_477] {strides = array<i32>} : memref<64x16xf32, #tpu.memory_space<vmem>>, vector<16xf32>,
        tpu.vector_store %arg17[%swap3A_476, %swap3A_477], %sub3A_474 {strides = array<i32>} : memref<64x16xf32, #tpu.memory_space<vmem>>, vector<16xf32>,
        %get3A_479 = arith.constant 30 : i32
        %get3A_480 = arith.index_cast %get3A_479 : i32 to index
        %get3A_481 = arith.constant 0 : index
        %get3A_482 = tpu.vector_load %arg17[%get3A_480, %get3A_481] {strides = array<i32>} : memref<64x16xf32, #tpu.memory_space<vmem>>, vector<16xf32>,
        %get3A_483 = arith.constant 30 : i32
        %get3A_484 = arith.index_cast %get3A_483 : i32 to index
        %get3A_485 = arith.constant 0 : index
        %get3A_486 = tpu.vector_load %arg19[%get3A_484, %get3A_485] {strides = array<i32>} : memref<64x16xf32, #tpu.memory_space<vmem>>, vector<16xf32>,
        %sub3A_487 = arith.subf %get3A_482, %get3A_486 : vector<16xf32>
        %swap3A_488 = arith.constant 30 : i32
        %swap3A_489 = arith.index_cast %swap3A_488 : i32 to index
        %swap3A_490 = arith.constant 0 : index
        %swap3A_491 = tpu.vector_load %arg17[%swap3A_489, %swap3A_490] {strides = array<i32>} : memref<64x16xf32, #tpu.memory_space<vmem>>, vector<16xf32>,
        tpu.vector_store %arg17[%swap3A_489, %swap3A_490], %sub3A_487 {strides = array<i32>} : memref<64x16xf32, #tpu.memory_space<vmem>>, vector<16xf32>,
        %get3A_492 = arith.constant 31 : i32
        %get3A_493 = arith.index_cast %get3A_492 : i32 to index
        %get3A_494 = arith.constant 0 : index
        %get3A_495 = tpu.vector_load %arg17[%get3A_493, %get3A_494] {strides = array<i32>} : memref<64x16xf32, #tpu.memory_space<vmem>>, vector<16xf32>,
        %get3A_496 = arith.constant 31 : i32
        %get3A_497 = arith.index_cast %get3A_496 : i32 to index
        %get3A_498 = arith.constant 0 : index
        %get3A_499 = tpu.vector_load %arg19[%get3A_497, %get3A_498] {strides = array<i32>} : memref<64x16xf32, #tpu.memory_space<vmem>>, vector<16xf32>,
        %sub3A_500 = arith.subf %get3A_495, %get3A_499 : vector<16xf32>
        %swap3A_501 = arith.constant 31 : i32
        %swap3A_502 = arith.index_cast %swap3A_501 : i32 to index
        %swap3A_503 = arith.constant 0 : index
        %swap3A_504 = tpu.vector_load %arg17[%swap3A_502, %swap3A_503] {strides = array<i32>} : memref<64x16xf32, #tpu.memory_space<vmem>>, vector<16xf32>,
        tpu.vector_store %arg17[%swap3A_502, %swap3A_503], %sub3A_500 {strides = array<i32>} : memref<64x16xf32, #tpu.memory_space<vmem>>, vector<16xf32>,
        %get3A_505 = arith.constant 32 : i32
        %get3A_506 = arith.index_cast %get3A_505 : i32 to index
        %get3A_507 = arith.constant 0 : index
        %get3A_508 = tpu.vector_load %arg17[%get3A_506, %get3A_507] {strides = array<i32>} : memref<64x16xf32, #tpu.memory_space<vmem>>, vector<16xf32>,
        %get3A_509 = arith.constant 32 : i32
        %get3A_510 = arith.index_cast %get3A_509 : i32 to index
        %get3A_511 = arith.constant 0 : index
        %get3A_512 = tpu.vector_load %arg19[%get3A_510, %get3A_511] {strides = array<i32>} : memref<64x16xf32, #tpu.memory_space<vmem>>, vector<16xf32>,
        %sub3A_513 = arith.subf %get3A_508, %get3A_512 : vector<16xf32>
        %swap3A_514 = arith.constant 32 : i32
        %swap3A_515 = arith.index_cast %swap3A_514 : i32 to index
        %swap3A_516 = arith.constant 0 : index
        %swap3A_517 = tpu.vector_load %arg17[%swap3A_515, %swap3A_516] {strides = array<i32>} : memref<64x16xf32, #tpu.memory_space<vmem>>, vector<16xf32>,
        tpu.vector_store %arg17[%swap3A_515, %swap3A_516], %sub3A_513 {strides = array<i32>} : memref<64x16xf32, #tpu.memory_space<vmem>>, vector<16xf32>,
        %get3A_518 = arith.constant 33 : i32
        %get3A_519 = arith.index_cast %get3A_518 : i32 to index
        %get3A_520 = arith.constant 0 : index
        %get3A_521 = tpu.vector_load %arg17[%get3A_519, %get3A_520] {strides = array<i32>} : memref<64x16xf32, #tpu.memory_space<vmem>>, vector<16xf32>,
        %get3A_522 = arith.constant 33 : i32
        %get3A_523 = arith.index_cast %get3A_522 : i32 to index
        %get3A_524 = arith.constant 0 : index
        %get3A_525 = tpu.vector_load %arg19[%get3A_523, %get3A_524] {strides = array<i32>} : memref<64x16xf32, #tpu.memory_space<vmem>>, vector<16xf32>,
        %sub3A_526 = arith.subf %get3A_521, %get3A_525 : vector<16xf32>
        %swap3A_527 = arith.constant 33 : i32
        %swap3A_528 = arith.index_cast %swap3A_527 : i32 to index
        %swap3A_529 = arith.constant 0 : index
        %swap3A_530 = tpu.vector_load %arg17[%swap3A_528, %swap3A_529] {strides = array<i32>} : memref<64x16xf32, #tpu.memory_space<vmem>>, vector<16xf32>,
        tpu.vector_store %arg17[%swap3A_528, %swap3A_529], %sub3A_526 {strides = array<i32>} : memref<64x16xf32, #tpu.memory_space<vmem>>, vector<16xf32>,
        %get3A_531 = arith.constant 34 : i32
        %get3A_532 = arith.index_cast %get3A_531 : i32 to index
        %get3A_533 = arith.constant 0 : index
        %get3A_534 = tpu.vector_load %arg17[%get3A_532, %get3A_533] {strides = array<i32>} : memref<64x16xf32, #tpu.memory_space<vmem>>, vector<16xf32>,
        %get3A_535 = arith.constant 34 : i32
        %get3A_536 = arith.index_cast %get3A_535 : i32 to index
        %get3A_537 = arith.constant 0 : index
        %get3A_538 = tpu.vector_load %arg19[%get3A_536, %get3A_537] {strides = array<i32>} : memref<64x16xf32, #tpu.memory_space<vmem>>, vector<16xf32>,
        %sub3A_539 = arith.subf %get3A_534, %get3A_538 : vector<16xf32>
        %swap3A_540 = arith.constant 34 : i32
        %swap3A_541 = arith.index_cast %swap3A_540 : i32 to index
        %swap3A_542 = arith.constant 0 : index
        %swap3A_543 = tpu.vector_load %arg17[%swap3A_541, %swap3A_542] {strides = array<i32>} : memref<64x16xf32, #tpu.memory_space<vmem>>, vector<16xf32>,
        tpu.vector_store %arg17[%swap3A_541, %swap3A_542], %sub3A_539 {strides = array<i32>} : memref<64x16xf32, #tpu.memory_space<vmem>>, vector<16xf32>,
        %get3A_544 = arith.constant 35 : i32
        %get3A_545 = arith.index_cast %get3A_544 : i32 to index
        %get3A_546 = arith.constant 0 : index
        %get3A_547 = tpu.vector_load %arg17[%get3A_545, %get3A_546] {strides = array<i32>} : memref<64x16xf32, #tpu.memory_space<vmem>>, vector<16xf32>,
        %get3A_548 = arith.constant 35 : i32
        %get3A_549 = arith.index_cast %get3A_548 : i32 to index
        %get3A_550 = arith.constant 0 : index
        %get3A_551 = tpu.vector_load %arg19[%get3A_549, %get3A_550] {strides = array<i32>} : memref<64x16xf32, #tpu.memory_space<vmem>>, vector<16xf32>,
        %sub3A_552 = arith.subf %get3A_547, %get3A_551 : vector<16xf32>
        %swap3A_553 = arith.constant 35 : i32
        %swap3A_554 = arith.index_cast %swap3A_553 : i32 to index
        %swap3A_555 = arith.constant 0 : index
        %swap3A_556 = tpu.vector_load %arg17[%swap3A_554, %swap3A_555] {strides = array<i32>} : memref<64x16xf32, #tpu.memory_space<vmem>>, vector<16xf32>,
        tpu.vector_store %arg17[%swap3A_554, %swap3A_555], %sub3A_552 {strides = array<i32>} : memref<64x16xf32, #tpu.memory_space<vmem>>, vector<16xf32>,
        %get3A_557 = arith.constant 36 : i32
        %get3A_558 = arith.index_cast %get3A_557 : i32 to index
        %get3A_559 = arith.constant 0 : index
        %get3A_560 = tpu.vector_load %arg17[%get3A_558, %get3A_559] {strides = array<i32>} : memref<64x16xf32, #tpu.memory_space<vmem>>, vector<16xf32>,
        %get3A_561 = arith.constant 36 : i32
        %get3A_562 = arith.index_cast %get3A_561 : i32 to index
        %get3A_563 = arith.constant 0 : index
        %get3A_564 = tpu.vector_load %arg19[%get3A_562, %get3A_563] {strides = array<i32>} : memref<64x16xf32, #tpu.memory_space<vmem>>, vector<16xf32>,
        %sub3A_565 = arith.subf %get3A_560, %get3A_564 : vector<16xf32>
        %swap3A_566 = arith.constant 36 : i32
        %swap3A_567 = arith.index_cast %swap3A_566 : i32 to index
        %swap3A_568 = arith.constant 0 : index
        %swap3A_569 = tpu.vector_load %arg17[%swap3A_567, %swap3A_568] {strides = array<i32>} : memref<64x16xf32, #tpu.memory_space<vmem>>, vector<16xf32>,
        tpu.vector_store %arg17[%swap3A_567, %swap3A_568], %sub3A_565 {strides = array<i32>} : memref<64x16xf32, #tpu.memory_space<vmem>>, vector<16xf32>,
        %get3A_570 = arith.constant 37 : i32
        %get3A_571 = arith.index_cast %get3A_570 : i32 to index
        %get3A_572 = arith.constant 0 : index
        %get3A_573 = tpu.vector_load %arg17[%get3A_571, %get3A_572] {strides = array<i32>} : memref<64x16xf32, #tpu.memory_space<vmem>>, vector<16xf32>,
        %get3A_574 = arith.constant 37 : i32
        %get3A_575 = arith.index_cast %get3A_574 : i32 to index
        %get3A_576 = arith.constant 0 : index
        %get3A_577 = tpu.vector_load %arg19[%get3A_575, %get3A_576] {strides = array<i32>} : memref<64x16xf32, #tpu.memory_space<vmem>>, vector<16xf32>,
        %sub3A_578 = arith.subf %get3A_573, %get3A_577 : vector<16xf32>
        %swap3A_579 = arith.constant 37 : i32
        %swap3A_580 = arith.index_cast %swap3A_579 : i32 to index
        %swap3A_581 = arith.constant 0 : index
        %swap3A_582 = tpu.vector_load %arg17[%swap3A_580, %swap3A_581] {strides = array<i32>} : memref<64x16xf32, #tpu.memory_space<vmem>>, vector<16xf32>,
        tpu.vector_store %arg17[%swap3A_580, %swap3A_581], %sub3A_578 {strides = array<i32>} : memref<64x16xf32, #tpu.memory_space<vmem>>, vector<16xf32>,
        %get3A_583 = arith.constant 38 : i32
        %get3A_584 = arith.index_cast %get3A_583 : i32 to index
        %get3A_585 = arith.constant 0 : index
        %get3A_586 = tpu.vector_load %arg17[%get3A_584, %get3A_585] {strides = array<i32>} : memref<64x16xf32, #tpu.memory_space<vmem>>, vector<16xf32>,
        %get3A_587 = arith.constant 38 : i32
        %get3A_588 = arith.index_cast %get3A_587 : i32 to index
        %get3A_589 = arith.constant 0 : index
        %get3A_590 = tpu.vector_load %arg19[%get3A_588, %get3A_589] {strides = array<i32>} : memref<64x16xf32, #tpu.memory_space<vmem>>, vector<16xf32>,
        %sub3A_591 = arith.subf %get3A_586, %get3A_590 : vector<16xf32>
        %swap3A_592 = arith.constant 38 : i32
        %swap3A_593 = arith.index_cast %swap3A_592 : i32 to index
        %swap3A_594 = arith.constant 0 : index
        %swap3A_595 = tpu.vector_load %arg17[%swap3A_593, %swap3A_594] {strides = array<i32>} : memref<64x16xf32, #tpu.memory_space<vmem>>, vector<16xf32>,
        tpu.vector_store %arg17[%swap3A_593, %swap3A_594], %sub3A_591 {strides = array<i32>} : memref<64x16xf32, #tpu.memory_space<vmem>>, vector<16xf32>,
        %get3A_596 = arith.constant 39 : i32
        %get3A_597 = arith.index_cast %get3A_596 : i32 to index
        %get3A_598 = arith.constant 0 : index
        %get3A_599 = tpu.vector_load %arg17[%get3A_597, %get3A_598] {strides = array<i32>} : memref<64x16xf32, #tpu.memory_space<vmem>>, vector<16xf32>,
        %get3A_600 = arith.constant 39 : i32
        %get3A_601 = arith.index_cast %get3A_600 : i32 to index
        %get3A_602 = arith.constant 0 : index
        %get3A_603 = tpu.vector_load %arg19[%get3A_601, %get3A_602] {strides = array<i32>} : memref<64x16xf32, #tpu.memory_space<vmem>>, vector<16xf32>,
        %sub3A_604 = arith.subf %get3A_599, %get3A_603 : vector<16xf32>
        %swap3A_605 = arith.constant 39 : i32
        %swap3A_606 = arith.index_cast %swap3A_605 : i32 to index
        %swap3A_607 = arith.constant 0 : index
        %swap3A_608 = tpu.vector_load %arg17[%swap3A_606, %swap3A_607] {strides = array<i32>} : memref<64x16xf32, #tpu.memory_space<vmem>>, vector<16xf32>,
        tpu.vector_store %arg17[%swap3A_606, %swap3A_607], %sub3A_604 {strides = array<i32>} : memref<64x16xf32, #tpu.memory_space<vmem>>, vector<16xf32>,
        %get3A_609 = arith.constant 40 : i32
        %get3A_610 = arith.index_cast %get3A_609 : i32 to index
        %get3A_611 = arith.constant 0 : index
        %get3A_612 = tpu.vector_load %arg17[%get3A_610, %get3A_611] {strides = array<i32>} : memref<64x16xf32, #tpu.memory_space<vmem>>, vector<16xf32>,
        %get3A_613 = arith.constant 40 : i32
        %get3A_614 = arith.index_cast %get3A_613 : i32 to index
        %get3A_615 = arith.constant 0 : index
        %get3A_616 = tpu.vector_load %arg19[%get3A_614, %get3A_615] {strides = array<i32>} : memref<64x16xf32, #tpu.memory_space<vmem>>, vector<16xf32>,
        %sub3A_617 = arith.subf %get3A_612, %get3A_616 : vector<16xf32>
        %swap3A_618 = arith.constant 40 : i32
        %swap3A_619 = arith.index_cast %swap3A_618 : i32 to index
        %swap3A_620 = arith.constant 0 : index
        %swap3A_621 = tpu.vector_load %arg17[%swap3A_619, %swap3A_620] {strides = array<i32>} : memref<64x16xf32, #tpu.memory_space<vmem>>, vector<16xf32>,
        tpu.vector_store %arg17[%swap3A_619, %swap3A_620], %sub3A_617 {strides = array<i32>} : memref<64x16xf32, #tpu.memory_space<vmem>>, vector<16xf32>,
        %get3A_622 = arith.constant 41 : i32
        %get3A_623 = arith.index_cast %get3A_622 : i32 to index
        %get3A_624 = arith.constant 0 : index
        %get3A_625 = tpu.vector_load %arg17[%get3A_623, %get3A_624] {strides = array<i32>} : memref<64x16xf32, #tpu.memory_space<vmem>>, vector<16xf32>,
        %get3A_626 = arith.constant 41 : i32
        %get3A_627 = arith.index_cast %get3A_626 : i32 to index
        %get3A_628 = arith.constant 0 : index
        %get3A_629 = tpu.vector_load %arg19[%get3A_627, %get3A_628] {strides = array<i32>} : memref<64x16xf32, #tpu.memory_space<vmem>>, vector<16xf32>,
        %sub3A_630 = arith.subf %get3A_625, %get3A_629 : vector<16xf32>
        %swap3A_631 = arith.constant 41 : i32
        %swap3A_632 = arith.index_cast %swap3A_631 : i32 to index
        %swap3A_633 = arith.constant 0 : index
        %swap3A_634 = tpu.vector_load %arg17[%swap3A_632, %swap3A_633] {strides = array<i32>} : memref<64x16xf32, #tpu.memory_space<vmem>>, vector<16xf32>,
        tpu.vector_store %arg17[%swap3A_632, %swap3A_633], %sub3A_630 {strides = array<i32>} : memref<64x16xf32, #tpu.memory_space<vmem>>, vector<16xf32>,
        %get3A_635 = arith.constant 42 : i32
        %get3A_636 = arith.index_cast %get3A_635 : i32 to index
        %get3A_637 = arith.constant 0 : index
        %get3A_638 = tpu.vector_load %arg17[%get3A_636, %get3A_637] {strides = array<i32>} : memref<64x16xf32, #tpu.memory_space<vmem>>, vector<16xf32>,
        %get3A_639 = arith.constant 42 : i32
        %get3A_640 = arith.index_cast %get3A_639 : i32 to index
        %get3A_641 = arith.constant 0 : index
        %get3A_642 = tpu.vector_load %arg19[%get3A_640, %get3A_641] {strides = array<i32>} : memref<64x16xf32, #tpu.memory_space<vmem>>, vector<16xf32>,
        %sub3A_643 = arith.subf %get3A_638, %get3A_642 : vector<16xf32>
        %swap3A_644 = arith.constant 42 : i32
        %swap3A_645 = arith.index_cast %swap3A_644 : i32 to index
        %swap3A_646 = arith.constant 0 : index
        %swap3A_647 = tpu.vector_load %arg17[%swap3A_645, %swap3A_646] {strides = array<i32>} : memref<64x16xf32, #tpu.memory_space<vmem>>, vector<16xf32>,
        tpu.vector_store %arg17[%swap3A_645, %swap3A_646], %sub3A_643 {strides = array<i32>} : memref<64x16xf32, #tpu.memory_space<vmem>>, vector<16xf32>,
        %get3A_648 = arith.constant 43 : i32
        %get3A_649 = arith.index_cast %get3A_648 : i32 to index
        %get3A_650 = arith.constant 0 : index
        %get3A_651 = tpu.vector_load %arg17[%get3A_649, %get3A_650] {strides = array<i32>} : memref<64x16xf32, #tpu.memory_space<vmem>>, vector<16xf32>,
        %get3A_652 = arith.constant 43 : i32
        %get3A_653 = arith.index_cast %get3A_652 : i32 to index
        %get3A_654 = arith.constant 0 : index
        %get3A_655 = tpu.vector_load %arg19[%get3A_653, %get3A_654] {strides = array<i32>} : memref<64x16xf32, #tpu.memory_space<vmem>>, vector<16xf32>,
        %sub3A_656 = arith.subf %get3A_651, %get3A_655 : vector<16xf32>
        %swap3A_657 = arith.constant 43 : i32
        %swap3A_658 = arith.index_cast %swap3A_657 : i32 to index
        %swap3A_659 = arith.constant 0 : index
        %swap3A_660 = tpu.vector_load %arg17[%swap3A_658, %swap3A_659] {strides = array<i32>} : memref<64x16xf32, #tpu.memory_space<vmem>>, vector<16xf32>,
        tpu.vector_store %arg17[%swap3A_658, %swap3A_659], %sub3A_656 {strides = array<i32>} : memref<64x16xf32, #tpu.memory_space<vmem>>, vector<16xf32>,
        %get3A_661 = arith.constant 44 : i32
        %get3A_662 = arith.index_cast %get3A_661 : i32 to index
        %get3A_663 = arith.constant 0 : index
        %get3A_664 = tpu.vector_load %arg17[%get3A_662, %get3A_663] {strides = array<i32>} : memref<64x16xf32, #tpu.memory_space<vmem>>, vector<16xf32>,
        %get3A_665 = arith.constant 44 : i32
        %get3A_666 = arith.index_cast %get3A_665 : i32 to index
        %get3A_667 = arith.constant 0 : index
        %get3A_668 = tpu.vector_load %arg19[%get3A_666, %get3A_667] {strides = array<i32>} : memref<64x16xf32, #tpu.memory_space<vmem>>, vector<16xf32>,
        %sub3A_669 = arith.subf %get3A_664, %get3A_668 : vector<16xf32>
        %swap3A_670 = arith.constant 44 : i32
        %swap3A_671 = arith.index_cast %swap3A_670 : i32 to index
        %swap3A_672 = arith.constant 0 : index
        %swap3A_673 = tpu.vector_load %arg17[%swap3A_671, %swap3A_672] {strides = array<i32>} : memref<64x16xf32, #tpu.memory_space<vmem>>, vector<16xf32>,
        tpu.vector_store %arg17[%swap3A_671, %swap3A_672], %sub3A_669 {strides = array<i32>} : memref<64x16xf32, #tpu.memory_space<vmem>>, vector<16xf32>,
        %get3A_674 = arith.constant 45 : i32
        %get3A_675 = arith.index_cast %get3A_674 : i32 to index
        %get3A_676 = arith.constant 0 : index
        %get3A_677 = tpu.vector_load %arg17[%get3A_675, %get3A_676] {strides = array<i32>} : memref<64x16xf32, #tpu.memory_space<vmem>>, vector<16xf32>,
        %get3A_678 = arith.constant 45 : i32
        %get3A_679 = arith.index_cast %get3A_678 : i32 to index
        %get3A_680 = arith.constant 0 : index
        %get3A_681 = tpu.vector_load %arg19[%get3A_679, %get3A_680] {strides = array<i32>} : memref<64x16xf32, #tpu.memory_space<vmem>>, vector<16xf32>,
        %sub3A_682 = arith.subf %get3A_677, %get3A_681 : vector<16xf32>
        %swap3A_683 = arith.constant 45 : i32
        %swap3A_684 = arith.index_cast %swap3A_683 : i32 to index
        %swap3A_685 = arith.constant 0 : index
        %swap3A_686 = tpu.vector_load %arg17[%swap3A_684, %swap3A_685] {strides = array<i32>} : memref<64x16xf32, #tpu.memory_space<vmem>>, vector<16xf32>,
        tpu.vector_store %arg17[%swap3A_684, %swap3A_685], %sub3A_682 {strides = array<i32>} : memref<64x16xf32, #tpu.memory_space<vmem>>, vector<16xf32>,
        %get3A_687 = arith.constant 46 : i32
        %get3A_688 = arith.index_cast %get3A_687 : i32 to index
        %get3A_689 = arith.constant 0 : index
        %get3A_690 = tpu.vector_load %arg17[%get3A_688, %get3A_689] {strides = array<i32>} : memref<64x16xf32, #tpu.memory_space<vmem>>, vector<16xf32>,
        %get3A_691 = arith.constant 46 : i32
        %get3A_692 = arith.index_cast %get3A_691 : i32 to index
        %get3A_693 = arith.constant 0 : index
        %get3A_694 = tpu.vector_load %arg19[%get3A_692, %get3A_693] {strides = array<i32>} : memref<64x16xf32, #tpu.memory_space<vmem>>, vector<16xf32>,
        %sub3A_695 = arith.subf %get3A_690, %get3A_694 : vector<16xf32>
        %swap3A_696 = arith.constant 46 : i32
        %swap3A_697 = arith.index_cast %swap3A_696 : i32 to index
        %swap3A_698 = arith.constant 0 : index
        %swap3A_699 = tpu.vector_load %arg17[%swap3A_697, %swap3A_698] {strides = array<i32>} : memref<64x16xf32, #tpu.memory_space<vmem>>, vector<16xf32>,
        tpu.vector_store %arg17[%swap3A_697, %swap3A_698], %sub3A_695 {strides = array<i32>} : memref<64x16xf32, #tpu.memory_space<vmem>>, vector<16xf32>,
        %get3A_700 = arith.constant 47 : i32
        %get3A_701 = arith.index_cast %get3A_700 : i32 to index
        %get3A_702 = arith.constant 0 : index
        %get3A_703 = tpu.vector_load %arg17[%get3A_701, %get3A_702] {strides = array<i32>} : memref<64x16xf32, #tpu.memory_space<vmem>>, vector<16xf32>,
        %get3A_704 = arith.constant 47 : i32
        %get3A_705 = arith.index_cast %get3A_704 : i32 to index
        %get3A_706 = arith.constant 0 : index
        %get3A_707 = tpu.vector_load %arg19[%get3A_705, %get3A_706] {strides = array<i32>} : memref<64x16xf32, #tpu.memory_space<vmem>>, vector<16xf32>,
        %sub3A_708 = arith.subf %get3A_703, %get3A_707 : vector<16xf32>
        %swap3A_709 = arith.constant 47 : i32
        %swap3A_710 = arith.index_cast %swap3A_709 : i32 to index
        %swap3A_711 = arith.constant 0 : index
        %swap3A_712 = tpu.vector_load %arg17[%swap3A_710, %swap3A_711] {strides = array<i32>} : memref<64x16xf32, #tpu.memory_space<vmem>>, vector<16xf32>,
        tpu.vector_store %arg17[%swap3A_710, %swap3A_711], %sub3A_708 {strides = array<i32>} : memref<64x16xf32, #tpu.memory_space<vmem>>, vector<16xf32>,
        %get3A_713 = arith.constant 48 : i32
        %get3A_714 = arith.index_cast %get3A_713 : i32 to index
        %get3A_715 = arith.constant 0 : index
        %get3A_716 = tpu.vector_load %arg17[%get3A_714, %get3A_715] {strides = array<i32>} : memref<64x16xf32, #tpu.memory_space<vmem>>, vector<16xf32>,
        %get3A_717 = arith.constant 48 : i32
        %get3A_718 = arith.index_cast %get3A_717 : i32 to index
        %get3A_719 = arith.constant 0 : index
        %get3A_720 = tpu.vector_load %arg19[%get3A_718, %get3A_719] {strides = array<i32>} : memref<64x16xf32, #tpu.memory_space<vmem>>, vector<16xf32>,
        %sub3A_721 = arith.subf %get3A_716, %get3A_720 : vector<16xf32>
        %swap3A_722 = arith.constant 48 : i32
        %swap3A_723 = arith.index_cast %swap3A_722 : i32 to index
        %swap3A_724 = arith.constant 0 : index
        %swap3A_725 = tpu.vector_load %arg17[%swap3A_723, %swap3A_724] {strides = array<i32>} : memref<64x16xf32, #tpu.memory_space<vmem>>, vector<16xf32>,
        tpu.vector_store %arg17[%swap3A_723, %swap3A_724], %sub3A_721 {strides = array<i32>} : memref<64x16xf32, #tpu.memory_space<vmem>>, vector<16xf32>,
        %get3A_726 = arith.constant 49 : i32
        %get3A_727 = arith.index_cast %get3A_726 : i32 to index
        %get3A_728 = arith.constant 0 : index
        %get3A_729 = tpu.vector_load %arg17[%get3A_727, %get3A_728] {strides = array<i32>} : memref<64x16xf32, #tpu.memory_space<vmem>>, vector<16xf32>,
        %get3A_730 = arith.constant 49 : i32
        %get3A_731 = arith.index_cast %get3A_730 : i32 to index
        %get3A_732 = arith.constant 0 : index
        %get3A_733 = tpu.vector_load %arg19[%get3A_731, %get3A_732] {strides = array<i32>} : memref<64x16xf32, #tpu.memory_space<vmem>>, vector<16xf32>,
        %sub3A_734 = arith.subf %get3A_729, %get3A_733 : vector<16xf32>
        %swap3A_735 = arith.constant 49 : i32
        %swap3A_736 = arith.index_cast %swap3A_735 : i32 to index
        %swap3A_737 = arith.constant 0 : index
        %swap3A_738 = tpu.vector_load %arg17[%swap3A_736, %swap3A_737] {strides = array<i32>} : memref<64x16xf32, #tpu.memory_space<vmem>>, vector<16xf32>,
        tpu.vector_store %arg17[%swap3A_736, %swap3A_737], %sub3A_734 {strides = array<i32>} : memref<64x16xf32, #tpu.memory_space<vmem>>, vector<16xf32>,
        %get3A_739 = arith.constant 50 : i32
        %get3A_740 = arith.index_cast %get3A_739 : i32 to index
        %get3A_741 = arith.constant 0 : index
        %get3A_742 = tpu.vector_load %arg17[%get3A_740, %get3A_741] {strides = array<i32>} : memref<64x16xf32, #tpu.memory_space<vmem>>, vector<16xf32>,
        %get3A_743 = arith.constant 50 : i32
        %get3A_744 = arith.index_cast %get3A_743 : i32 to index
        %get3A_745 = arith.constant 0 : index
        %get3A_746 = tpu.vector_load %arg19[%get3A_744, %get3A_745] {strides = array<i32>} : memref<64x16xf32, #tpu.memory_space<vmem>>, vector<16xf32>,
        %sub3A_747 = arith.subf %get3A_742, %get3A_746 : vector<16xf32>
        %swap3A_748 = arith.constant 50 : i32
        %swap3A_749 = arith.index_cast %swap3A_748 : i32 to index
        %swap3A_750 = arith.constant 0 : index
        %swap3A_751 = tpu.vector_load %arg17[%swap3A_749, %swap3A_750] {strides = array<i32>} : memref<64x16xf32, #tpu.memory_space<vmem>>, vector<16xf32>,
        tpu.vector_store %arg17[%swap3A_749, %swap3A_750], %sub3A_747 {strides = array<i32>} : memref<64x16xf32, #tpu.memory_space<vmem>>, vector<16xf32>,
        %get3A_752 = arith.constant 51 : i32
        %get3A_753 = arith.index_cast %get3A_752 : i32 to index
        %get3A_754 = arith.constant 0 : index
        %get3A_755 = tpu.vector_load %arg17[%get3A_753, %get3A_754] {strides = array<i32>} : memref<64x16xf32, #tpu.memory_space<vmem>>, vector<16xf32>,
        %get3A_756 = arith.constant 51 : i32
        %get3A_757 = arith.index_cast %get3A_756 : i32 to index
        %get3A_758 = arith.constant 0 : index
        %get3A_759 = tpu.vector_load %arg19[%get3A_757, %get3A_758] {strides = array<i32>} : memref<64x16xf32, #tpu.memory_space<vmem>>, vector<16xf32>,
        %sub3A_760 = arith.subf %get3A_755, %get3A_759 : vector<16xf32>
        %swap3A_761 = arith.constant 51 : i32
        %swap3A_762 = arith.index_cast %swap3A_761 : i32 to index
        %swap3A_763 = arith.constant 0 : index
        %swap3A_764 = tpu.vector_load %arg17[%swap3A_762, %swap3A_763] {strides = array<i32>} : memref<64x16xf32, #tpu.memory_space<vmem>>, vector<16xf32>,
        tpu.vector_store %arg17[%swap3A_762, %swap3A_763], %sub3A_760 {strides = array<i32>} : memref<64x16xf32, #tpu.memory_space<vmem>>, vector<16xf32>,
        %get3A_765 = arith.constant 52 : i32
        %get3A_766 = arith.index_cast %get3A_765 : i32 to index
        %get3A_767 = arith.constant 0 : index
        %get3A_768 = tpu.vector_load %arg17[%get3A_766, %get3A_767] {strides = array<i32>} : memref<64x16xf32, #tpu.memory_space<vmem>>, vector<16xf32>,
        %get3A_769 = arith.constant 52 : i32
        %get3A_770 = arith.index_cast %get3A_769 : i32 to index
        %get3A_771 = arith.constant 0 : index
        %get3A_772 = tpu.vector_load %arg19[%get3A_770, %get3A_771] {strides = array<i32>} : memref<64x16xf32, #tpu.memory_space<vmem>>, vector<16xf32>,
        %sub3A_773 = arith.subf %get3A_768, %get3A_772 : vector<16xf32>
        %swap3A_774 = arith.constant 52 : i32
        %swap3A_775 = arith.index_cast %swap3A_774 : i32 to index
        %swap3A_776 = arith.constant 0 : index
        %swap3A_777 = tpu.vector_load %arg17[%swap3A_775, %swap3A_776] {strides = array<i32>} : memref<64x16xf32, #tpu.memory_space<vmem>>, vector<16xf32>,
        tpu.vector_store %arg17[%swap3A_775, %swap3A_776], %sub3A_773 {strides = array<i32>} : memref<64x16xf32, #tpu.memory_space<vmem>>, vector<16xf32>,
        %get3A_778 = arith.constant 53 : i32
        %get3A_779 = arith.index_cast %get3A_778 : i32 to index
        %get3A_780 = arith.constant 0 : index
        %get3A_781 = tpu.vector_load %arg17[%get3A_779, %get3A_780] {strides = array<i32>} : memref<64x16xf32, #tpu.memory_space<vmem>>, vector<16xf32>,
        %get3A_782 = arith.constant 53 : i32
        %get3A_783 = arith.index_cast %get3A_782 : i32 to index
        %get3A_784 = arith.constant 0 : index
        %get3A_785 = tpu.vector_load %arg19[%get3A_783, %get3A_784] {strides = array<i32>} : memref<64x16xf32, #tpu.memory_space<vmem>>, vector<16xf32>,
        %sub3A_786 = arith.subf %get3A_781, %get3A_785 : vector<16xf32>
        %swap3A_787 = arith.constant 53 : i32
        %swap3A_788 = arith.index_cast %swap3A_787 : i32 to index
        %swap3A_789 = arith.constant 0 : index
        %swap3A_790 = tpu.vector_load %arg17[%swap3A_788, %swap3A_789] {strides = array<i32>} : memref<64x16xf32, #tpu.memory_space<vmem>>, vector<16xf32>,
        tpu.vector_store %arg17[%swap3A_788, %swap3A_789], %sub3A_786 {strides = array<i32>} : memref<64x16xf32, #tpu.memory_space<vmem>>, vector<16xf32>,
        %get3A_791 = arith.constant 54 : i32
        %get3A_792 = arith.index_cast %get3A_791 : i32 to index
        %get3A_793 = arith.constant 0 : index
        %get3A_794 = tpu.vector_load %arg17[%get3A_792, %get3A_793] {strides = array<i32>} : memref<64x16xf32, #tpu.memory_space<vmem>>, vector<16xf32>,
        %get3A_795 = arith.constant 54 : i32
        %get3A_796 = arith.index_cast %get3A_795 : i32 to index
        %get3A_797 = arith.constant 0 : index
        %get3A_798 = tpu.vector_load %arg19[%get3A_796, %get3A_797] {strides = array<i32>} : memref<64x16xf32, #tpu.memory_space<vmem>>, vector<16xf32>,
        %sub3A_799 = arith.subf %get3A_794, %get3A_798 : vector<16xf32>
        %swap3A_800 = arith.constant 54 : i32
        %swap3A_801 = arith.index_cast %swap3A_800 : i32 to index
        %swap3A_802 = arith.constant 0 : index
        %swap3A_803 = tpu.vector_load %arg17[%swap3A_801, %swap3A_802] {strides = array<i32>} : memref<64x16xf32, #tpu.memory_space<vmem>>, vector<16xf32>,
        tpu.vector_store %arg17[%swap3A_801, %swap3A_802], %sub3A_799 {strides = array<i32>} : memref<64x16xf32, #tpu.memory_space<vmem>>, vector<16xf32>,
        %get3A_804 = arith.constant 55 : i32
        %get3A_805 = arith.index_cast %get3A_804 : i32 to index
        %get3A_806 = arith.constant 0 : index
        %get3A_807 = tpu.vector_load %arg17[%get3A_805, %get3A_806] {strides = array<i32>} : memref<64x16xf32, #tpu.memory_space<vmem>>, vector<16xf32>,
        %get3A_808 = arith.constant 55 : i32
        %get3A_809 = arith.index_cast %get3A_808 : i32 to index
        %get3A_810 = arith.constant 0 : index
        %get3A_811 = tpu.vector_load %arg19[%get3A_809, %get3A_810] {strides = array<i32>} : memref<64x16xf32, #tpu.memory_space<vmem>>, vector<16xf32>,
        %sub3A_812 = arith.subf %get3A_807, %get3A_811 : vector<16xf32>
        %swap3A_813 = arith.constant 55 : i32
        %swap3A_814 = arith.index_cast %swap3A_813 : i32 to index
        %swap3A_815 = arith.constant 0 : index
        %swap3A_816 = tpu.vector_load %arg17[%swap3A_814, %swap3A_815] {strides = array<i32>} : memref<64x16xf32, #tpu.memory_space<vmem>>, vector<16xf32>,
        tpu.vector_store %arg17[%swap3A_814, %swap3A_815], %sub3A_812 {strides = array<i32>} : memref<64x16xf32, #tpu.memory_space<vmem>>, vector<16xf32>,
        %get3A_817 = arith.constant 56 : i32
        %get3A_818 = arith.index_cast %get3A_817 : i32 to index
        %get3A_819 = arith.constant 0 : index
        %get3A_820 = tpu.vector_load %arg17[%get3A_818, %get3A_819] {strides = array<i32>} : memref<64x16xf32, #tpu.memory_space<vmem>>, vector<16xf32>,
        %get3A_821 = arith.constant 56 : i32
        %get3A_822 = arith.index_cast %get3A_821 : i32 to index
        %get3A_823 = arith.constant 0 : index
        %get3A_824 = tpu.vector_load %arg19[%get3A_822, %get3A_823] {strides = array<i32>} : memref<64x16xf32, #tpu.memory_space<vmem>>, vector<16xf32>,
        %sub3A_825 = arith.subf %get3A_820, %get3A_824 : vector<16xf32>
        %swap3A_826 = arith.constant 56 : i32
        %swap3A_827 = arith.index_cast %swap3A_826 : i32 to index
        %swap3A_828 = arith.constant 0 : index
        %swap3A_829 = tpu.vector_load %arg17[%swap3A_827, %swap3A_828] {strides = array<i32>} : memref<64x16xf32, #tpu.memory_space<vmem>>, vector<16xf32>,
        tpu.vector_store %arg17[%swap3A_827, %swap3A_828], %sub3A_825 {strides = array<i32>} : memref<64x16xf32, #tpu.memory_space<vmem>>, vector<16xf32>,
        %get3A_830 = arith.constant 57 : i32
        %get3A_831 = arith.index_cast %get3A_830 : i32 to index
        %get3A_832 = arith.constant 0 : index
        %get3A_833 = tpu.vector_load %arg17[%get3A_831, %get3A_832] {strides = array<i32>} : memref<64x16xf32, #tpu.memory_space<vmem>>, vector<16xf32>,
        %get3A_834 = arith.constant 57 : i32
        %get3A_835 = arith.index_cast %get3A_834 : i32 to index
        %get3A_836 = arith.constant 0 : index
        %get3A_837 = tpu.vector_load %arg19[%get3A_835, %get3A_836] {strides = array<i32>} : memref<64x16xf32, #tpu.memory_space<vmem>>, vector<16xf32>,
        %sub3A_838 = arith.subf %get3A_833, %get3A_837 : vector<16xf32>
        %swap3A_839 = arith.constant 57 : i32
        %swap3A_840 = arith.index_cast %swap3A_839 : i32 to index
        %swap3A_841 = arith.constant 0 : index
        %swap3A_842 = tpu.vector_load %arg17[%swap3A_840, %swap3A_841] {strides = array<i32>} : memref<64x16xf32, #tpu.memory_space<vmem>>, vector<16xf32>,
        tpu.vector_store %arg17[%swap3A_840, %swap3A_841], %sub3A_838 {strides = array<i32>} : memref<64x16xf32, #tpu.memory_space<vmem>>, vector<16xf32>,
        %get3A_843 = arith.constant 58 : i32
        %get3A_844 = arith.index_cast %get3A_843 : i32 to index
        %get3A_845 = arith.constant 0 : index
        %get3A_846 = tpu.vector_load %arg17[%get3A_844, %get3A_845] {strides = array<i32>} : memref<64x16xf32, #tpu.memory_space<vmem>>, vector<16xf32>,
        %get3A_847 = arith.constant 58 : i32
        %get3A_848 = arith.index_cast %get3A_847 : i32 to index
        %get3A_849 = arith.constant 0 : index
        %get3A_850 = tpu.vector_load %arg19[%get3A_848, %get3A_849] {strides = array<i32>} : memref<64x16xf32, #tpu.memory_space<vmem>>, vector<16xf32>,
        %sub3A_851 = arith.subf %get3A_846, %get3A_850 : vector<16xf32>
        %swap3A_852 = arith.constant 58 : i32
        %swap3A_853 = arith.index_cast %swap3A_852 : i32 to index
        %swap3A_854 = arith.constant 0 : index
        %swap3A_855 = tpu.vector_load %arg17[%swap3A_853, %swap3A_854] {strides = array<i32>} : memref<64x16xf32, #tpu.memory_space<vmem>>, vector<16xf32>,
        tpu.vector_store %arg17[%swap3A_853, %swap3A_854], %sub3A_851 {strides = array<i32>} : memref<64x16xf32, #tpu.memory_space<vmem>>, vector<16xf32>,
        %get3A_856 = arith.constant 59 : i32
        %get3A_857 = arith.index_cast %get3A_856 : i32 to index
        %get3A_858 = arith.constant 0 : index
        %get3A_859 = tpu.vector_load %arg17[%get3A_857, %get3A_858] {strides = array<i32>} : memref<64x16xf32, #tpu.memory_space<vmem>>, vector<16xf32>,
        %get3A_860 = arith.constant 59 : i32
        %get3A_861 = arith.index_cast %get3A_860 : i32 to index
        %get3A_862 = arith.constant 0 : index
        %get3A_863 = tpu.vector_load %arg19[%get3A_861, %get3A_862] {strides = array<i32>} : memref<64x16xf32, #tpu.memory_space<vmem>>, vector<16xf32>,
        %sub3A_864 = arith.subf %get3A_859, %get3A_863 : vector<16xf32>
        %swap3A_865 = arith.constant 59 : i32
        %swap3A_866 = arith.index_cast %swap3A_865 : i32 to index
        %swap3A_867 = arith.constant 0 : index
        %swap3A_868 = tpu.vector_load %arg17[%swap3A_866, %swap3A_867] {strides = array<i32>} : memref<64x16xf32, #tpu.memory_space<vmem>>, vector<16xf32>,
        tpu.vector_store %arg17[%swap3A_866, %swap3A_867], %sub3A_864 {strides = array<i32>} : memref<64x16xf32, #tpu.memory_space<vmem>>, vector<16xf32>,
        %get3A_869 = arith.constant 60 : i32
        %get3A_870 = arith.index_cast %get3A_869 : i32 to index
        %get3A_871 = arith.constant 0 : index
        %get3A_872 = tpu.vector_load %arg17[%get3A_870, %get3A_871] {strides = array<i32>} : memref<64x16xf32, #tpu.memory_space<vmem>>, vector<16xf32>,
        %get3A_873 = arith.constant 60 : i32
        %get3A_874 = arith.index_cast %get3A_873 : i32 to index
        %get3A_875 = arith.constant 0 : index
        %get3A_876 = tpu.vector_load %arg19[%get3A_874, %get3A_875] {strides = array<i32>} : memref<64x16xf32, #tpu.memory_space<vmem>>, vector<16xf32>,
        %sub3A_877 = arith.subf %get3A_872, %get3A_876 : vector<16xf32>
        %swap3A_878 = arith.constant 60 : i32
        %swap3A_879 = arith.index_cast %swap3A_878 : i32 to index
        %swap3A_880 = arith.constant 0 : index
        %swap3A_881 = tpu.vector_load %arg17[%swap3A_879, %swap3A_880] {strides = array<i32>} : memref<64x16xf32, #tpu.memory_space<vmem>>, vector<16xf32>,
        tpu.vector_store %arg17[%swap3A_879, %swap3A_880], %sub3A_877 {strides = array<i32>} : memref<64x16xf32, #tpu.memory_space<vmem>>, vector<16xf32>,
        %get3A_882 = arith.constant 61 : i32
        %get3A_883 = arith.index_cast %get3A_882 : i32 to index
        %get3A_884 = arith.constant 0 : index
        %get3A_885 = tpu.vector_load %arg17[%get3A_883, %get3A_884] {strides = array<i32>} : memref<64x16xf32, #tpu.memory_space<vmem>>, vector<16xf32>,
        %get3A_886 = arith.constant 61 : i32
        %get3A_887 = arith.index_cast %get3A_886 : i32 to index
        %get3A_888 = arith.constant 0 : index
        %get3A_889 = tpu.vector_load %arg19[%get3A_887, %get3A_888] {strides = array<i32>} : memref<64x16xf32, #tpu.memory_space<vmem>>, vector<16xf32>,
        %sub3A_890 = arith.subf %get3A_885, %get3A_889 : vector<16xf32>
        %swap3A_891 = arith.constant 61 : i32
        %swap3A_892 = arith.index_cast %swap3A_891 : i32 to index
        %swap3A_893 = arith.constant 0 : index
        %swap3A_894 = tpu.vector_load %arg17[%swap3A_892, %swap3A_893] {strides = array<i32>} : memref<64x16xf32, #tpu.memory_space<vmem>>, vector<16xf32>,
        tpu.vector_store %arg17[%swap3A_892, %swap3A_893], %sub3A_890 {strides = array<i32>} : memref<64x16xf32, #tpu.memory_space<vmem>>, vector<16xf32>,
        %get3A_895 = arith.constant 62 : i32
        %get3A_896 = arith.index_cast %get3A_895 : i32 to index
        %get3A_897 = arith.constant 0 : index
        %get3A_898 = tpu.vector_load %arg17[%get3A_896, %get3A_897] {strides = array<i32>} : memref<64x16xf32, #tpu.memory_space<vmem>>, vector<16xf32>,
        %get3A_899 = arith.constant 62 : i32
        %get3A_900 = arith.index_cast %get3A_899 : i32 to index
        %get3A_901 = arith.constant 0 : index
        %get3A_902 = tpu.vector_load %arg19[%get3A_900, %get3A_901] {strides = array<i32>} : memref<64x16xf32, #tpu.memory_space<vmem>>, vector<16xf32>,
        %sub3A_903 = arith.subf %get3A_898, %get3A_902 : vector<16xf32>
        %swap3A_904 = arith.constant 62 : i32
        %swap3A_905 = arith.index_cast %swap3A_904 : i32 to index
        %swap3A_906 = arith.constant 0 : index
        %swap3A_907 = tpu.vector_load %arg17[%swap3A_905, %swap3A_906] {strides = array<i32>} : memref<64x16xf32, #tpu.memory_space<vmem>>, vector<16xf32>,
        tpu.vector_store %arg17[%swap3A_905, %swap3A_906], %sub3A_903 {strides = array<i32>} : memref<64x16xf32, #tpu.memory_space<vmem>>, vector<16xf32>,
        %get3A_908 = arith.constant 63 : i32
        %get3A_909 = arith.index_cast %get3A_908 : i32 to index
        %get3A_910 = arith.constant 0 : index
        %get3A_911 = tpu.vector_load %arg17[%get3A_909, %get3A_910] {strides = array<i32>} : memref<64x16xf32, #tpu.memory_space<vmem>>, vector<16xf32>,
        %get3A_912 = arith.constant 63 : i32
        %get3A_913 = arith.index_cast %get3A_912 : i32 to index
        %get3A_914 = arith.constant 0 : index
        %get3A_915 = tpu.vector_load %arg19[%get3A_913, %get3A_914] {strides = array<i32>} : memref<64x16xf32, #tpu.memory_space<vmem>>, vector<16xf32>,
        %sub3A_916 = arith.subf %get3A_911, %get3A_915 : vector<16xf32>
        %swap3A_917 = arith.constant 63 : i32
        %swap3A_918 = arith.index_cast %swap3A_917 : i32 to index
        %swap3A_919 = arith.constant 0 : index
        %swap3A_920 = tpu.vector_load %arg17[%swap3A_918, %swap3A_919] {strides = array<i32>} : memref<64x16xf32, #tpu.memory_space<vmem>>, vector<16xf32>,
        tpu.vector_store %arg17[%swap3A_918, %swap3A_919], %sub3A_916 {strides = array<i32>} : memref<64x16xf32, #tpu.memory_space<vmem>>, vector<16xf32>,
        %dma_wait3A_921 = arith.constant 0 : i32
        %dma_wait3A_922 = arith.constant 0 : i32
        %dma_wait3A_923 = tpu.memref_slice %arg21[%dma_wait3A_921, %dma_wait3A_922] : memref<10000x128xf32, #tpu.memory_space<vmem_shared>> -> memref<10000x128xf32, #tpu.memory_space<vmem_shared>>
        tpu.wait_indirect_dma semaphore(%arg27 : memref<!tpu.dma_semaphore, #tpu.memory_space<semaphore_mem>>) src(%dma_wait3A_923 : memref<10000x128xf32, #tpu.memory_space<vmem_shared>>) dst(%arg13 : memref<64x128xf32, #tpu.memory_space<vmem>>)
        %dma_wait3A_924 = arith.constant 0 : i32
        %dma_wait3A_925 = arith.constant 0 : i32
        %dma_wait3A_926 = tpu.memref_slice %arg21[%dma_wait3A_924, %dma_wait3A_925] : memref<10000x128xf32, #tpu.memory_space<vmem_shared>> -> memref<10000x128xf32, #tpu.memory_space<vmem_shared>>
        tpu.wait_indirect_dma semaphore(%arg29 : memref<!tpu.dma_semaphore, #tpu.memory_space<semaphore_mem>>) src(%dma_wait3A_926 : memref<10000x128xf32, #tpu.memory_space<vmem_shared>>) dst(%arg15 : memref<64x128xf32, #tpu.memory_space<vmem>>)
        %add3A_927 = arith.constant 2 : i32
        %add3A_928 = arith.addi %scan3A_54, %add3A_927 : i32
        %lt3A = arith.constant 160 : i32
        %lt3A_929 = arith.cmpi slt, %add3A_928, %lt3A : i32
        %convert_element_type3A_930 = arith.extui %lt3A_929 : i1 to i32
        %cond3A_931 = arith.constant 0 : i32
        %cond3A_932 = arith.cmpi ne, %convert_element_type3A_930, %cond3A_931 : i32
        scf.if %cond3A_932 {
          %add3A_948 = arith.constant 2 : i32
          %add3A_949 = arith.addi %scan3A_54, %add3A_948 : i32
          %mul3A_950 = arith.constant 64 : i32
          %mul3A_951 = arith.muli %add3A_949, %mul3A_950 : i32
          %add3A_952 = arith.addi %mul3A_2, %mul3A_951 : i32
          %dma_start3A_953 = tpu.memref_slice %arg4[%add3A_952] : memref<327680xi32, #tpu.memory_space<hbm>> -> memref<64xi32, #tpu.memory_space<hbm>>
          %dma_start3A_954 = tpu.memref_slice %arg4[%add3A_952] : memref<327680xi32, #tpu.memory_space<hbm>> -> memref<64xi32, #tpu.memory_space<hbm>>
          tpu.enqueue_dma source(%dma_start3A_954 : memref<64xi32, #tpu.memory_space<hbm>>) target(%arg9 : memref<64xi32, #tpu.memory_space<vmem>>) target_semaphore(%arg23 : memref<!tpu.dma_semaphore, #tpu.memory_space<semaphore_mem>>)
          %dma_start3A_955 = tpu.memref_slice %arg5[%add3A_952] : memref<327680xi32, #tpu.memory_space<hbm>> -> memref<64xi32, #tpu.memory_space<hbm>>
          %dma_start3A_956 = tpu.memref_slice %arg5[%add3A_952] : memref<327680xi32, #tpu.memory_space<hbm>> -> memref<64xi32, #tpu.memory_space<hbm>>
          tpu.enqueue_dma source(%dma_start3A_956 : memref<64xi32, #tpu.memory_space<hbm>>) target(%arg11 : memref<64xi32, #tpu.memory_space<vmem>>) target_semaphore(%arg25 : memref<!tpu.dma_semaphore, #tpu.memory_space<semaphore_mem>>)
        } else {
        }
        %mul3A_933 = arith.constant 64 : i32
        %mul3A_934 = arith.muli %scan3A_54, %mul3A_933 : i32
        %add3A_935 = arith.addi %mul3A_2, %mul3A_934 : i32
        %dma_start3A_936 = arith.constant 0 : i32
        %dma_start3A_937 = tpu.memref_slice %arg6[%add3A_935, %dma_start3A_936] : memref<327680x128xf32, #tpu.memory_space<hbm>> -> memref<64x128xf32, #tpu.memory_space<hbm>>
        %dma_start3A_938 = arith.constant 0 : i32
        %dma_start3A_939 = tpu.memref_slice %arg6[%add3A_935, %dma_start3A_938] : memref<327680x128xf32, #tpu.memory_space<hbm>> -> memref<64x128xf32, #tpu.memory_space<hbm>>
        tpu.enqueue_dma source(%arg13 : memref<64x128xf32, #tpu.memory_space<vmem>>) target(%dma_start3A_939 : memref<64x128xf32, #tpu.memory_space<hbm>>) target_semaphore(%arg35 : memref<!tpu.dma_semaphore, #tpu.memory_space<semaphore_mem>>)
        %dma_start3A_940 = arith.constant 0 : i32
        %dma_start3A_941 = tpu.memref_slice %arg7[%add3A_935, %dma_start3A_940] : memref<327680x128xf32, #tpu.memory_space<hbm>> -> memref<64x128xf32, #tpu.memory_space<hbm>>
        %dma_start3A_942 = arith.constant 0 : i32
        %dma_start3A_943 = tpu.memref_slice %arg7[%add3A_935, %dma_start3A_942] : memref<327680x128xf32, #tpu.memory_space<hbm>> -> memref<64x128xf32, #tpu.memory_space<hbm>>
        tpu.enqueue_dma source(%arg15 : memref<64x128xf32, #tpu.memory_space<vmem>>) target(%dma_start3A_943 : memref<64x128xf32, #tpu.memory_space<hbm>>) target_semaphore(%arg37 : memref<!tpu.dma_semaphore, #tpu.memory_space<semaphore_mem>>)
        %dma_start3A_944 = arith.constant 0 : i32
        %dma_start3A_945 = tpu.memref_slice %arg8[%add3A_935, %dma_start3A_944] : memref<327680x16xf32, #tpu.memory_space<hbm>> -> memref<64x16xf32, #tpu.memory_space<hbm>>
        %dma_start3A_946 = arith.constant 0 : i32
        %dma_start3A_947 = tpu.memref_slice %arg8[%add3A_935, %dma_start3A_946] : memref<327680x16xf32, #tpu.memory_space<hbm>> -> memref<64x16xf32, #tpu.memory_space<hbm>>
        tpu.enqueue_dma source(%arg17 : memref<64x16xf32, #tpu.memory_space<vmem>>) target(%dma_start3A_947 : memref<64x16xf32, #tpu.memory_space<hbm>>) target_semaphore(%arg39 : memref<!tpu.dma_semaphore, #tpu.memory_space<semaphore_mem>>)
      } else {
      }
      %eq3A_58 = arith.constant 1 : i32
      %eq3A_59 = arith.cmpi eq, %rem3A_55, %eq3A_58 : i32
      %convert_element_type3A_60 = arith.extui %eq3A_59 : i1 to i32
      %cond3A_61 = arith.constant 0 : i32
      %cond3A_62 = arith.cmpi ne, %convert_element_type3A_60, %cond3A_61 : i32
      scf.if %cond3A_62 {
        %mul3A_63 = arith.constant 64 : i32
        %mul3A_64 = arith.muli %scan3A_54, %mul3A_63 : i32
        %add3A_65 = arith.addi %mul3A_2, %mul3A_64 : i32
        %dma_wait3A_66 = tpu.memref_slice %arg4[%add3A_65] : memref<327680xi32, #tpu.memory_space<hbm>> -> memref<64xi32, #tpu.memory_space<hbm>>
        %dma_wait3A_67 = tpu.memref_slice %arg4[%add3A_65] : memref<327680xi32, #tpu.memory_space<hbm>> -> memref<64xi32, #tpu.memory_space<hbm>>
        tpu.wait_dma2 semaphore(%arg24 : memref<!tpu.dma_semaphore, #tpu.memory_space<semaphore_mem>>) src(%dma_wait3A_67 : memref<64xi32, #tpu.memory_space<hbm>>) dst(%arg10 : memref<64xi32, #tpu.memory_space<vmem>>)
        %dma_wait3A_68 = tpu.memref_slice %arg5[%add3A_65] : memref<327680xi32, #tpu.memory_space<hbm>> -> memref<64xi32, #tpu.memory_space<hbm>>
        %dma_wait3A_69 = tpu.memref_slice %arg5[%add3A_65] : memref<327680xi32, #tpu.memory_space<hbm>> -> memref<64xi32, #tpu.memory_space<hbm>>
        tpu.wait_dma2 semaphore(%arg26 : memref<!tpu.dma_semaphore, #tpu.memory_space<semaphore_mem>>) src(%dma_wait3A_69 : memref<64xi32, #tpu.memory_space<hbm>>) dst(%arg12 : memref<64xi32, #tpu.memory_space<vmem>>)
        %ge3A = arith.constant 2 : i32
        %ge3A_70 = arith.cmpi sge, %scan3A_54, %ge3A : i32
        %convert_element_type3A_71 = arith.extui %ge3A_70 : i1 to i32
        %cond3A_72 = arith.constant 0 : i32
        %cond3A_73 = arith.cmpi ne, %convert_element_type3A_71, %cond3A_72 : i32
        scf.if %cond3A_73 {
          %mul3A_948 = arith.constant 64 : i32
          %mul3A_949 = arith.muli %scan3A_54, %mul3A_948 : i32
          %add3A_950 = arith.addi %mul3A_2, %mul3A_949 : i32
          %dma_wait3A_951 = arith.constant 0 : i32
          %dma_wait3A_952 = tpu.memref_slice %arg6[%add3A_950, %dma_wait3A_951] : memref<327680x128xf32, #tpu.memory_space<hbm>> -> memref<64x128xf32, #tpu.memory_space<hbm>>
          %dma_wait3A_953 = arith.constant 0 : i32
          %dma_wait3A_954 = tpu.memref_slice %arg6[%add3A_950, %dma_wait3A_953] : memref<327680x128xf32, #tpu.memory_space<hbm>> -> memref<64x128xf32, #tpu.memory_space<hbm>>
          tpu.wait_dma2 semaphore(%arg36 : memref<!tpu.dma_semaphore, #tpu.memory_space<semaphore_mem>>) src(%arg14 : memref<64x128xf32, #tpu.memory_space<vmem>>) dst(%dma_wait3A_954 : memref<64x128xf32, #tpu.memory_space<hbm>>)
          %dma_wait3A_955 = arith.constant 0 : i32
          %dma_wait3A_956 = tpu.memref_slice %arg7[%add3A_950, %dma_wait3A_955] : memref<327680x128xf32, #tpu.memory_space<hbm>> -> memref<64x128xf32, #tpu.memory_space<hbm>>
          %dma_wait3A_957 = arith.constant 0 : i32
          %dma_wait3A_958 = tpu.memref_slice %arg7[%add3A_950, %dma_wait3A_957] : memref<327680x128xf32, #tpu.memory_space<hbm>> -> memref<64x128xf32, #tpu.memory_space<hbm>>
          tpu.wait_dma2 semaphore(%arg38 : memref<!tpu.dma_semaphore, #tpu.memory_space<semaphore_mem>>) src(%arg16 : memref<64x128xf32, #tpu.memory_space<vmem>>) dst(%dma_wait3A_958 : memref<64x128xf32, #tpu.memory_space<hbm>>)
          %dma_wait3A_959 = arith.constant 0 : i32
          %dma_wait3A_960 = tpu.memref_slice %arg8[%add3A_950, %dma_wait3A_959] : memref<327680x16xf32, #tpu.memory_space<hbm>> -> memref<64x16xf32, #tpu.memory_space<hbm>>
          %dma_wait3A_961 = arith.constant 0 : i32
          %dma_wait3A_962 = tpu.memref_slice %arg8[%add3A_950, %dma_wait3A_961] : memref<327680x16xf32, #tpu.memory_space<hbm>> -> memref<64x16xf32, #tpu.memory_space<hbm>>
          tpu.wait_dma2 semaphore(%arg40 : memref<!tpu.dma_semaphore, #tpu.memory_space<semaphore_mem>>) src(%arg18 : memref<64x16xf32, #tpu.memory_space<vmem>>) dst(%dma_wait3A_962 : memref<64x16xf32, #tpu.memory_space<hbm>>)
        } else {
        }
        %dma_start3A_74 = arith.constant 0 : i32
        %dma_start3A_75 = arith.constant 0 : i32
        %dma_start3A_76 = tpu.memref_slice %arg21[%dma_start3A_74, %dma_start3A_75] : memref<10000x128xf32, #tpu.memory_space<vmem_shared>> -> memref<10000x128xf32, #tpu.memory_space<vmem_shared>>
        tpu.enqueue_indirect_dma source(%dma_start3A_76 : memref<10000x128xf32, #tpu.memory_space<vmem_shared>>) target(%arg14 : memref<64x128xf32, #tpu.memory_space<vmem>>) offsets(%arg10 : memref<64xi32, #tpu.memory_space<vmem>>) semaphore(%arg28 : memref<!tpu.dma_semaphore, #tpu.memory_space<semaphore_mem>>)
        %dma_start3A_77 = arith.constant 0 : i32
        %dma_start3A_78 = arith.constant 0 : i32
        %dma_start3A_79 = tpu.memref_slice %arg21[%dma_start3A_77, %dma_start3A_78] : memref<10000x128xf32, #tpu.memory_space<vmem_shared>> -> memref<10000x128xf32, #tpu.memory_space<vmem_shared>>
        tpu.enqueue_indirect_dma source(%dma_start3A_79 : memref<10000x128xf32, #tpu.memory_space<vmem_shared>>) target(%arg16 : memref<64x128xf32, #tpu.memory_space<vmem>>) offsets(%arg12 : memref<64xi32, #tpu.memory_space<vmem>>) semaphore(%arg30 : memref<!tpu.dma_semaphore, #tpu.memory_space<semaphore_mem>>)
        %dma_start3A_80 = arith.constant 0 : i32
        %dma_start3A_81 = arith.constant 0 : i32
        %dma_start3A_82 = tpu.memref_slice %arg22[%dma_start3A_80, %dma_start3A_81] : memref<10000x16xf32, #tpu.memory_space<vmem_shared>> -> memref<10000x16xf32, #tpu.memory_space<vmem_shared>>
        tpu.enqueue_indirect_dma source(%dma_start3A_82 : memref<10000x16xf32, #tpu.memory_space<vmem_shared>>) target(%arg18 : memref<64x16xf32, #tpu.memory_space<vmem>>) offsets(%arg10 : memref<64xi32, #tpu.memory_space<vmem>>) semaphore(%arg32 : memref<!tpu.dma_semaphore, #tpu.memory_space<semaphore_mem>>)
        %dma_start3A_83 = arith.constant 0 : i32
        %dma_start3A_84 = arith.constant 0 : i32
        %dma_start3A_85 = tpu.memref_slice %arg22[%dma_start3A_83, %dma_start3A_84] : memref<10000x16xf32, #tpu.memory_space<vmem_shared>> -> memref<10000x16xf32, #tpu.memory_space<vmem_shared>>
        tpu.enqueue_indirect_dma source(%dma_start3A_85 : memref<10000x16xf32, #tpu.memory_space<vmem_shared>>) target(%arg20 : memref<64x16xf32, #tpu.memory_space<vmem>>) offsets(%arg12 : memref<64xi32, #tpu.memory_space<vmem>>) semaphore(%arg34 : memref<!tpu.dma_semaphore, #tpu.memory_space<semaphore_mem>>)
        %dma_wait3A_86 = arith.constant 0 : i32
        %dma_wait3A_87 = arith.constant 0 : i32
        %dma_wait3A_88 = tpu.memref_slice %arg22[%dma_wait3A_86, %dma_wait3A_87] : memref<10000x16xf32, #tpu.memory_space<vmem_shared>> -> memref<10000x16xf32, #tpu.memory_space<vmem_shared>>
        tpu.wait_indirect_dma semaphore(%arg32 : memref<!tpu.dma_semaphore, #tpu.memory_space<semaphore_mem>>) src(%dma_wait3A_88 : memref<10000x16xf32, #tpu.memory_space<vmem_shared>>) dst(%arg18 : memref<64x16xf32, #tpu.memory_space<vmem>>)
        %dma_wait3A_89 = arith.constant 0 : i32
        %dma_wait3A_90 = arith.constant 0 : i32
        %dma_wait3A_91 = tpu.memref_slice %arg22[%dma_wait3A_89, %dma_wait3A_90] : memref<10000x16xf32, #tpu.memory_space<vmem_shared>> -> memref<10000x16xf32, #tpu.memory_space<vmem_shared>>
        tpu.wait_indirect_dma semaphore(%arg34 : memref<!tpu.dma_semaphore, #tpu.memory_space<semaphore_mem>>) src(%dma_wait3A_91 : memref<10000x16xf32, #tpu.memory_space<vmem_shared>>) dst(%arg20 : memref<64x16xf32, #tpu.memory_space<vmem>>)
        %get3A = arith.constant 0 : i32
        %get3A_92 = arith.index_cast %get3A : i32 to index
        %get3A_93 = arith.constant 0 : index
        %get3A_94 = tpu.vector_load %arg18[%get3A_92, %get3A_93] {strides = array<i32>} : memref<64x16xf32, #tpu.memory_space<vmem>>, vector<16xf32>,
        %get3A_95 = arith.constant 0 : i32
        %get3A_96 = arith.index_cast %get3A_95 : i32 to index
        %get3A_97 = arith.constant 0 : index
        %get3A_98 = tpu.vector_load %arg20[%get3A_96, %get3A_97] {strides = array<i32>} : memref<64x16xf32, #tpu.memory_space<vmem>>, vector<16xf32>,
        %sub3A = arith.subf %get3A_94, %get3A_98 : vector<16xf32>
        %swap3A = arith.constant 0 : i32
        %swap3A_99 = arith.index_cast %swap3A : i32 to index
        %swap3A_100 = arith.constant 0 : index
        %swap3A_101 = tpu.vector_load %arg18[%swap3A_99, %swap3A_100] {strides = array<i32>} : memref<64x16xf32, #tpu.memory_space<vmem>>, vector<16xf32>,
        tpu.vector_store %arg18[%swap3A_99, %swap3A_100], %sub3A {strides = array<i32>} : memref<64x16xf32, #tpu.memory_space<vmem>>, vector<16xf32>,
        %get3A_102 = arith.constant 1 : i32
        %get3A_103 = arith.index_cast %get3A_102 : i32 to index
        %get3A_104 = arith.constant 0 : index
        %get3A_105 = tpu.vector_load %arg18[%get3A_103, %get3A_104] {strides = array<i32>} : memref<64x16xf32, #tpu.memory_space<vmem>>, vector<16xf32>,
        %get3A_106 = arith.constant 1 : i32
        %get3A_107 = arith.index_cast %get3A_106 : i32 to index
        %get3A_108 = arith.constant 0 : index
        %get3A_109 = tpu.vector_load %arg20[%get3A_107, %get3A_108] {strides = array<i32>} : memref<64x16xf32, #tpu.memory_space<vmem>>, vector<16xf32>,
        %sub3A_110 = arith.subf %get3A_105, %get3A_109 : vector<16xf32>
        %swap3A_111 = arith.constant 1 : i32
        %swap3A_112 = arith.index_cast %swap3A_111 : i32 to index
        %swap3A_113 = arith.constant 0 : index
        %swap3A_114 = tpu.vector_load %arg18[%swap3A_112, %swap3A_113] {strides = array<i32>} : memref<64x16xf32, #tpu.memory_space<vmem>>, vector<16xf32>,
        tpu.vector_store %arg18[%swap3A_112, %swap3A_113], %sub3A_110 {strides = array<i32>} : memref<64x16xf32, #tpu.memory_space<vmem>>, vector<16xf32>,
        %get3A_115 = arith.constant 2 : i32
        %get3A_116 = arith.index_cast %get3A_115 : i32 to index
        %get3A_117 = arith.constant 0 : index
        %get3A_118 = tpu.vector_load %arg18[%get3A_116, %get3A_117] {strides = array<i32>} : memref<64x16xf32, #tpu.memory_space<vmem>>, vector<16xf32>,
        %get3A_119 = arith.constant 2 : i32
        %get3A_120 = arith.index_cast %get3A_119 : i32 to index
        %get3A_121 = arith.constant 0 : index
        %get3A_122 = tpu.vector_load %arg20[%get3A_120, %get3A_121] {strides = array<i32>} : memref<64x16xf32, #tpu.memory_space<vmem>>, vector<16xf32>,
        %sub3A_123 = arith.subf %get3A_118, %get3A_122 : vector<16xf32>
        %swap3A_124 = arith.constant 2 : i32
        %swap3A_125 = arith.index_cast %swap3A_124 : i32 to index
        %swap3A_126 = arith.constant 0 : index
        %swap3A_127 = tpu.vector_load %arg18[%swap3A_125, %swap3A_126] {strides = array<i32>} : memref<64x16xf32, #tpu.memory_space<vmem>>, vector<16xf32>,
        tpu.vector_store %arg18[%swap3A_125, %swap3A_126], %sub3A_123 {strides = array<i32>} : memref<64x16xf32, #tpu.memory_space<vmem>>, vector<16xf32>,
        %get3A_128 = arith.constant 3 : i32
        %get3A_129 = arith.index_cast %get3A_128 : i32 to index
        %get3A_130 = arith.constant 0 : index
        %get3A_131 = tpu.vector_load %arg18[%get3A_129, %get3A_130] {strides = array<i32>} : memref<64x16xf32, #tpu.memory_space<vmem>>, vector<16xf32>,
        %get3A_132 = arith.constant 3 : i32
        %get3A_133 = arith.index_cast %get3A_132 : i32 to index
        %get3A_134 = arith.constant 0 : index
        %get3A_135 = tpu.vector_load %arg20[%get3A_133, %get3A_134] {strides = array<i32>} : memref<64x16xf32, #tpu.memory_space<vmem>>, vector<16xf32>,
        %sub3A_136 = arith.subf %get3A_131, %get3A_135 : vector<16xf32>
        %swap3A_137 = arith.constant 3 : i32
        %swap3A_138 = arith.index_cast %swap3A_137 : i32 to index
        %swap3A_139 = arith.constant 0 : index
        %swap3A_140 = tpu.vector_load %arg18[%swap3A_138, %swap3A_139] {strides = array<i32>} : memref<64x16xf32, #tpu.memory_space<vmem>>, vector<16xf32>,
        tpu.vector_store %arg18[%swap3A_138, %swap3A_139], %sub3A_136 {strides = array<i32>} : memref<64x16xf32, #tpu.memory_space<vmem>>, vector<16xf32>,
        %get3A_141 = arith.constant 4 : i32
        %get3A_142 = arith.index_cast %get3A_141 : i32 to index
        %get3A_143 = arith.constant 0 : index
        %get3A_144 = tpu.vector_load %arg18[%get3A_142, %get3A_143] {strides = array<i32>} : memref<64x16xf32, #tpu.memory_space<vmem>>, vector<16xf32>,
        %get3A_145 = arith.constant 4 : i32
        %get3A_146 = arith.index_cast %get3A_145 : i32 to index
        %get3A_147 = arith.constant 0 : index
        %get3A_148 = tpu.vector_load %arg20[%get3A_146, %get3A_147] {strides = array<i32>} : memref<64x16xf32, #tpu.memory_space<vmem>>, vector<16xf32>,
        %sub3A_149 = arith.subf %get3A_144, %get3A_148 : vector<16xf32>
        %swap3A_150 = arith.constant 4 : i32
        %swap3A_151 = arith.index_cast %swap3A_150 : i32 to index
        %swap3A_152 = arith.constant 0 : index
        %swap3A_153 = tpu.vector_load %arg18[%swap3A_151, %swap3A_152] {strides = array<i32>} : memref<64x16xf32, #tpu.memory_space<vmem>>, vector<16xf32>,
        tpu.vector_store %arg18[%swap3A_151, %swap3A_152], %sub3A_149 {strides = array<i32>} : memref<64x16xf32, #tpu.memory_space<vmem>>, vector<16xf32>,
        %get3A_154 = arith.constant 5 : i32
        %get3A_155 = arith.index_cast %get3A_154 : i32 to index
        %get3A_156 = arith.constant 0 : index
        %get3A_157 = tpu.vector_load %arg18[%get3A_155, %get3A_156] {strides = array<i32>} : memref<64x16xf32, #tpu.memory_space<vmem>>, vector<16xf32>,
        %get3A_158 = arith.constant 5 : i32
        %get3A_159 = arith.index_cast %get3A_158 : i32 to index
        %get3A_160 = arith.constant 0 : index
        %get3A_161 = tpu.vector_load %arg20[%get3A_159, %get3A_160] {strides = array<i32>} : memref<64x16xf32, #tpu.memory_space<vmem>>, vector<16xf32>,
        %sub3A_162 = arith.subf %get3A_157, %get3A_161 : vector<16xf32>
        %swap3A_163 = arith.constant 5 : i32
        %swap3A_164 = arith.index_cast %swap3A_163 : i32 to index
        %swap3A_165 = arith.constant 0 : index
        %swap3A_166 = tpu.vector_load %arg18[%swap3A_164, %swap3A_165] {strides = array<i32>} : memref<64x16xf32, #tpu.memory_space<vmem>>, vector<16xf32>,
        tpu.vector_store %arg18[%swap3A_164, %swap3A_165], %sub3A_162 {strides = array<i32>} : memref<64x16xf32, #tpu.memory_space<vmem>>, vector<16xf32>,
        %get3A_167 = arith.constant 6 : i32
        %get3A_168 = arith.index_cast %get3A_167 : i32 to index
        %get3A_169 = arith.constant 0 : index
        %get3A_170 = tpu.vector_load %arg18[%get3A_168, %get3A_169] {strides = array<i32>} : memref<64x16xf32, #tpu.memory_space<vmem>>, vector<16xf32>,
        %get3A_171 = arith.constant 6 : i32
        %get3A_172 = arith.index_cast %get3A_171 : i32 to index
        %get3A_173 = arith.constant 0 : index
        %get3A_174 = tpu.vector_load %arg20[%get3A_172, %get3A_173] {strides = array<i32>} : memref<64x16xf32, #tpu.memory_space<vmem>>, vector<16xf32>,
        %sub3A_175 = arith.subf %get3A_170, %get3A_174 : vector<16xf32>
        %swap3A_176 = arith.constant 6 : i32
        %swap3A_177 = arith.index_cast %swap3A_176 : i32 to index
        %swap3A_178 = arith.constant 0 : index
        %swap3A_179 = tpu.vector_load %arg18[%swap3A_177, %swap3A_178] {strides = array<i32>} : memref<64x16xf32, #tpu.memory_space<vmem>>, vector<16xf32>,
        tpu.vector_store %arg18[%swap3A_177, %swap3A_178], %sub3A_175 {strides = array<i32>} : memref<64x16xf32, #tpu.memory_space<vmem>>, vector<16xf32>,
        %get3A_180 = arith.constant 7 : i32
        %get3A_181 = arith.index_cast %get3A_180 : i32 to index
        %get3A_182 = arith.constant 0 : index
        %get3A_183 = tpu.vector_load %arg18[%get3A_181, %get3A_182] {strides = array<i32>} : memref<64x16xf32, #tpu.memory_space<vmem>>, vector<16xf32>,
        %get3A_184 = arith.constant 7 : i32
        %get3A_185 = arith.index_cast %get3A_184 : i32 to index
        %get3A_186 = arith.constant 0 : index
        %get3A_187 = tpu.vector_load %arg20[%get3A_185, %get3A_186] {strides = array<i32>} : memref<64x16xf32, #tpu.memory_space<vmem>>, vector<16xf32>,
        %sub3A_188 = arith.subf %get3A_183, %get3A_187 : vector<16xf32>
        %swap3A_189 = arith.constant 7 : i32
        %swap3A_190 = arith.index_cast %swap3A_189 : i32 to index
        %swap3A_191 = arith.constant 0 : index
        %swap3A_192 = tpu.vector_load %arg18[%swap3A_190, %swap3A_191] {strides = array<i32>} : memref<64x16xf32, #tpu.memory_space<vmem>>, vector<16xf32>,
        tpu.vector_store %arg18[%swap3A_190, %swap3A_191], %sub3A_188 {strides = array<i32>} : memref<64x16xf32, #tpu.memory_space<vmem>>, vector<16xf32>,
        %get3A_193 = arith.constant 8 : i32
        %get3A_194 = arith.index_cast %get3A_193 : i32 to index
        %get3A_195 = arith.constant 0 : index
        %get3A_196 = tpu.vector_load %arg18[%get3A_194, %get3A_195] {strides = array<i32>} : memref<64x16xf32, #tpu.memory_space<vmem>>, vector<16xf32>,
        %get3A_197 = arith.constant 8 : i32
        %get3A_198 = arith.index_cast %get3A_197 : i32 to index
        %get3A_199 = arith.constant 0 : index
        %get3A_200 = tpu.vector_load %arg20[%get3A_198, %get3A_199] {strides = array<i32>} : memref<64x16xf32, #tpu.memory_space<vmem>>, vector<16xf32>,
        %sub3A_201 = arith.subf %get3A_196, %get3A_200 : vector<16xf32>
        %swap3A_202 = arith.constant 8 : i32
        %swap3A_203 = arith.index_cast %swap3A_202 : i32 to index
        %swap3A_204 = arith.constant 0 : index
        %swap3A_205 = tpu.vector_load %arg18[%swap3A_203, %swap3A_204] {strides = array<i32>} : memref<64x16xf32, #tpu.memory_space<vmem>>, vector<16xf32>,
        tpu.vector_store %arg18[%swap3A_203, %swap3A_204], %sub3A_201 {strides = array<i32>} : memref<64x16xf32, #tpu.memory_space<vmem>>, vector<16xf32>,
        %get3A_206 = arith.constant 9 : i32
        %get3A_207 = arith.index_cast %get3A_206 : i32 to index
        %get3A_208 = arith.constant 0 : index
        %get3A_209 = tpu.vector_load %arg18[%get3A_207, %get3A_208] {strides = array<i32>} : memref<64x16xf32, #tpu.memory_space<vmem>>, vector<16xf32>,
        %get3A_210 = arith.constant 9 : i32
        %get3A_211 = arith.index_cast %get3A_210 : i32 to index
        %get3A_212 = arith.constant 0 : index
        %get3A_213 = tpu.vector_load %arg20[%get3A_211, %get3A_212] {strides = array<i32>} : memref<64x16xf32, #tpu.memory_space<vmem>>, vector<16xf32>,
        %sub3A_214 = arith.subf %get3A_209, %get3A_213 : vector<16xf32>
        %swap3A_215 = arith.constant 9 : i32
        %swap3A_216 = arith.index_cast %swap3A_215 : i32 to index
        %swap3A_217 = arith.constant 0 : index
        %swap3A_218 = tpu.vector_load %arg18[%swap3A_216, %swap3A_217] {strides = array<i32>} : memref<64x16xf32, #tpu.memory_space<vmem>>, vector<16xf32>,
        tpu.vector_store %arg18[%swap3A_216, %swap3A_217], %sub3A_214 {strides = array<i32>} : memref<64x16xf32, #tpu.memory_space<vmem>>, vector<16xf32>,
        %get3A_219 = arith.constant 10 : i32
        %get3A_220 = arith.index_cast %get3A_219 : i32 to index
        %get3A_221 = arith.constant 0 : index
        %get3A_222 = tpu.vector_load %arg18[%get3A_220, %get3A_221] {strides = array<i32>} : memref<64x16xf32, #tpu.memory_space<vmem>>, vector<16xf32>,
        %get3A_223 = arith.constant 10 : i32
        %get3A_224 = arith.index_cast %get3A_223 : i32 to index
        %get3A_225 = arith.constant 0 : index
        %get3A_226 = tpu.vector_load %arg20[%get3A_224, %get3A_225] {strides = array<i32>} : memref<64x16xf32, #tpu.memory_space<vmem>>, vector<16xf32>,
        %sub3A_227 = arith.subf %get3A_222, %get3A_226 : vector<16xf32>
        %swap3A_228 = arith.constant 10 : i32
        %swap3A_229 = arith.index_cast %swap3A_228 : i32 to index
        %swap3A_230 = arith.constant 0 : index
        %swap3A_231 = tpu.vector_load %arg18[%swap3A_229, %swap3A_230] {strides = array<i32>} : memref<64x16xf32, #tpu.memory_space<vmem>>, vector<16xf32>,
        tpu.vector_store %arg18[%swap3A_229, %swap3A_230], %sub3A_227 {strides = array<i32>} : memref<64x16xf32, #tpu.memory_space<vmem>>, vector<16xf32>,
        %get3A_232 = arith.constant 11 : i32
        %get3A_233 = arith.index_cast %get3A_232 : i32 to index
        %get3A_234 = arith.constant 0 : index
        %get3A_235 = tpu.vector_load %arg18[%get3A_233, %get3A_234] {strides = array<i32>} : memref<64x16xf32, #tpu.memory_space<vmem>>, vector<16xf32>,
        %get3A_236 = arith.constant 11 : i32
        %get3A_237 = arith.index_cast %get3A_236 : i32 to index
        %get3A_238 = arith.constant 0 : index
        %get3A_239 = tpu.vector_load %arg20[%get3A_237, %get3A_238] {strides = array<i32>} : memref<64x16xf32, #tpu.memory_space<vmem>>, vector<16xf32>,
        %sub3A_240 = arith.subf %get3A_235, %get3A_239 : vector<16xf32>
        %swap3A_241 = arith.constant 11 : i32
        %swap3A_242 = arith.index_cast %swap3A_241 : i32 to index
        %swap3A_243 = arith.constant 0 : index
        %swap3A_244 = tpu.vector_load %arg18[%swap3A_242, %swap3A_243] {strides = array<i32>} : memref<64x16xf32, #tpu.memory_space<vmem>>, vector<16xf32>,
        tpu.vector_store %arg18[%swap3A_242, %swap3A_243], %sub3A_240 {strides = array<i32>} : memref<64x16xf32, #tpu.memory_space<vmem>>, vector<16xf32>,
        %get3A_245 = arith.constant 12 : i32
        %get3A_246 = arith.index_cast %get3A_245 : i32 to index
        %get3A_247 = arith.constant 0 : index
        %get3A_248 = tpu.vector_load %arg18[%get3A_246, %get3A_247] {strides = array<i32>} : memref<64x16xf32, #tpu.memory_space<vmem>>, vector<16xf32>,
        %get3A_249 = arith.constant 12 : i32
        %get3A_250 = arith.index_cast %get3A_249 : i32 to index
        %get3A_251 = arith.constant 0 : index
        %get3A_252 = tpu.vector_load %arg20[%get3A_250, %get3A_251] {strides = array<i32>} : memref<64x16xf32, #tpu.memory_space<vmem>>, vector<16xf32>,
        %sub3A_253 = arith.subf %get3A_248, %get3A_252 : vector<16xf32>
        %swap3A_254 = arith.constant 12 : i32
        %swap3A_255 = arith.index_cast %swap3A_254 : i32 to index
        %swap3A_256 = arith.constant 0 : index
        %swap3A_257 = tpu.vector_load %arg18[%swap3A_255, %swap3A_256] {strides = array<i32>} : memref<64x16xf32, #tpu.memory_space<vmem>>, vector<16xf32>,
        tpu.vector_store %arg18[%swap3A_255, %swap3A_256], %sub3A_253 {strides = array<i32>} : memref<64x16xf32, #tpu.memory_space<vmem>>, vector<16xf32>,
        %get3A_258 = arith.constant 13 : i32
        %get3A_259 = arith.index_cast %get3A_258 : i32 to index
        %get3A_260 = arith.constant 0 : index
        %get3A_261 = tpu.vector_load %arg18[%get3A_259, %get3A_260] {strides = array<i32>} : memref<64x16xf32, #tpu.memory_space<vmem>>, vector<16xf32>,
        %get3A_262 = arith.constant 13 : i32
        %get3A_263 = arith.index_cast %get3A_262 : i32 to index
        %get3A_264 = arith.constant 0 : index
        %get3A_265 = tpu.vector_load %arg20[%get3A_263, %get3A_264] {strides = array<i32>} : memref<64x16xf32, #tpu.memory_space<vmem>>, vector<16xf32>,
        %sub3A_266 = arith.subf %get3A_261, %get3A_265 : vector<16xf32>
        %swap3A_267 = arith.constant 13 : i32
        %swap3A_268 = arith.index_cast %swap3A_267 : i32 to index
        %swap3A_269 = arith.constant 0 : index
        %swap3A_270 = tpu.vector_load %arg18[%swap3A_268, %swap3A_269] {strides = array<i32>} : memref<64x16xf32, #tpu.memory_space<vmem>>, vector<16xf32>,
        tpu.vector_store %arg18[%swap3A_268, %swap3A_269], %sub3A_266 {strides = array<i32>} : memref<64x16xf32, #tpu.memory_space<vmem>>, vector<16xf32>,
        %get3A_271 = arith.constant 14 : i32
        %get3A_272 = arith.index_cast %get3A_271 : i32 to index
        %get3A_273 = arith.constant 0 : index
        %get3A_274 = tpu.vector_load %arg18[%get3A_272, %get3A_273] {strides = array<i32>} : memref<64x16xf32, #tpu.memory_space<vmem>>, vector<16xf32>,
        %get3A_275 = arith.constant 14 : i32
        %get3A_276 = arith.index_cast %get3A_275 : i32 to index
        %get3A_277 = arith.constant 0 : index
        %get3A_278 = tpu.vector_load %arg20[%get3A_276, %get3A_277] {strides = array<i32>} : memref<64x16xf32, #tpu.memory_space<vmem>>, vector<16xf32>,
        %sub3A_279 = arith.subf %get3A_274, %get3A_278 : vector<16xf32>
        %swap3A_280 = arith.constant 14 : i32
        %swap3A_281 = arith.index_cast %swap3A_280 : i32 to index
        %swap3A_282 = arith.constant 0 : index
        %swap3A_283 = tpu.vector_load %arg18[%swap3A_281, %swap3A_282] {strides = array<i32>} : memref<64x16xf32, #tpu.memory_space<vmem>>, vector<16xf32>,
        tpu.vector_store %arg18[%swap3A_281, %swap3A_282], %sub3A_279 {strides = array<i32>} : memref<64x16xf32, #tpu.memory_space<vmem>>, vector<16xf32>,
        %get3A_284 = arith.constant 15 : i32
        %get3A_285 = arith.index_cast %get3A_284 : i32 to index
        %get3A_286 = arith.constant 0 : index
        %get3A_287 = tpu.vector_load %arg18[%get3A_285, %get3A_286] {strides = array<i32>} : memref<64x16xf32, #tpu.memory_space<vmem>>, vector<16xf32>,
        %get3A_288 = arith.constant 15 : i32
        %get3A_289 = arith.index_cast %get3A_288 : i32 to index
        %get3A_290 = arith.constant 0 : index
        %get3A_291 = tpu.vector_load %arg20[%get3A_289, %get3A_290] {strides = array<i32>} : memref<64x16xf32, #tpu.memory_space<vmem>>, vector<16xf32>,
        %sub3A_292 = arith.subf %get3A_287, %get3A_291 : vector<16xf32>
        %swap3A_293 = arith.constant 15 : i32
        %swap3A_294 = arith.index_cast %swap3A_293 : i32 to index
        %swap3A_295 = arith.constant 0 : index
        %swap3A_296 = tpu.vector_load %arg18[%swap3A_294, %swap3A_295] {strides = array<i32>} : memref<64x16xf32, #tpu.memory_space<vmem>>, vector<16xf32>,
        tpu.vector_store %arg18[%swap3A_294, %swap3A_295], %sub3A_292 {strides = array<i32>} : memref<64x16xf32, #tpu.memory_space<vmem>>, vector<16xf32>,
        %get3A_297 = arith.constant 16 : i32
        %get3A_298 = arith.index_cast %get3A_297 : i32 to index
        %get3A_299 = arith.constant 0 : index
        %get3A_300 = tpu.vector_load %arg18[%get3A_298, %get3A_299] {strides = array<i32>} : memref<64x16xf32, #tpu.memory_space<vmem>>, vector<16xf32>,
        %get3A_301 = arith.constant 16 : i32
        %get3A_302 = arith.index_cast %get3A_301 : i32 to index
        %get3A_303 = arith.constant 0 : index
        %get3A_304 = tpu.vector_load %arg20[%get3A_302, %get3A_303] {strides = array<i32>} : memref<64x16xf32, #tpu.memory_space<vmem>>, vector<16xf32>,
        %sub3A_305 = arith.subf %get3A_300, %get3A_304 : vector<16xf32>
        %swap3A_306 = arith.constant 16 : i32
        %swap3A_307 = arith.index_cast %swap3A_306 : i32 to index
        %swap3A_308 = arith.constant 0 : index
        %swap3A_309 = tpu.vector_load %arg18[%swap3A_307, %swap3A_308] {strides = array<i32>} : memref<64x16xf32, #tpu.memory_space<vmem>>, vector<16xf32>,
        tpu.vector_store %arg18[%swap3A_307, %swap3A_308], %sub3A_305 {strides = array<i32>} : memref<64x16xf32, #tpu.memory_space<vmem>>, vector<16xf32>,
        %get3A_310 = arith.constant 17 : i32
        %get3A_311 = arith.index_cast %get3A_310 : i32 to index
        %get3A_312 = arith.constant 0 : index
        %get3A_313 = tpu.vector_load %arg18[%get3A_311, %get3A_312] {strides = array<i32>} : memref<64x16xf32, #tpu.memory_space<vmem>>, vector<16xf32>,
        %get3A_314 = arith.constant 17 : i32
        %get3A_315 = arith.index_cast %get3A_314 : i32 to index
        %get3A_316 = arith.constant 0 : index
        %get3A_317 = tpu.vector_load %arg20[%get3A_315, %get3A_316] {strides = array<i32>} : memref<64x16xf32, #tpu.memory_space<vmem>>, vector<16xf32>,
        %sub3A_318 = arith.subf %get3A_313, %get3A_317 : vector<16xf32>
        %swap3A_319 = arith.constant 17 : i32
        %swap3A_320 = arith.index_cast %swap3A_319 : i32 to index
        %swap3A_321 = arith.constant 0 : index
        %swap3A_322 = tpu.vector_load %arg18[%swap3A_320, %swap3A_321] {strides = array<i32>} : memref<64x16xf32, #tpu.memory_space<vmem>>, vector<16xf32>,
        tpu.vector_store %arg18[%swap3A_320, %swap3A_321], %sub3A_318 {strides = array<i32>} : memref<64x16xf32, #tpu.memory_space<vmem>>, vector<16xf32>,
        %get3A_323 = arith.constant 18 : i32
        %get3A_324 = arith.index_cast %get3A_323 : i32 to index
        %get3A_325 = arith.constant 0 : index
        %get3A_326 = tpu.vector_load %arg18[%get3A_324, %get3A_325] {strides = array<i32>} : memref<64x16xf32, #tpu.memory_space<vmem>>, vector<16xf32>,
        %get3A_327 = arith.constant 18 : i32
        %get3A_328 = arith.index_cast %get3A_327 : i32 to index
        %get3A_329 = arith.constant 0 : index
        %get3A_330 = tpu.vector_load %arg20[%get3A_328, %get3A_329] {strides = array<i32>} : memref<64x16xf32, #tpu.memory_space<vmem>>, vector<16xf32>,
        %sub3A_331 = arith.subf %get3A_326, %get3A_330 : vector<16xf32>
        %swap3A_332 = arith.constant 18 : i32
        %swap3A_333 = arith.index_cast %swap3A_332 : i32 to index
        %swap3A_334 = arith.constant 0 : index
        %swap3A_335 = tpu.vector_load %arg18[%swap3A_333, %swap3A_334] {strides = array<i32>} : memref<64x16xf32, #tpu.memory_space<vmem>>, vector<16xf32>,
        tpu.vector_store %arg18[%swap3A_333, %swap3A_334], %sub3A_331 {strides = array<i32>} : memref<64x16xf32, #tpu.memory_space<vmem>>, vector<16xf32>,
        %get3A_336 = arith.constant 19 : i32
        %get3A_337 = arith.index_cast %get3A_336 : i32 to index
        %get3A_338 = arith.constant 0 : index
        %get3A_339 = tpu.vector_load %arg18[%get3A_337, %get3A_338] {strides = array<i32>} : memref<64x16xf32, #tpu.memory_space<vmem>>, vector<16xf32>,
        %get3A_340 = arith.constant 19 : i32
        %get3A_341 = arith.index_cast %get3A_340 : i32 to index
        %get3A_342 = arith.constant 0 : index
        %get3A_343 = tpu.vector_load %arg20[%get3A_341, %get3A_342] {strides = array<i32>} : memref<64x16xf32, #tpu.memory_space<vmem>>, vector<16xf32>,
        %sub3A_344 = arith.subf %get3A_339, %get3A_343 : vector<16xf32>
        %swap3A_345 = arith.constant 19 : i32
        %swap3A_346 = arith.index_cast %swap3A_345 : i32 to index
        %swap3A_347 = arith.constant 0 : index
        %swap3A_348 = tpu.vector_load %arg18[%swap3A_346, %swap3A_347] {strides = array<i32>} : memref<64x16xf32, #tpu.memory_space<vmem>>, vector<16xf32>,
        tpu.vector_store %arg18[%swap3A_346, %swap3A_347], %sub3A_344 {strides = array<i32>} : memref<64x16xf32, #tpu.memory_space<vmem>>, vector<16xf32>,
        %get3A_349 = arith.constant 20 : i32
        %get3A_350 = arith.index_cast %get3A_349 : i32 to index
        %get3A_351 = arith.constant 0 : index
        %get3A_352 = tpu.vector_load %arg18[%get3A_350, %get3A_351] {strides = array<i32>} : memref<64x16xf32, #tpu.memory_space<vmem>>, vector<16xf32>,
        %get3A_353 = arith.constant 20 : i32
        %get3A_354 = arith.index_cast %get3A_353 : i32 to index
        %get3A_355 = arith.constant 0 : index
        %get3A_356 = tpu.vector_load %arg20[%get3A_354, %get3A_355] {strides = array<i32>} : memref<64x16xf32, #tpu.memory_space<vmem>>, vector<16xf32>,
        %sub3A_357 = arith.subf %get3A_352, %get3A_356 : vector<16xf32>
        %swap3A_358 = arith.constant 20 : i32
        %swap3A_359 = arith.index_cast %swap3A_358 : i32 to index
        %swap3A_360 = arith.constant 0 : index
        %swap3A_361 = tpu.vector_load %arg18[%swap3A_359, %swap3A_360] {strides = array<i32>} : memref<64x16xf32, #tpu.memory_space<vmem>>, vector<16xf32>,
        tpu.vector_store %arg18[%swap3A_359, %swap3A_360], %sub3A_357 {strides = array<i32>} : memref<64x16xf32, #tpu.memory_space<vmem>>, vector<16xf32>,
        %get3A_362 = arith.constant 21 : i32
        %get3A_363 = arith.index_cast %get3A_362 : i32 to index
        %get3A_364 = arith.constant 0 : index
        %get3A_365 = tpu.vector_load %arg18[%get3A_363, %get3A_364] {strides = array<i32>} : memref<64x16xf32, #tpu.memory_space<vmem>>, vector<16xf32>,
        %get3A_366 = arith.constant 21 : i32
        %get3A_367 = arith.index_cast %get3A_366 : i32 to index
        %get3A_368 = arith.constant 0 : index
        %get3A_369 = tpu.vector_load %arg20[%get3A_367, %get3A_368] {strides = array<i32>} : memref<64x16xf32, #tpu.memory_space<vmem>>, vector<16xf32>,
        %sub3A_370 = arith.subf %get3A_365, %get3A_369 : vector<16xf32>
        %swap3A_371 = arith.constant 21 : i32
        %swap3A_372 = arith.index_cast %swap3A_371 : i32 to index
        %swap3A_373 = arith.constant 0 : index
        %swap3A_374 = tpu.vector_load %arg18[%swap3A_372, %swap3A_373] {strides = array<i32>} : memref<64x16xf32, #tpu.memory_space<vmem>>, vector<16xf32>,
        tpu.vector_store %arg18[%swap3A_372, %swap3A_373], %sub3A_370 {strides = array<i32>} : memref<64x16xf32, #tpu.memory_space<vmem>>, vector<16xf32>,
        %get3A_375 = arith.constant 22 : i32
        %get3A_376 = arith.index_cast %get3A_375 : i32 to index
        %get3A_377 = arith.constant 0 : index
        %get3A_378 = tpu.vector_load %arg18[%get3A_376, %get3A_377] {strides = array<i32>} : memref<64x16xf32, #tpu.memory_space<vmem>>, vector<16xf32>,
        %get3A_379 = arith.constant 22 : i32
        %get3A_380 = arith.index_cast %get3A_379 : i32 to index
        %get3A_381 = arith.constant 0 : index
        %get3A_382 = tpu.vector_load %arg20[%get3A_380, %get3A_381] {strides = array<i32>} : memref<64x16xf32, #tpu.memory_space<vmem>>, vector<16xf32>,
        %sub3A_383 = arith.subf %get3A_378, %get3A_382 : vector<16xf32>
        %swap3A_384 = arith.constant 22 : i32
        %swap3A_385 = arith.index_cast %swap3A_384 : i32 to index
        %swap3A_386 = arith.constant 0 : index
        %swap3A_387 = tpu.vector_load %arg18[%swap3A_385, %swap3A_386] {strides = array<i32>} : memref<64x16xf32, #tpu.memory_space<vmem>>, vector<16xf32>,
        tpu.vector_store %arg18[%swap3A_385, %swap3A_386], %sub3A_383 {strides = array<i32>} : memref<64x16xf32, #tpu.memory_space<vmem>>, vector<16xf32>,
        %get3A_388 = arith.constant 23 : i32
        %get3A_389 = arith.index_cast %get3A_388 : i32 to index
        %get3A_390 = arith.constant 0 : index
        %get3A_391 = tpu.vector_load %arg18[%get3A_389, %get3A_390] {strides = array<i32>} : memref<64x16xf32, #tpu.memory_space<vmem>>, vector<16xf32>,
        %get3A_392 = arith.constant 23 : i32
        %get3A_393 = arith.index_cast %get3A_392 : i32 to index
        %get3A_394 = arith.constant 0 : index
        %get3A_395 = tpu.vector_load %arg20[%get3A_393, %get3A_394] {strides = array<i32>} : memref<64x16xf32, #tpu.memory_space<vmem>>, vector<16xf32>,
        %sub3A_396 = arith.subf %get3A_391, %get3A_395 : vector<16xf32>
        %swap3A_397 = arith.constant 23 : i32
        %swap3A_398 = arith.index_cast %swap3A_397 : i32 to index
        %swap3A_399 = arith.constant 0 : index
        %swap3A_400 = tpu.vector_load %arg18[%swap3A_398, %swap3A_399] {strides = array<i32>} : memref<64x16xf32, #tpu.memory_space<vmem>>, vector<16xf32>,
        tpu.vector_store %arg18[%swap3A_398, %swap3A_399], %sub3A_396 {strides = array<i32>} : memref<64x16xf32, #tpu.memory_space<vmem>>, vector<16xf32>,
        %get3A_401 = arith.constant 24 : i32
        %get3A_402 = arith.index_cast %get3A_401 : i32 to index
        %get3A_403 = arith.constant 0 : index
        %get3A_404 = tpu.vector_load %arg18[%get3A_402, %get3A_403] {strides = array<i32>} : memref<64x16xf32, #tpu.memory_space<vmem>>, vector<16xf32>,
        %get3A_405 = arith.constant 24 : i32
        %get3A_406 = arith.index_cast %get3A_405 : i32 to index
        %get3A_407 = arith.constant 0 : index
        %get3A_408 = tpu.vector_load %arg20[%get3A_406, %get3A_407] {strides = array<i32>} : memref<64x16xf32, #tpu.memory_space<vmem>>, vector<16xf32>,
        %sub3A_409 = arith.subf %get3A_404, %get3A_408 : vector<16xf32>
        %swap3A_410 = arith.constant 24 : i32
        %swap3A_411 = arith.index_cast %swap3A_410 : i32 to index
        %swap3A_412 = arith.constant 0 : index
        %swap3A_413 = tpu.vector_load %arg18[%swap3A_411, %swap3A_412] {strides = array<i32>} : memref<64x16xf32, #tpu.memory_space<vmem>>, vector<16xf32>,
        tpu.vector_store %arg18[%swap3A_411, %swap3A_412], %sub3A_409 {strides = array<i32>} : memref<64x16xf32, #tpu.memory_space<vmem>>, vector<16xf32>,
        %get3A_414 = arith.constant 25 : i32
        %get3A_415 = arith.index_cast %get3A_414 : i32 to index
        %get3A_416 = arith.constant 0 : index
        %get3A_417 = tpu.vector_load %arg18[%get3A_415, %get3A_416] {strides = array<i32>} : memref<64x16xf32, #tpu.memory_space<vmem>>, vector<16xf32>,
        %get3A_418 = arith.constant 25 : i32
        %get3A_419 = arith.index_cast %get3A_418 : i32 to index
        %get3A_420 = arith.constant 0 : index
        %get3A_421 = tpu.vector_load %arg20[%get3A_419, %get3A_420] {strides = array<i32>} : memref<64x16xf32, #tpu.memory_space<vmem>>, vector<16xf32>,
        %sub3A_422 = arith.subf %get3A_417, %get3A_421 : vector<16xf32>
        %swap3A_423 = arith.constant 25 : i32
        %swap3A_424 = arith.index_cast %swap3A_423 : i32 to index
        %swap3A_425 = arith.constant 0 : index
        %swap3A_426 = tpu.vector_load %arg18[%swap3A_424, %swap3A_425] {strides = array<i32>} : memref<64x16xf32, #tpu.memory_space<vmem>>, vector<16xf32>,
        tpu.vector_store %arg18[%swap3A_424, %swap3A_425], %sub3A_422 {strides = array<i32>} : memref<64x16xf32, #tpu.memory_space<vmem>>, vector<16xf32>,
        %get3A_427 = arith.constant 26 : i32
        %get3A_428 = arith.index_cast %get3A_427 : i32 to index
        %get3A_429 = arith.constant 0 : index
        %get3A_430 = tpu.vector_load %arg18[%get3A_428, %get3A_429] {strides = array<i32>} : memref<64x16xf32, #tpu.memory_space<vmem>>, vector<16xf32>,
        %get3A_431 = arith.constant 26 : i32
        %get3A_432 = arith.index_cast %get3A_431 : i32 to index
        %get3A_433 = arith.constant 0 : index
        %get3A_434 = tpu.vector_load %arg20[%get3A_432, %get3A_433] {strides = array<i32>} : memref<64x16xf32, #tpu.memory_space<vmem>>, vector<16xf32>,
        %sub3A_435 = arith.subf %get3A_430, %get3A_434 : vector<16xf32>
        %swap3A_436 = arith.constant 26 : i32
        %swap3A_437 = arith.index_cast %swap3A_436 : i32 to index
        %swap3A_438 = arith.constant 0 : index
        %swap3A_439 = tpu.vector_load %arg18[%swap3A_437, %swap3A_438] {strides = array<i32>} : memref<64x16xf32, #tpu.memory_space<vmem>>, vector<16xf32>,
        tpu.vector_store %arg18[%swap3A_437, %swap3A_438], %sub3A_435 {strides = array<i32>} : memref<64x16xf32, #tpu.memory_space<vmem>>, vector<16xf32>,
        %get3A_440 = arith.constant 27 : i32
        %get3A_441 = arith.index_cast %get3A_440 : i32 to index
        %get3A_442 = arith.constant 0 : index
        %get3A_443 = tpu.vector_load %arg18[%get3A_441, %get3A_442] {strides = array<i32>} : memref<64x16xf32, #tpu.memory_space<vmem>>, vector<16xf32>,
        %get3A_444 = arith.constant 27 : i32
        %get3A_445 = arith.index_cast %get3A_444 : i32 to index
        %get3A_446 = arith.constant 0 : index
        %get3A_447 = tpu.vector_load %arg20[%get3A_445, %get3A_446] {strides = array<i32>} : memref<64x16xf32, #tpu.memory_space<vmem>>, vector<16xf32>,
        %sub3A_448 = arith.subf %get3A_443, %get3A_447 : vector<16xf32>
        %swap3A_449 = arith.constant 27 : i32
        %swap3A_450 = arith.index_cast %swap3A_449 : i32 to index
        %swap3A_451 = arith.constant 0 : index
        %swap3A_452 = tpu.vector_load %arg18[%swap3A_450, %swap3A_451] {strides = array<i32>} : memref<64x16xf32, #tpu.memory_space<vmem>>, vector<16xf32>,
        tpu.vector_store %arg18[%swap3A_450, %swap3A_451], %sub3A_448 {strides = array<i32>} : memref<64x16xf32, #tpu.memory_space<vmem>>, vector<16xf32>,
        %get3A_453 = arith.constant 28 : i32
        %get3A_454 = arith.index_cast %get3A_453 : i32 to index
        %get3A_455 = arith.constant 0 : index
        %get3A_456 = tpu.vector_load %arg18[%get3A_454, %get3A_455] {strides = array<i32>} : memref<64x16xf32, #tpu.memory_space<vmem>>, vector<16xf32>,
        %get3A_457 = arith.constant 28 : i32
        %get3A_458 = arith.index_cast %get3A_457 : i32 to index
        %get3A_459 = arith.constant 0 : index
        %get3A_460 = tpu.vector_load %arg20[%get3A_458, %get3A_459] {strides = array<i32>} : memref<64x16xf32, #tpu.memory_space<vmem>>, vector<16xf32>,
        %sub3A_461 = arith.subf %get3A_456, %get3A_460 : vector<16xf32>
        %swap3A_462 = arith.constant 28 : i32
        %swap3A_463 = arith.index_cast %swap3A_462 : i32 to index
        %swap3A_464 = arith.constant 0 : index
        %swap3A_465 = tpu.vector_load %arg18[%swap3A_463, %swap3A_464] {strides = array<i32>} : memref<64x16xf32, #tpu.memory_space<vmem>>, vector<16xf32>,
        tpu.vector_store %arg18[%swap3A_463, %swap3A_464], %sub3A_461 {strides = array<i32>} : memref<64x16xf32, #tpu.memory_space<vmem>>, vector<16xf32>,
        %get3A_466 = arith.constant 29 : i32
        %get3A_467 = arith.index_cast %get3A_466 : i32 to index
        %get3A_468 = arith.constant 0 : index
        %get3A_469 = tpu.vector_load %arg18[%get3A_467, %get3A_468] {strides = array<i32>} : memref<64x16xf32, #tpu.memory_space<vmem>>, vector<16xf32>,
        %get3A_470 = arith.constant 29 : i32
        %get3A_471 = arith.index_cast %get3A_470 : i32 to index
        %get3A_472 = arith.constant 0 : index
        %get3A_473 = tpu.vector_load %arg20[%get3A_471, %get3A_472] {strides = array<i32>} : memref<64x16xf32, #tpu.memory_space<vmem>>, vector<16xf32>,
        %sub3A_474 = arith.subf %get3A_469, %get3A_473 : vector<16xf32>
        %swap3A_475 = arith.constant 29 : i32
        %swap3A_476 = arith.index_cast %swap3A_475 : i32 to index
        %swap3A_477 = arith.constant 0 : index
        %swap3A_478 = tpu.vector_load %arg18[%swap3A_476, %swap3A_477] {strides = array<i32>} : memref<64x16xf32, #tpu.memory_space<vmem>>, vector<16xf32>,
        tpu.vector_store %arg18[%swap3A_476, %swap3A_477], %sub3A_474 {strides = array<i32>} : memref<64x16xf32, #tpu.memory_space<vmem>>, vector<16xf32>,
        %get3A_479 = arith.constant 30 : i32
        %get3A_480 = arith.index_cast %get3A_479 : i32 to index
        %get3A_481 = arith.constant 0 : index
        %get3A_482 = tpu.vector_load %arg18[%get3A_480, %get3A_481] {strides = array<i32>} : memref<64x16xf32, #tpu.memory_space<vmem>>, vector<16xf32>,
        %get3A_483 = arith.constant 30 : i32
        %get3A_484 = arith.index_cast %get3A_483 : i32 to index
        %get3A_485 = arith.constant 0 : index
        %get3A_486 = tpu.vector_load %arg20[%get3A_484, %get3A_485] {strides = array<i32>} : memref<64x16xf32, #tpu.memory_space<vmem>>, vector<16xf32>,
        %sub3A_487 = arith.subf %get3A_482, %get3A_486 : vector<16xf32>
        %swap3A_488 = arith.constant 30 : i32
        %swap3A_489 = arith.index_cast %swap3A_488 : i32 to index
        %swap3A_490 = arith.constant 0 : index
        %swap3A_491 = tpu.vector_load %arg18[%swap3A_489, %swap3A_490] {strides = array<i32>} : memref<64x16xf32, #tpu.memory_space<vmem>>, vector<16xf32>,
        tpu.vector_store %arg18[%swap3A_489, %swap3A_490], %sub3A_487 {strides = array<i32>} : memref<64x16xf32, #tpu.memory_space<vmem>>, vector<16xf32>,
        %get3A_492 = arith.constant 31 : i32
        %get3A_493 = arith.index_cast %get3A_492 : i32 to index
        %get3A_494 = arith.constant 0 : index
        %get3A_495 = tpu.vector_load %arg18[%get3A_493, %get3A_494] {strides = array<i32>} : memref<64x16xf32, #tpu.memory_space<vmem>>, vector<16xf32>,
        %get3A_496 = arith.constant 31 : i32
        %get3A_497 = arith.index_cast %get3A_496 : i32 to index
        %get3A_498 = arith.constant 0 : index
        %get3A_499 = tpu.vector_load %arg20[%get3A_497, %get3A_498] {strides = array<i32>} : memref<64x16xf32, #tpu.memory_space<vmem>>, vector<16xf32>,
        %sub3A_500 = arith.subf %get3A_495, %get3A_499 : vector<16xf32>
        %swap3A_501 = arith.constant 31 : i32
        %swap3A_502 = arith.index_cast %swap3A_501 : i32 to index
        %swap3A_503 = arith.constant 0 : index
        %swap3A_504 = tpu.vector_load %arg18[%swap3A_502, %swap3A_503] {strides = array<i32>} : memref<64x16xf32, #tpu.memory_space<vmem>>, vector<16xf32>,
        tpu.vector_store %arg18[%swap3A_502, %swap3A_503], %sub3A_500 {strides = array<i32>} : memref<64x16xf32, #tpu.memory_space<vmem>>, vector<16xf32>,
        %get3A_505 = arith.constant 32 : i32
        %get3A_506 = arith.index_cast %get3A_505 : i32 to index
        %get3A_507 = arith.constant 0 : index
        %get3A_508 = tpu.vector_load %arg18[%get3A_506, %get3A_507] {strides = array<i32>} : memref<64x16xf32, #tpu.memory_space<vmem>>, vector<16xf32>,
        %get3A_509 = arith.constant 32 : i32
        %get3A_510 = arith.index_cast %get3A_509 : i32 to index
        %get3A_511 = arith.constant 0 : index
        %get3A_512 = tpu.vector_load %arg20[%get3A_510, %get3A_511] {strides = array<i32>} : memref<64x16xf32, #tpu.memory_space<vmem>>, vector<16xf32>,
        %sub3A_513 = arith.subf %get3A_508, %get3A_512 : vector<16xf32>
        %swap3A_514 = arith.constant 32 : i32
        %swap3A_515 = arith.index_cast %swap3A_514 : i32 to index
        %swap3A_516 = arith.constant 0 : index
        %swap3A_517 = tpu.vector_load %arg18[%swap3A_515, %swap3A_516] {strides = array<i32>} : memref<64x16xf32, #tpu.memory_space<vmem>>, vector<16xf32>,
        tpu.vector_store %arg18[%swap3A_515, %swap3A_516], %sub3A_513 {strides = array<i32>} : memref<64x16xf32, #tpu.memory_space<vmem>>, vector<16xf32>,
        %get3A_518 = arith.constant 33 : i32
        %get3A_519 = arith.index_cast %get3A_518 : i32 to index
        %get3A_520 = arith.constant 0 : index
        %get3A_521 = tpu.vector_load %arg18[%get3A_519, %get3A_520] {strides = array<i32>} : memref<64x16xf32, #tpu.memory_space<vmem>>, vector<16xf32>,
        %get3A_522 = arith.constant 33 : i32
        %get3A_523 = arith.index_cast %get3A_522 : i32 to index
        %get3A_524 = arith.constant 0 : index
        %get3A_525 = tpu.vector_load %arg20[%get3A_523, %get3A_524] {strides = array<i32>} : memref<64x16xf32, #tpu.memory_space<vmem>>, vector<16xf32>,
        %sub3A_526 = arith.subf %get3A_521, %get3A_525 : vector<16xf32>
        %swap3A_527 = arith.constant 33 : i32
        %swap3A_528 = arith.index_cast %swap3A_527 : i32 to index
        %swap3A_529 = arith.constant 0 : index
        %swap3A_530 = tpu.vector_load %arg18[%swap3A_528, %swap3A_529] {strides = array<i32>} : memref<64x16xf32, #tpu.memory_space<vmem>>, vector<16xf32>,
        tpu.vector_store %arg18[%swap3A_528, %swap3A_529], %sub3A_526 {strides = array<i32>} : memref<64x16xf32, #tpu.memory_space<vmem>>, vector<16xf32>,
        %get3A_531 = arith.constant 34 : i32
        %get3A_532 = arith.index_cast %get3A_531 : i32 to index
        %get3A_533 = arith.constant 0 : index
        %get3A_534 = tpu.vector_load %arg18[%get3A_532, %get3A_533] {strides = array<i32>} : memref<64x16xf32, #tpu.memory_space<vmem>>, vector<16xf32>,
        %get3A_535 = arith.constant 34 : i32
        %get3A_536 = arith.index_cast %get3A_535 : i32 to index
        %get3A_537 = arith.constant 0 : index
        %get3A_538 = tpu.vector_load %arg20[%get3A_536, %get3A_537] {strides = array<i32>} : memref<64x16xf32, #tpu.memory_space<vmem>>, vector<16xf32>,
        %sub3A_539 = arith.subf %get3A_534, %get3A_538 : vector<16xf32>
        %swap3A_540 = arith.constant 34 : i32
        %swap3A_541 = arith.index_cast %swap3A_540 : i32 to index
        %swap3A_542 = arith.constant 0 : index
        %swap3A_543 = tpu.vector_load %arg18[%swap3A_541, %swap3A_542] {strides = array<i32>} : memref<64x16xf32, #tpu.memory_space<vmem>>, vector<16xf32>,
        tpu.vector_store %arg18[%swap3A_541, %swap3A_542], %sub3A_539 {strides = array<i32>} : memref<64x16xf32, #tpu.memory_space<vmem>>, vector<16xf32>,
        %get3A_544 = arith.constant 35 : i32
        %get3A_545 = arith.index_cast %get3A_544 : i32 to index
        %get3A_546 = arith.constant 0 : index
        %get3A_547 = tpu.vector_load %arg18[%get3A_545, %get3A_546] {strides = array<i32>} : memref<64x16xf32, #tpu.memory_space<vmem>>, vector<16xf32>,
        %get3A_548 = arith.constant 35 : i32
        %get3A_549 = arith.index_cast %get3A_548 : i32 to index
        %get3A_550 = arith.constant 0 : index
        %get3A_551 = tpu.vector_load %arg20[%get3A_549, %get3A_550] {strides = array<i32>} : memref<64x16xf32, #tpu.memory_space<vmem>>, vector<16xf32>,
        %sub3A_552 = arith.subf %get3A_547, %get3A_551 : vector<16xf32>
        %swap3A_553 = arith.constant 35 : i32
        %swap3A_554 = arith.index_cast %swap3A_553 : i32 to index
        %swap3A_555 = arith.constant 0 : index
        %swap3A_556 = tpu.vector_load %arg18[%swap3A_554, %swap3A_555] {strides = array<i32>} : memref<64x16xf32, #tpu.memory_space<vmem>>, vector<16xf32>,
        tpu.vector_store %arg18[%swap3A_554, %swap3A_555], %sub3A_552 {strides = array<i32>} : memref<64x16xf32, #tpu.memory_space<vmem>>, vector<16xf32>,
        %get3A_557 = arith.constant 36 : i32
        %get3A_558 = arith.index_cast %get3A_557 : i32 to index
        %get3A_559 = arith.constant 0 : index
        %get3A_560 = tpu.vector_load %arg18[%get3A_558, %get3A_559] {strides = array<i32>} : memref<64x16xf32, #tpu.memory_space<vmem>>, vector<16xf32>,
        %get3A_561 = arith.constant 36 : i32
        %get3A_562 = arith.index_cast %get3A_561 : i32 to index
        %get3A_563 = arith.constant 0 : index
        %get3A_564 = tpu.vector_load %arg20[%get3A_562, %get3A_563] {strides = array<i32>} : memref<64x16xf32, #tpu.memory_space<vmem>>, vector<16xf32>,
        %sub3A_565 = arith.subf %get3A_560, %get3A_564 : vector<16xf32>
        %swap3A_566 = arith.constant 36 : i32
        %swap3A_567 = arith.index_cast %swap3A_566 : i32 to index
        %swap3A_568 = arith.constant 0 : index
        %swap3A_569 = tpu.vector_load %arg18[%swap3A_567, %swap3A_568] {strides = array<i32>} : memref<64x16xf32, #tpu.memory_space<vmem>>, vector<16xf32>,
        tpu.vector_store %arg18[%swap3A_567, %swap3A_568], %sub3A_565 {strides = array<i32>} : memref<64x16xf32, #tpu.memory_space<vmem>>, vector<16xf32>,
        %get3A_570 = arith.constant 37 : i32
        %get3A_571 = arith.index_cast %get3A_570 : i32 to index
        %get3A_572 = arith.constant 0 : index
        %get3A_573 = tpu.vector_load %arg18[%get3A_571, %get3A_572] {strides = array<i32>} : memref<64x16xf32, #tpu.memory_space<vmem>>, vector<16xf32>,
        %get3A_574 = arith.constant 37 : i32
        %get3A_575 = arith.index_cast %get3A_574 : i32 to index
        %get3A_576 = arith.constant 0 : index
        %get3A_577 = tpu.vector_load %arg20[%get3A_575, %get3A_576] {strides = array<i32>} : memref<64x16xf32, #tpu.memory_space<vmem>>, vector<16xf32>,
        %sub3A_578 = arith.subf %get3A_573, %get3A_577 : vector<16xf32>
        %swap3A_579 = arith.constant 37 : i32
        %swap3A_580 = arith.index_cast %swap3A_579 : i32 to index
        %swap3A_581 = arith.constant 0 : index
        %swap3A_582 = tpu.vector_load %arg18[%swap3A_580, %swap3A_581] {strides = array<i32>} : memref<64x16xf32, #tpu.memory_space<vmem>>, vector<16xf32>,
        tpu.vector_store %arg18[%swap3A_580, %swap3A_581], %sub3A_578 {strides = array<i32>} : memref<64x16xf32, #tpu.memory_space<vmem>>, vector<16xf32>,
        %get3A_583 = arith.constant 38 : i32
        %get3A_584 = arith.index_cast %get3A_583 : i32 to index
        %get3A_585 = arith.constant 0 : index
        %get3A_586 = tpu.vector_load %arg18[%get3A_584, %get3A_585] {strides = array<i32>} : memref<64x16xf32, #tpu.memory_space<vmem>>, vector<16xf32>,
        %get3A_587 = arith.constant 38 : i32
        %get3A_588 = arith.index_cast %get3A_587 : i32 to index
        %get3A_589 = arith.constant 0 : index
        %get3A_590 = tpu.vector_load %arg20[%get3A_588, %get3A_589] {strides = array<i32>} : memref<64x16xf32, #tpu.memory_space<vmem>>, vector<16xf32>,
        %sub3A_591 = arith.subf %get3A_586, %get3A_590 : vector<16xf32>
        %swap3A_592 = arith.constant 38 : i32
        %swap3A_593 = arith.index_cast %swap3A_592 : i32 to index
        %swap3A_594 = arith.constant 0 : index
        %swap3A_595 = tpu.vector_load %arg18[%swap3A_593, %swap3A_594] {strides = array<i32>} : memref<64x16xf32, #tpu.memory_space<vmem>>, vector<16xf32>,
        tpu.vector_store %arg18[%swap3A_593, %swap3A_594], %sub3A_591 {strides = array<i32>} : memref<64x16xf32, #tpu.memory_space<vmem>>, vector<16xf32>,
        %get3A_596 = arith.constant 39 : i32
        %get3A_597 = arith.index_cast %get3A_596 : i32 to index
        %get3A_598 = arith.constant 0 : index
        %get3A_599 = tpu.vector_load %arg18[%get3A_597, %get3A_598] {strides = array<i32>} : memref<64x16xf32, #tpu.memory_space<vmem>>, vector<16xf32>,
        %get3A_600 = arith.constant 39 : i32
        %get3A_601 = arith.index_cast %get3A_600 : i32 to index
        %get3A_602 = arith.constant 0 : index
        %get3A_603 = tpu.vector_load %arg20[%get3A_601, %get3A_602] {strides = array<i32>} : memref<64x16xf32, #tpu.memory_space<vmem>>, vector<16xf32>,
        %sub3A_604 = arith.subf %get3A_599, %get3A_603 : vector<16xf32>
        %swap3A_605 = arith.constant 39 : i32
        %swap3A_606 = arith.index_cast %swap3A_605 : i32 to index
        %swap3A_607 = arith.constant 0 : index
        %swap3A_608 = tpu.vector_load %arg18[%swap3A_606, %swap3A_607] {strides = array<i32>} : memref<64x16xf32, #tpu.memory_space<vmem>>, vector<16xf32>,
        tpu.vector_store %arg18[%swap3A_606, %swap3A_607], %sub3A_604 {strides = array<i32>} : memref<64x16xf32, #tpu.memory_space<vmem>>, vector<16xf32>,
        %get3A_609 = arith.constant 40 : i32
        %get3A_610 = arith.index_cast %get3A_609 : i32 to index
        %get3A_611 = arith.constant 0 : index
        %get3A_612 = tpu.vector_load %arg18[%get3A_610, %get3A_611] {strides = array<i32>} : memref<64x16xf32, #tpu.memory_space<vmem>>, vector<16xf32>,
        %get3A_613 = arith.constant 40 : i32
        %get3A_614 = arith.index_cast %get3A_613 : i32 to index
        %get3A_615 = arith.constant 0 : index
        %get3A_616 = tpu.vector_load %arg20[%get3A_614, %get3A_615] {strides = array<i32>} : memref<64x16xf32, #tpu.memory_space<vmem>>, vector<16xf32>,
        %sub3A_617 = arith.subf %get3A_612, %get3A_616 : vector<16xf32>
        %swap3A_618 = arith.constant 40 : i32
        %swap3A_619 = arith.index_cast %swap3A_618 : i32 to index
        %swap3A_620 = arith.constant 0 : index
        %swap3A_621 = tpu.vector_load %arg18[%swap3A_619, %swap3A_620] {strides = array<i32>} : memref<64x16xf32, #tpu.memory_space<vmem>>, vector<16xf32>,
        tpu.vector_store %arg18[%swap3A_619, %swap3A_620], %sub3A_617 {strides = array<i32>} : memref<64x16xf32, #tpu.memory_space<vmem>>, vector<16xf32>,
        %get3A_622 = arith.constant 41 : i32
        %get3A_623 = arith.index_cast %get3A_622 : i32 to index
        %get3A_624 = arith.constant 0 : index
        %get3A_625 = tpu.vector_load %arg18[%get3A_623, %get3A_624] {strides = array<i32>} : memref<64x16xf32, #tpu.memory_space<vmem>>, vector<16xf32>,
        %get3A_626 = arith.constant 41 : i32
        %get3A_627 = arith.index_cast %get3A_626 : i32 to index
        %get3A_628 = arith.constant 0 : index
        %get3A_629 = tpu.vector_load %arg20[%get3A_627, %get3A_628] {strides = array<i32>} : memref<64x16xf32, #tpu.memory_space<vmem>>, vector<16xf32>,
        %sub3A_630 = arith.subf %get3A_625, %get3A_629 : vector<16xf32>
        %swap3A_631 = arith.constant 41 : i32
        %swap3A_632 = arith.index_cast %swap3A_631 : i32 to index
        %swap3A_633 = arith.constant 0 : index
        %swap3A_634 = tpu.vector_load %arg18[%swap3A_632, %swap3A_633] {strides = array<i32>} : memref<64x16xf32, #tpu.memory_space<vmem>>, vector<16xf32>,
        tpu.vector_store %arg18[%swap3A_632, %swap3A_633], %sub3A_630 {strides = array<i32>} : memref<64x16xf32, #tpu.memory_space<vmem>>, vector<16xf32>,
        %get3A_635 = arith.constant 42 : i32
        %get3A_636 = arith.index_cast %get3A_635 : i32 to index
        %get3A_637 = arith.constant 0 : index
        %get3A_638 = tpu.vector_load %arg18[%get3A_636, %get3A_637] {strides = array<i32>} : memref<64x16xf32, #tpu.memory_space<vmem>>, vector<16xf32>,
        %get3A_639 = arith.constant 42 : i32
        %get3A_640 = arith.index_cast %get3A_639 : i32 to index
        %get3A_641 = arith.constant 0 : index
        %get3A_642 = tpu.vector_load %arg20[%get3A_640, %get3A_641] {strides = array<i32>} : memref<64x16xf32, #tpu.memory_space<vmem>>, vector<16xf32>,
        %sub3A_643 = arith.subf %get3A_638, %get3A_642 : vector<16xf32>
        %swap3A_644 = arith.constant 42 : i32
        %swap3A_645 = arith.index_cast %swap3A_644 : i32 to index
        %swap3A_646 = arith.constant 0 : index
        %swap3A_647 = tpu.vector_load %arg18[%swap3A_645, %swap3A_646] {strides = array<i32>} : memref<64x16xf32, #tpu.memory_space<vmem>>, vector<16xf32>,
        tpu.vector_store %arg18[%swap3A_645, %swap3A_646], %sub3A_643 {strides = array<i32>} : memref<64x16xf32, #tpu.memory_space<vmem>>, vector<16xf32>,
        %get3A_648 = arith.constant 43 : i32
        %get3A_649 = arith.index_cast %get3A_648 : i32 to index
        %get3A_650 = arith.constant 0 : index
        %get3A_651 = tpu.vector_load %arg18[%get3A_649, %get3A_650] {strides = array<i32>} : memref<64x16xf32, #tpu.memory_space<vmem>>, vector<16xf32>,
        %get3A_652 = arith.constant 43 : i32
        %get3A_653 = arith.index_cast %get3A_652 : i32 to index
        %get3A_654 = arith.constant 0 : index
        %get3A_655 = tpu.vector_load %arg20[%get3A_653, %get3A_654] {strides = array<i32>} : memref<64x16xf32, #tpu.memory_space<vmem>>, vector<16xf32>,
        %sub3A_656 = arith.subf %get3A_651, %get3A_655 : vector<16xf32>
        %swap3A_657 = arith.constant 43 : i32
        %swap3A_658 = arith.index_cast %swap3A_657 : i32 to index
        %swap3A_659 = arith.constant 0 : index
        %swap3A_660 = tpu.vector_load %arg18[%swap3A_658, %swap3A_659] {strides = array<i32>} : memref<64x16xf32, #tpu.memory_space<vmem>>, vector<16xf32>,
        tpu.vector_store %arg18[%swap3A_658, %swap3A_659], %sub3A_656 {strides = array<i32>} : memref<64x16xf32, #tpu.memory_space<vmem>>, vector<16xf32>,
        %get3A_661 = arith.constant 44 : i32
        %get3A_662 = arith.index_cast %get3A_661 : i32 to index
        %get3A_663 = arith.constant 0 : index
        %get3A_664 = tpu.vector_load %arg18[%get3A_662, %get3A_663] {strides = array<i32>} : memref<64x16xf32, #tpu.memory_space<vmem>>, vector<16xf32>,
        %get3A_665 = arith.constant 44 : i32
        %get3A_666 = arith.index_cast %get3A_665 : i32 to index
        %get3A_667 = arith.constant 0 : index
        %get3A_668 = tpu.vector_load %arg20[%get3A_666, %get3A_667] {strides = array<i32>} : memref<64x16xf32, #tpu.memory_space<vmem>>, vector<16xf32>,
        %sub3A_669 = arith.subf %get3A_664, %get3A_668 : vector<16xf32>
        %swap3A_670 = arith.constant 44 : i32
        %swap3A_671 = arith.index_cast %swap3A_670 : i32 to index
        %swap3A_672 = arith.constant 0 : index
        %swap3A_673 = tpu.vector_load %arg18[%swap3A_671, %swap3A_672] {strides = array<i32>} : memref<64x16xf32, #tpu.memory_space<vmem>>, vector<16xf32>,
        tpu.vector_store %arg18[%swap3A_671, %swap3A_672], %sub3A_669 {strides = array<i32>} : memref<64x16xf32, #tpu.memory_space<vmem>>, vector<16xf32>,
        %get3A_674 = arith.constant 45 : i32
        %get3A_675 = arith.index_cast %get3A_674 : i32 to index
        %get3A_676 = arith.constant 0 : index
        %get3A_677 = tpu.vector_load %arg18[%get3A_675, %get3A_676] {strides = array<i32>} : memref<64x16xf32, #tpu.memory_space<vmem>>, vector<16xf32>,
        %get3A_678 = arith.constant 45 : i32
        %get3A_679 = arith.index_cast %get3A_678 : i32 to index
        %get3A_680 = arith.constant 0 : index
        %get3A_681 = tpu.vector_load %arg20[%get3A_679, %get3A_680] {strides = array<i32>} : memref<64x16xf32, #tpu.memory_space<vmem>>, vector<16xf32>,
        %sub3A_682 = arith.subf %get3A_677, %get3A_681 : vector<16xf32>
        %swap3A_683 = arith.constant 45 : i32
        %swap3A_684 = arith.index_cast %swap3A_683 : i32 to index
        %swap3A_685 = arith.constant 0 : index
        %swap3A_686 = tpu.vector_load %arg18[%swap3A_684, %swap3A_685] {strides = array<i32>} : memref<64x16xf32, #tpu.memory_space<vmem>>, vector<16xf32>,
        tpu.vector_store %arg18[%swap3A_684, %swap3A_685], %sub3A_682 {strides = array<i32>} : memref<64x16xf32, #tpu.memory_space<vmem>>, vector<16xf32>,
        %get3A_687 = arith.constant 46 : i32
        %get3A_688 = arith.index_cast %get3A_687 : i32 to index
        %get3A_689 = arith.constant 0 : index
        %get3A_690 = tpu.vector_load %arg18[%get3A_688, %get3A_689] {strides = array<i32>} : memref<64x16xf32, #tpu.memory_space<vmem>>, vector<16xf32>,
        %get3A_691 = arith.constant 46 : i32
        %get3A_692 = arith.index_cast %get3A_691 : i32 to index
        %get3A_693 = arith.constant 0 : index
        %get3A_694 = tpu.vector_load %arg20[%get3A_692, %get3A_693] {strides = array<i32>} : memref<64x16xf32, #tpu.memory_space<vmem>>, vector<16xf32>,
        %sub3A_695 = arith.subf %get3A_690, %get3A_694 : vector<16xf32>
        %swap3A_696 = arith.constant 46 : i32
        %swap3A_697 = arith.index_cast %swap3A_696 : i32 to index
        %swap3A_698 = arith.constant 0 : index
        %swap3A_699 = tpu.vector_load %arg18[%swap3A_697, %swap3A_698] {strides = array<i32>} : memref<64x16xf32, #tpu.memory_space<vmem>>, vector<16xf32>,
        tpu.vector_store %arg18[%swap3A_697, %swap3A_698], %sub3A_695 {strides = array<i32>} : memref<64x16xf32, #tpu.memory_space<vmem>>, vector<16xf32>,
        %get3A_700 = arith.constant 47 : i32
        %get3A_701 = arith.index_cast %get3A_700 : i32 to index
        %get3A_702 = arith.constant 0 : index
        %get3A_703 = tpu.vector_load %arg18[%get3A_701, %get3A_702] {strides = array<i32>} : memref<64x16xf32, #tpu.memory_space<vmem>>, vector<16xf32>,
        %get3A_704 = arith.constant 47 : i32
        %get3A_705 = arith.index_cast %get3A_704 : i32 to index
        %get3A_706 = arith.constant 0 : index
        %get3A_707 = tpu.vector_load %arg20[%get3A_705, %get3A_706] {strides = array<i32>} : memref<64x16xf32, #tpu.memory_space<vmem>>, vector<16xf32>,
        %sub3A_708 = arith.subf %get3A_703, %get3A_707 : vector<16xf32>
        %swap3A_709 = arith.constant 47 : i32
        %swap3A_710 = arith.index_cast %swap3A_709 : i32 to index
        %swap3A_711 = arith.constant 0 : index
        %swap3A_712 = tpu.vector_load %arg18[%swap3A_710, %swap3A_711] {strides = array<i32>} : memref<64x16xf32, #tpu.memory_space<vmem>>, vector<16xf32>,
        tpu.vector_store %arg18[%swap3A_710, %swap3A_711], %sub3A_708 {strides = array<i32>} : memref<64x16xf32, #tpu.memory_space<vmem>>, vector<16xf32>,
        %get3A_713 = arith.constant 48 : i32
        %get3A_714 = arith.index_cast %get3A_713 : i32 to index
        %get3A_715 = arith.constant 0 : index
        %get3A_716 = tpu.vector_load %arg18[%get3A_714, %get3A_715] {strides = array<i32>} : memref<64x16xf32, #tpu.memory_space<vmem>>, vector<16xf32>,
        %get3A_717 = arith.constant 48 : i32
        %get3A_718 = arith.index_cast %get3A_717 : i32 to index
        %get3A_719 = arith.constant 0 : index
        %get3A_720 = tpu.vector_load %arg20[%get3A_718, %get3A_719] {strides = array<i32>} : memref<64x16xf32, #tpu.memory_space<vmem>>, vector<16xf32>,
        %sub3A_721 = arith.subf %get3A_716, %get3A_720 : vector<16xf32>
        %swap3A_722 = arith.constant 48 : i32
        %swap3A_723 = arith.index_cast %swap3A_722 : i32 to index
        %swap3A_724 = arith.constant 0 : index
        %swap3A_725 = tpu.vector_load %arg18[%swap3A_723, %swap3A_724] {strides = array<i32>} : memref<64x16xf32, #tpu.memory_space<vmem>>, vector<16xf32>,
        tpu.vector_store %arg18[%swap3A_723, %swap3A_724], %sub3A_721 {strides = array<i32>} : memref<64x16xf32, #tpu.memory_space<vmem>>, vector<16xf32>,
        %get3A_726 = arith.constant 49 : i32
        %get3A_727 = arith.index_cast %get3A_726 : i32 to index
        %get3A_728 = arith.constant 0 : index
        %get3A_729 = tpu.vector_load %arg18[%get3A_727, %get3A_728] {strides = array<i32>} : memref<64x16xf32, #tpu.memory_space<vmem>>, vector<16xf32>,
        %get3A_730 = arith.constant 49 : i32
        %get3A_731 = arith.index_cast %get3A_730 : i32 to index
        %get3A_732 = arith.constant 0 : index
        %get3A_733 = tpu.vector_load %arg20[%get3A_731, %get3A_732] {strides = array<i32>} : memref<64x16xf32, #tpu.memory_space<vmem>>, vector<16xf32>,
        %sub3A_734 = arith.subf %get3A_729, %get3A_733 : vector<16xf32>
        %swap3A_735 = arith.constant 49 : i32
        %swap3A_736 = arith.index_cast %swap3A_735 : i32 to index
        %swap3A_737 = arith.constant 0 : index
        %swap3A_738 = tpu.vector_load %arg18[%swap3A_736, %swap3A_737] {strides = array<i32>} : memref<64x16xf32, #tpu.memory_space<vmem>>, vector<16xf32>,
        tpu.vector_store %arg18[%swap3A_736, %swap3A_737], %sub3A_734 {strides = array<i32>} : memref<64x16xf32, #tpu.memory_space<vmem>>, vector<16xf32>,
        %get3A_739 = arith.constant 50 : i32
        %get3A_740 = arith.index_cast %get3A_739 : i32 to index
        %get3A_741 = arith.constant 0 : index
        %get3A_742 = tpu.vector_load %arg18[%get3A_740, %get3A_741] {strides = array<i32>} : memref<64x16xf32, #tpu.memory_space<vmem>>, vector<16xf32>,
        %get3A_743 = arith.constant 50 : i32
        %get3A_744 = arith.index_cast %get3A_743 : i32 to index
        %get3A_745 = arith.constant 0 : index
        %get3A_746 = tpu.vector_load %arg20[%get3A_744, %get3A_745] {strides = array<i32>} : memref<64x16xf32, #tpu.memory_space<vmem>>, vector<16xf32>,
        %sub3A_747 = arith.subf %get3A_742, %get3A_746 : vector<16xf32>
        %swap3A_748 = arith.constant 50 : i32
        %swap3A_749 = arith.index_cast %swap3A_748 : i32 to index
        %swap3A_750 = arith.constant 0 : index
        %swap3A_751 = tpu.vector_load %arg18[%swap3A_749, %swap3A_750] {strides = array<i32>} : memref<64x16xf32, #tpu.memory_space<vmem>>, vector<16xf32>,
        tpu.vector_store %arg18[%swap3A_749, %swap3A_750], %sub3A_747 {strides = array<i32>} : memref<64x16xf32, #tpu.memory_space<vmem>>, vector<16xf32>,
        %get3A_752 = arith.constant 51 : i32
        %get3A_753 = arith.index_cast %get3A_752 : i32 to index
        %get3A_754 = arith.constant 0 : index
        %get3A_755 = tpu.vector_load %arg18[%get3A_753, %get3A_754] {strides = array<i32>} : memref<64x16xf32, #tpu.memory_space<vmem>>, vector<16xf32>,
        %get3A_756 = arith.constant 51 : i32
        %get3A_757 = arith.index_cast %get3A_756 : i32 to index
        %get3A_758 = arith.constant 0 : index
        %get3A_759 = tpu.vector_load %arg20[%get3A_757, %get3A_758] {strides = array<i32>} : memref<64x16xf32, #tpu.memory_space<vmem>>, vector<16xf32>,
        %sub3A_760 = arith.subf %get3A_755, %get3A_759 : vector<16xf32>
        %swap3A_761 = arith.constant 51 : i32
        %swap3A_762 = arith.index_cast %swap3A_761 : i32 to index
        %swap3A_763 = arith.constant 0 : index
        %swap3A_764 = tpu.vector_load %arg18[%swap3A_762, %swap3A_763] {strides = array<i32>} : memref<64x16xf32, #tpu.memory_space<vmem>>, vector<16xf32>,
        tpu.vector_store %arg18[%swap3A_762, %swap3A_763], %sub3A_760 {strides = array<i32>} : memref<64x16xf32, #tpu.memory_space<vmem>>, vector<16xf32>,
        %get3A_765 = arith.constant 52 : i32
        %get3A_766 = arith.index_cast %get3A_765 : i32 to index
        %get3A_767 = arith.constant 0 : index
        %get3A_768 = tpu.vector_load %arg18[%get3A_766, %get3A_767] {strides = array<i32>} : memref<64x16xf32, #tpu.memory_space<vmem>>, vector<16xf32>,
        %get3A_769 = arith.constant 52 : i32
        %get3A_770 = arith.index_cast %get3A_769 : i32 to index
        %get3A_771 = arith.constant 0 : index
        %get3A_772 = tpu.vector_load %arg20[%get3A_770, %get3A_771] {strides = array<i32>} : memref<64x16xf32, #tpu.memory_space<vmem>>, vector<16xf32>,
        %sub3A_773 = arith.subf %get3A_768, %get3A_772 : vector<16xf32>
        %swap3A_774 = arith.constant 52 : i32
        %swap3A_775 = arith.index_cast %swap3A_774 : i32 to index
        %swap3A_776 = arith.constant 0 : index
        %swap3A_777 = tpu.vector_load %arg18[%swap3A_775, %swap3A_776] {strides = array<i32>} : memref<64x16xf32, #tpu.memory_space<vmem>>, vector<16xf32>,
        tpu.vector_store %arg18[%swap3A_775, %swap3A_776], %sub3A_773 {strides = array<i32>} : memref<64x16xf32, #tpu.memory_space<vmem>>, vector<16xf32>,
        %get3A_778 = arith.constant 53 : i32
        %get3A_779 = arith.index_cast %get3A_778 : i32 to index
        %get3A_780 = arith.constant 0 : index
        %get3A_781 = tpu.vector_load %arg18[%get3A_779, %get3A_780] {strides = array<i32>} : memref<64x16xf32, #tpu.memory_space<vmem>>, vector<16xf32>,
        %get3A_782 = arith.constant 53 : i32
        %get3A_783 = arith.index_cast %get3A_782 : i32 to index
        %get3A_784 = arith.constant 0 : index
        %get3A_785 = tpu.vector_load %arg20[%get3A_783, %get3A_784] {strides = array<i32>} : memref<64x16xf32, #tpu.memory_space<vmem>>, vector<16xf32>,
        %sub3A_786 = arith.subf %get3A_781, %get3A_785 : vector<16xf32>
        %swap3A_787 = arith.constant 53 : i32
        %swap3A_788 = arith.index_cast %swap3A_787 : i32 to index
        %swap3A_789 = arith.constant 0 : index
        %swap3A_790 = tpu.vector_load %arg18[%swap3A_788, %swap3A_789] {strides = array<i32>} : memref<64x16xf32, #tpu.memory_space<vmem>>, vector<16xf32>,
        tpu.vector_store %arg18[%swap3A_788, %swap3A_789], %sub3A_786 {strides = array<i32>} : memref<64x16xf32, #tpu.memory_space<vmem>>, vector<16xf32>,
        %get3A_791 = arith.constant 54 : i32
        %get3A_792 = arith.index_cast %get3A_791 : i32 to index
        %get3A_793 = arith.constant 0 : index
        %get3A_794 = tpu.vector_load %arg18[%get3A_792, %get3A_793] {strides = array<i32>} : memref<64x16xf32, #tpu.memory_space<vmem>>, vector<16xf32>,
        %get3A_795 = arith.constant 54 : i32
        %get3A_796 = arith.index_cast %get3A_795 : i32 to index
        %get3A_797 = arith.constant 0 : index
        %get3A_798 = tpu.vector_load %arg20[%get3A_796, %get3A_797] {strides = array<i32>} : memref<64x16xf32, #tpu.memory_space<vmem>>, vector<16xf32>,
        %sub3A_799 = arith.subf %get3A_794, %get3A_798 : vector<16xf32>
        %swap3A_800 = arith.constant 54 : i32
        %swap3A_801 = arith.index_cast %swap3A_800 : i32 to index
        %swap3A_802 = arith.constant 0 : index
        %swap3A_803 = tpu.vector_load %arg18[%swap3A_801, %swap3A_802] {strides = array<i32>} : memref<64x16xf32, #tpu.memory_space<vmem>>, vector<16xf32>,
        tpu.vector_store %arg18[%swap3A_801, %swap3A_802], %sub3A_799 {strides = array<i32>} : memref<64x16xf32, #tpu.memory_space<vmem>>, vector<16xf32>,
        %get3A_804 = arith.constant 55 : i32
        %get3A_805 = arith.index_cast %get3A_804 : i32 to index
        %get3A_806 = arith.constant 0 : index
        %get3A_807 = tpu.vector_load %arg18[%get3A_805, %get3A_806] {strides = array<i32>} : memref<64x16xf32, #tpu.memory_space<vmem>>, vector<16xf32>,
        %get3A_808 = arith.constant 55 : i32
        %get3A_809 = arith.index_cast %get3A_808 : i32 to index
        %get3A_810 = arith.constant 0 : index
        %get3A_811 = tpu.vector_load %arg20[%get3A_809, %get3A_810] {strides = array<i32>} : memref<64x16xf32, #tpu.memory_space<vmem>>, vector<16xf32>,
        %sub3A_812 = arith.subf %get3A_807, %get3A_811 : vector<16xf32>
        %swap3A_813 = arith.constant 55 : i32
        %swap3A_814 = arith.index_cast %swap3A_813 : i32 to index
        %swap3A_815 = arith.constant 0 : index
        %swap3A_816 = tpu.vector_load %arg18[%swap3A_814, %swap3A_815] {strides = array<i32>} : memref<64x16xf32, #tpu.memory_space<vmem>>, vector<16xf32>,
        tpu.vector_store %arg18[%swap3A_814, %swap3A_815], %sub3A_812 {strides = array<i32>} : memref<64x16xf32, #tpu.memory_space<vmem>>, vector<16xf32>,
        %get3A_817 = arith.constant 56 : i32
        %get3A_818 = arith.index_cast %get3A_817 : i32 to index
        %get3A_819 = arith.constant 0 : index
        %get3A_820 = tpu.vector_load %arg18[%get3A_818, %get3A_819] {strides = array<i32>} : memref<64x16xf32, #tpu.memory_space<vmem>>, vector<16xf32>,
        %get3A_821 = arith.constant 56 : i32
        %get3A_822 = arith.index_cast %get3A_821 : i32 to index
        %get3A_823 = arith.constant 0 : index
        %get3A_824 = tpu.vector_load %arg20[%get3A_822, %get3A_823] {strides = array<i32>} : memref<64x16xf32, #tpu.memory_space<vmem>>, vector<16xf32>,
        %sub3A_825 = arith.subf %get3A_820, %get3A_824 : vector<16xf32>
        %swap3A_826 = arith.constant 56 : i32
        %swap3A_827 = arith.index_cast %swap3A_826 : i32 to index
        %swap3A_828 = arith.constant 0 : index
        %swap3A_829 = tpu.vector_load %arg18[%swap3A_827, %swap3A_828] {strides = array<i32>} : memref<64x16xf32, #tpu.memory_space<vmem>>, vector<16xf32>,
        tpu.vector_store %arg18[%swap3A_827, %swap3A_828], %sub3A_825 {strides = array<i32>} : memref<64x16xf32, #tpu.memory_space<vmem>>, vector<16xf32>,
        %get3A_830 = arith.constant 57 : i32
        %get3A_831 = arith.index_cast %get3A_830 : i32 to index
        %get3A_832 = arith.constant 0 : index
        %get3A_833 = tpu.vector_load %arg18[%get3A_831, %get3A_832] {strides = array<i32>} : memref<64x16xf32, #tpu.memory_space<vmem>>, vector<16xf32>,
        %get3A_834 = arith.constant 57 : i32
        %get3A_835 = arith.index_cast %get3A_834 : i32 to index
        %get3A_836 = arith.constant 0 : index
        %get3A_837 = tpu.vector_load %arg20[%get3A_835, %get3A_836] {strides = array<i32>} : memref<64x16xf32, #tpu.memory_space<vmem>>, vector<16xf32>,
        %sub3A_838 = arith.subf %get3A_833, %get3A_837 : vector<16xf32>
        %swap3A_839 = arith.constant 57 : i32
        %swap3A_840 = arith.index_cast %swap3A_839 : i32 to index
        %swap3A_841 = arith.constant 0 : index
        %swap3A_842 = tpu.vector_load %arg18[%swap3A_840, %swap3A_841] {strides = array<i32>} : memref<64x16xf32, #tpu.memory_space<vmem>>, vector<16xf32>,
        tpu.vector_store %arg18[%swap3A_840, %swap3A_841], %sub3A_838 {strides = array<i32>} : memref<64x16xf32, #tpu.memory_space<vmem>>, vector<16xf32>,
        %get3A_843 = arith.constant 58 : i32
        %get3A_844 = arith.index_cast %get3A_843 : i32 to index
        %get3A_845 = arith.constant 0 : index
        %get3A_846 = tpu.vector_load %arg18[%get3A_844, %get3A_845] {strides = array<i32>} : memref<64x16xf32, #tpu.memory_space<vmem>>, vector<16xf32>,
        %get3A_847 = arith.constant 58 : i32
        %get3A_848 = arith.index_cast %get3A_847 : i32 to index
        %get3A_849 = arith.constant 0 : index
        %get3A_850 = tpu.vector_load %arg20[%get3A_848, %get3A_849] {strides = array<i32>} : memref<64x16xf32, #tpu.memory_space<vmem>>, vector<16xf32>,
        %sub3A_851 = arith.subf %get3A_846, %get3A_850 : vector<16xf32>
        %swap3A_852 = arith.constant 58 : i32
        %swap3A_853 = arith.index_cast %swap3A_852 : i32 to index
        %swap3A_854 = arith.constant 0 : index
        %swap3A_855 = tpu.vector_load %arg18[%swap3A_853, %swap3A_854] {strides = array<i32>} : memref<64x16xf32, #tpu.memory_space<vmem>>, vector<16xf32>,
        tpu.vector_store %arg18[%swap3A_853, %swap3A_854], %sub3A_851 {strides = array<i32>} : memref<64x16xf32, #tpu.memory_space<vmem>>, vector<16xf32>,
        %get3A_856 = arith.constant 59 : i32
        %get3A_857 = arith.index_cast %get3A_856 : i32 to index
        %get3A_858 = arith.constant 0 : index
        %get3A_859 = tpu.vector_load %arg18[%get3A_857, %get3A_858] {strides = array<i32>} : memref<64x16xf32, #tpu.memory_space<vmem>>, vector<16xf32>,
        %get3A_860 = arith.constant 59 : i32
        %get3A_861 = arith.index_cast %get3A_860 : i32 to index
        %get3A_862 = arith.constant 0 : index
        %get3A_863 = tpu.vector_load %arg20[%get3A_861, %get3A_862] {strides = array<i32>} : memref<64x16xf32, #tpu.memory_space<vmem>>, vector<16xf32>,
        %sub3A_864 = arith.subf %get3A_859, %get3A_863 : vector<16xf32>
        %swap3A_865 = arith.constant 59 : i32
        %swap3A_866 = arith.index_cast %swap3A_865 : i32 to index
        %swap3A_867 = arith.constant 0 : index
        %swap3A_868 = tpu.vector_load %arg18[%swap3A_866, %swap3A_867] {strides = array<i32>} : memref<64x16xf32, #tpu.memory_space<vmem>>, vector<16xf32>,
        tpu.vector_store %arg18[%swap3A_866, %swap3A_867], %sub3A_864 {strides = array<i32>} : memref<64x16xf32, #tpu.memory_space<vmem>>, vector<16xf32>,
        %get3A_869 = arith.constant 60 : i32
        %get3A_870 = arith.index_cast %get3A_869 : i32 to index
        %get3A_871 = arith.constant 0 : index
        %get3A_872 = tpu.vector_load %arg18[%get3A_870, %get3A_871] {strides = array<i32>} : memref<64x16xf32, #tpu.memory_space<vmem>>, vector<16xf32>,
        %get3A_873 = arith.constant 60 : i32
        %get3A_874 = arith.index_cast %get3A_873 : i32 to index
        %get3A_875 = arith.constant 0 : index
        %get3A_876 = tpu.vector_load %arg20[%get3A_874, %get3A_875] {strides = array<i32>} : memref<64x16xf32, #tpu.memory_space<vmem>>, vector<16xf32>,
        %sub3A_877 = arith.subf %get3A_872, %get3A_876 : vector<16xf32>
        %swap3A_878 = arith.constant 60 : i32
        %swap3A_879 = arith.index_cast %swap3A_878 : i32 to index
        %swap3A_880 = arith.constant 0 : index
        %swap3A_881 = tpu.vector_load %arg18[%swap3A_879, %swap3A_880] {strides = array<i32>} : memref<64x16xf32, #tpu.memory_space<vmem>>, vector<16xf32>,
        tpu.vector_store %arg18[%swap3A_879, %swap3A_880], %sub3A_877 {strides = array<i32>} : memref<64x16xf32, #tpu.memory_space<vmem>>, vector<16xf32>,
        %get3A_882 = arith.constant 61 : i32
        %get3A_883 = arith.index_cast %get3A_882 : i32 to index
        %get3A_884 = arith.constant 0 : index
        %get3A_885 = tpu.vector_load %arg18[%get3A_883, %get3A_884] {strides = array<i32>} : memref<64x16xf32, #tpu.memory_space<vmem>>, vector<16xf32>,
        %get3A_886 = arith.constant 61 : i32
        %get3A_887 = arith.index_cast %get3A_886 : i32 to index
        %get3A_888 = arith.constant 0 : index
        %get3A_889 = tpu.vector_load %arg20[%get3A_887, %get3A_888] {strides = array<i32>} : memref<64x16xf32, #tpu.memory_space<vmem>>, vector<16xf32>,
        %sub3A_890 = arith.subf %get3A_885, %get3A_889 : vector<16xf32>
        %swap3A_891 = arith.constant 61 : i32
        %swap3A_892 = arith.index_cast %swap3A_891 : i32 to index
        %swap3A_893 = arith.constant 0 : index
        %swap3A_894 = tpu.vector_load %arg18[%swap3A_892, %swap3A_893] {strides = array<i32>} : memref<64x16xf32, #tpu.memory_space<vmem>>, vector<16xf32>,
        tpu.vector_store %arg18[%swap3A_892, %swap3A_893], %sub3A_890 {strides = array<i32>} : memref<64x16xf32, #tpu.memory_space<vmem>>, vector<16xf32>,
        %get3A_895 = arith.constant 62 : i32
        %get3A_896 = arith.index_cast %get3A_895 : i32 to index
        %get3A_897 = arith.constant 0 : index
        %get3A_898 = tpu.vector_load %arg18[%get3A_896, %get3A_897] {strides = array<i32>} : memref<64x16xf32, #tpu.memory_space<vmem>>, vector<16xf32>,
        %get3A_899 = arith.constant 62 : i32
        %get3A_900 = arith.index_cast %get3A_899 : i32 to index
        %get3A_901 = arith.constant 0 : index
        %get3A_902 = tpu.vector_load %arg20[%get3A_900, %get3A_901] {strides = array<i32>} : memref<64x16xf32, #tpu.memory_space<vmem>>, vector<16xf32>,
        %sub3A_903 = arith.subf %get3A_898, %get3A_902 : vector<16xf32>
        %swap3A_904 = arith.constant 62 : i32
        %swap3A_905 = arith.index_cast %swap3A_904 : i32 to index
        %swap3A_906 = arith.constant 0 : index
        %swap3A_907 = tpu.vector_load %arg18[%swap3A_905, %swap3A_906] {strides = array<i32>} : memref<64x16xf32, #tpu.memory_space<vmem>>, vector<16xf32>,
        tpu.vector_store %arg18[%swap3A_905, %swap3A_906], %sub3A_903 {strides = array<i32>} : memref<64x16xf32, #tpu.memory_space<vmem>>, vector<16xf32>,
        %get3A_908 = arith.constant 63 : i32
        %get3A_909 = arith.index_cast %get3A_908 : i32 to index
        %get3A_910 = arith.constant 0 : index
        %get3A_911 = tpu.vector_load %arg18[%get3A_909, %get3A_910] {strides = array<i32>} : memref<64x16xf32, #tpu.memory_space<vmem>>, vector<16xf32>,
        %get3A_912 = arith.constant 63 : i32
        %get3A_913 = arith.index_cast %get3A_912 : i32 to index
        %get3A_914 = arith.constant 0 : index
        %get3A_915 = tpu.vector_load %arg20[%get3A_913, %get3A_914] {strides = array<i32>} : memref<64x16xf32, #tpu.memory_space<vmem>>, vector<16xf32>,
        %sub3A_916 = arith.subf %get3A_911, %get3A_915 : vector<16xf32>
        %swap3A_917 = arith.constant 63 : i32
        %swap3A_918 = arith.index_cast %swap3A_917 : i32 to index
        %swap3A_919 = arith.constant 0 : index
        %swap3A_920 = tpu.vector_load %arg18[%swap3A_918, %swap3A_919] {strides = array<i32>} : memref<64x16xf32, #tpu.memory_space<vmem>>, vector<16xf32>,
        tpu.vector_store %arg18[%swap3A_918, %swap3A_919], %sub3A_916 {strides = array<i32>} : memref<64x16xf32, #tpu.memory_space<vmem>>, vector<16xf32>,
        %dma_wait3A_921 = arith.constant 0 : i32
        %dma_wait3A_922 = arith.constant 0 : i32
        %dma_wait3A_923 = tpu.memref_slice %arg21[%dma_wait3A_921, %dma_wait3A_922] : memref<10000x128xf32, #tpu.memory_space<vmem_shared>> -> memref<10000x128xf32, #tpu.memory_space<vmem_shared>>
        tpu.wait_indirect_dma semaphore(%arg28 : memref<!tpu.dma_semaphore, #tpu.memory_space<semaphore_mem>>) src(%dma_wait3A_923 : memref<10000x128xf32, #tpu.memory_space<vmem_shared>>) dst(%arg14 : memref<64x128xf32, #tpu.memory_space<vmem>>)
        %dma_wait3A_924 = arith.constant 0 : i32
        %dma_wait3A_925 = arith.constant 0 : i32
        %dma_wait3A_926 = tpu.memref_slice %arg21[%dma_wait3A_924, %dma_wait3A_925] : memref<10000x128xf32, #tpu.memory_space<vmem_shared>> -> memref<10000x128xf32, #tpu.memory_space<vmem_shared>>
        tpu.wait_indirect_dma semaphore(%arg30 : memref<!tpu.dma_semaphore, #tpu.memory_space<semaphore_mem>>) src(%dma_wait3A_926 : memref<10000x128xf32, #tpu.memory_space<vmem_shared>>) dst(%arg16 : memref<64x128xf32, #tpu.memory_space<vmem>>)
        %add3A_927 = arith.constant 2 : i32
        %add3A_928 = arith.addi %scan3A_54, %add3A_927 : i32
        %lt3A = arith.constant 160 : i32
        %lt3A_929 = arith.cmpi slt, %add3A_928, %lt3A : i32
        %convert_element_type3A_930 = arith.extui %lt3A_929 : i1 to i32
        %cond3A_931 = arith.constant 0 : i32
        %cond3A_932 = arith.cmpi ne, %convert_element_type3A_930, %cond3A_931 : i32
        scf.if %cond3A_932 {
          %add3A_948 = arith.constant 2 : i32
          %add3A_949 = arith.addi %scan3A_54, %add3A_948 : i32
          %mul3A_950 = arith.constant 64 : i32
          %mul3A_951 = arith.muli %add3A_949, %mul3A_950 : i32
          %add3A_952 = arith.addi %mul3A_2, %mul3A_951 : i32
          %dma_start3A_953 = tpu.memref_slice %arg4[%add3A_952] : memref<327680xi32, #tpu.memory_space<hbm>> -> memref<64xi32, #tpu.memory_space<hbm>>
          %dma_start3A_954 = tpu.memref_slice %arg4[%add3A_952] : memref<327680xi32, #tpu.memory_space<hbm>> -> memref<64xi32, #tpu.memory_space<hbm>>
          tpu.enqueue_dma source(%dma_start3A_954 : memref<64xi32, #tpu.memory_space<hbm>>) target(%arg10 : memref<64xi32, #tpu.memory_space<vmem>>) target_semaphore(%arg24 : memref<!tpu.dma_semaphore, #tpu.memory_space<semaphore_mem>>)
          %dma_start3A_955 = tpu.memref_slice %arg5[%add3A_952] : memref<327680xi32, #tpu.memory_space<hbm>> -> memref<64xi32, #tpu.memory_space<hbm>>
          %dma_start3A_956 = tpu.memref_slice %arg5[%add3A_952] : memref<327680xi32, #tpu.memory_space<hbm>> -> memref<64xi32, #tpu.memory_space<hbm>>
          tpu.enqueue_dma source(%dma_start3A_956 : memref<64xi32, #tpu.memory_space<hbm>>) target(%arg12 : memref<64xi32, #tpu.memory_space<vmem>>) target_semaphore(%arg26 : memref<!tpu.dma_semaphore, #tpu.memory_space<semaphore_mem>>)
        } else {
        }
        %mul3A_933 = arith.constant 64 : i32
        %mul3A_934 = arith.muli %scan3A_54, %mul3A_933 : i32
        %add3A_935 = arith.addi %mul3A_2, %mul3A_934 : i32
        %dma_start3A_936 = arith.constant 0 : i32
        %dma_start3A_937 = tpu.memref_slice %arg6[%add3A_935, %dma_start3A_936] : memref<327680x128xf32, #tpu.memory_space<hbm>> -> memref<64x128xf32, #tpu.memory_space<hbm>>
        %dma_start3A_938 = arith.constant 0 : i32
        %dma_start3A_939 = tpu.memref_slice %arg6[%add3A_935, %dma_start3A_938] : memref<327680x128xf32, #tpu.memory_space<hbm>> -> memref<64x128xf32, #tpu.memory_space<hbm>>
        tpu.enqueue_dma source(%arg14 : memref<64x128xf32, #tpu.memory_space<vmem>>) target(%dma_start3A_939 : memref<64x128xf32, #tpu.memory_space<hbm>>) target_semaphore(%arg36 : memref<!tpu.dma_semaphore, #tpu.memory_space<semaphore_mem>>)
        %dma_start3A_940 = arith.constant 0 : i32
        %dma_start3A_941 = tpu.memref_slice %arg7[%add3A_935, %dma_start3A_940] : memref<327680x128xf32, #tpu.memory_space<hbm>> -> memref<64x128xf32, #tpu.memory_space<hbm>>
        %dma_start3A_942 = arith.constant 0 : i32
        %dma_start3A_943 = tpu.memref_slice %arg7[%add3A_935, %dma_start3A_942] : memref<327680x128xf32, #tpu.memory_space<hbm>> -> memref<64x128xf32, #tpu.memory_space<hbm>>
        tpu.enqueue_dma source(%arg16 : memref<64x128xf32, #tpu.memory_space<vmem>>) target(%dma_start3A_943 : memref<64x128xf32, #tpu.memory_space<hbm>>) target_semaphore(%arg38 : memref<!tpu.dma_semaphore, #tpu.memory_space<semaphore_mem>>)
        %dma_start3A_944 = arith.constant 0 : i32
        %dma_start3A_945 = tpu.memref_slice %arg8[%add3A_935, %dma_start3A_944] : memref<327680x16xf32, #tpu.memory_space<hbm>> -> memref<64x16xf32, #tpu.memory_space<hbm>>
        %dma_start3A_946 = arith.constant 0 : i32
        %dma_start3A_947 = tpu.memref_slice %arg8[%add3A_935, %dma_start3A_946] : memref<327680x16xf32, #tpu.memory_space<hbm>> -> memref<64x16xf32, #tpu.memory_space<hbm>>
        tpu.enqueue_dma source(%arg18 : memref<64x16xf32, #tpu.memory_space<vmem>>) target(%dma_start3A_947 : memref<64x16xf32, #tpu.memory_space<hbm>>) target_semaphore(%arg40 : memref<!tpu.dma_semaphore, #tpu.memory_space<semaphore_mem>>)
      } else {
      }
    }
    %scan3A_26 = arith.constant 160 : i32
    %add3A_27 = arith.constant 10112 : i32
    %add3A_28 = arith.addi %mul3A_2, %add3A_27 : i32
    %dma_wait3A = arith.constant 0 : i32
    %dma_wait3A_29 = tpu.memref_slice %arg6[%add3A_28, %dma_wait3A] : memref<327680x128xf32, #tpu.memory_space<hbm>> -> memref<64x128xf32, #tpu.memory_space<hbm>>
    %dma_wait3A_30 = arith.constant 0 : i32
    %dma_wait3A_31 = tpu.memref_slice %arg6[%add3A_28, %dma_wait3A_30] : memref<327680x128xf32, #tpu.memory_space<hbm>> -> memref<64x128xf32, #tpu.memory_space<hbm>>
    tpu.wait_dma2 semaphore(%arg35 : memref<!tpu.dma_semaphore, #tpu.memory_space<semaphore_mem>>) src(%arg13 : memref<64x128xf32, #tpu.memory_space<vmem>>) dst(%dma_wait3A_31 : memref<64x128xf32, #tpu.memory_space<hbm>>)
    %dma_wait3A_32 = arith.constant 0 : i32
    %dma_wait3A_33 = tpu.memref_slice %arg7[%add3A_28, %dma_wait3A_32] : memref<327680x128xf32, #tpu.memory_space<hbm>> -> memref<64x128xf32, #tpu.memory_space<hbm>>
    %dma_wait3A_34 = arith.constant 0 : i32
    %dma_wait3A_35 = tpu.memref_slice %arg7[%add3A_28, %dma_wait3A_34] : memref<327680x128xf32, #tpu.memory_space<hbm>> -> memref<64x128xf32, #tpu.memory_space<hbm>>
    tpu.wait_dma2 semaphore(%arg37 : memref<!tpu.dma_semaphore, #tpu.memory_space<semaphore_mem>>) src(%arg15 : memref<64x128xf32, #tpu.memory_space<vmem>>) dst(%dma_wait3A_35 : memref<64x128xf32, #tpu.memory_space<hbm>>)
    %dma_wait3A_36 = arith.constant 0 : i32
    %dma_wait3A_37 = tpu.memref_slice %arg8[%add3A_28, %dma_wait3A_36] : memref<327680x16xf32, #tpu.memory_space<hbm>> -> memref<64x16xf32, #tpu.memory_space<hbm>>
    %dma_wait3A_38 = arith.constant 0 : i32
    %dma_wait3A_39 = tpu.memref_slice %arg8[%add3A_28, %dma_wait3A_38] : memref<327680x16xf32, #tpu.memory_space<hbm>> -> memref<64x16xf32, #tpu.memory_space<hbm>>
    tpu.wait_dma2 semaphore(%arg39 : memref<!tpu.dma_semaphore, #tpu.memory_space<semaphore_mem>>) src(%arg17 : memref<64x16xf32, #tpu.memory_space<vmem>>) dst(%dma_wait3A_39 : memref<64x16xf32, #tpu.memory_space<hbm>>)
    %add3A_40 = arith.constant 10176 : i32
    %add3A_41 = arith.addi %mul3A_2, %add3A_40 : i32
    %dma_wait3A_42 = arith.constant 0 : i32
    %dma_wait3A_43 = tpu.memref_slice %arg6[%add3A_41, %dma_wait3A_42] : memref<327680x128xf32, #tpu.memory_space<hbm>> -> memref<64x128xf32, #tpu.memory_space<hbm>>
    %dma_wait3A_44 = arith.constant 0 : i32
    %dma_wait3A_45 = tpu.memref_slice %arg6[%add3A_41, %dma_wait3A_44] : memref<327680x128xf32, #tpu.memory_space<hbm>> -> memref<64x128xf32, #tpu.memory_space<hbm>>
    tpu.wait_dma2 semaphore(%arg36 : memref<!tpu.dma_semaphore, #tpu.memory_space<semaphore_mem>>) src(%arg14 : memref<64x128xf32, #tpu.memory_space<vmem>>) dst(%dma_wait3A_45 : memref<64x128xf32, #tpu.memory_space<hbm>>)
    %dma_wait3A_46 = arith.constant 0 : i32
    %dma_wait3A_47 = tpu.memref_slice %arg7[%add3A_41, %dma_wait3A_46] : memref<327680x128xf32, #tpu.memory_space<hbm>> -> memref<64x128xf32, #tpu.memory_space<hbm>>
    %dma_wait3A_48 = arith.constant 0 : i32
    %dma_wait3A_49 = tpu.memref_slice %arg7[%add3A_41, %dma_wait3A_48] : memref<327680x128xf32, #tpu.memory_space<hbm>> -> memref<64x128xf32, #tpu.memory_space<hbm>>
    tpu.wait_dma2 semaphore(%arg38 : memref<!tpu.dma_semaphore, #tpu.memory_space<semaphore_mem>>) src(%arg16 : memref<64x128xf32, #tpu.memory_space<vmem>>) dst(%dma_wait3A_49 : memref<64x128xf32, #tpu.memory_space<hbm>>)
    %dma_wait3A_50 = arith.constant 0 : i32
    %dma_wait3A_51 = tpu.memref_slice %arg8[%add3A_41, %dma_wait3A_50] : memref<327680x16xf32, #tpu.memory_space<hbm>> -> memref<64x16xf32, #tpu.memory_space<hbm>>
    %dma_wait3A_52 = arith.constant 0 : i32
    %dma_wait3A_53 = tpu.memref_slice %arg8[%add3A_41, %dma_wait3A_52] : memref<327680x16xf32, #tpu.memory_space<hbm>> -> memref<64x16xf32, #tpu.memory_space<hbm>>
    tpu.wait_dma2 semaphore(%arg40 : memref<!tpu.dma_semaphore, #tpu.memory_space<semaphore_mem>>) src(%arg18 : memref<64x16xf32, #tpu.memory_space<vmem>>) dst(%dma_wait3A_53 : memref<64x16xf32, #tpu.memory_space<hbm>>)
    return
  }
}

#map = affine_map<(d0, d1) -> (0)>
#map1 = affine_map<(d0, d1) -> (0, 0)>
#map2 = affine_map<(d0, d1) -> (0, 0, 0)>
module attributes {stable_mosaic.version = 14 : i64} {
  func.func @_scatter_kernel(%arg0: i32, %arg1: i32, %arg2: memref<327680xi32, #tpu.memory_space<hbm>>, %arg3: memref<327680x128xf32, #tpu.memory_space<hbm>>, %arg4: memref<327680x16xf32, #tpu.memory_space<hbm>>, %arg5: memref<10112x128xf32, #tpu.memory_space<hbm>>, %arg6: memref<10112x16xf32, #tpu.memory_space<hbm>>, %arg7: memref<2x10112x128xf32, #tpu.memory_space<hbm>>, %arg8: memref<2x10112x16xf32, #tpu.memory_space<hbm>>, %arg9: memref<128xi32, #tpu.memory_space<vmem>>, %arg10: memref<128xi32, #tpu.memory_space<vmem>>, %arg11: memref<128x128xf32, #tpu.memory_space<vmem>>, %arg12: memref<128x128xf32, #tpu.memory_space<vmem>>, %arg13: memref<128x16xf32, #tpu.memory_space<vmem>>, %arg14: memref<128x16xf32, #tpu.memory_space<vmem>>, %arg15: memref<10112x128xf32, #tpu.memory_space<vmem_shared>>, %arg16: memref<10112x16xf32, #tpu.memory_space<vmem_shared>>, %arg17: memref<!tpu.dma_semaphore, #tpu.memory_space<semaphore_mem>>, %arg18: memref<!tpu.dma_semaphore, #tpu.memory_space<semaphore_mem>>, %arg19: memref<!tpu.dma_semaphore, #tpu.memory_space<semaphore_mem>>, %arg20: memref<!tpu.dma_semaphore, #tpu.memory_space<semaphore_mem>>, %arg21: memref<!tpu.dma_semaphore, #tpu.memory_space<semaphore_mem>>, %arg22: memref<!tpu.dma_semaphore, #tpu.memory_space<semaphore_mem>>) attributes {dimension_semantics = [#tpu.dimension_semantics<core_parallel>, #tpu.dimension_semantics<subcore_parallel>], iteration_bounds = array<i64: 2, 16>, scalar_prefetch = 0 : i64, scratch_operands = 14 : i64, tpu.core_type = #tpu.core_type<sc_vector_subcore>, window_params = [{transform_indices = #map}, {transform_indices = #map1}, {transform_indices = #map1}, {transform_indices = #map1}, {transform_indices = #map1}, {transform_indices = #map2}, {transform_indices = #map2}]} {
    %mul3A = arith.constant 2 : i32
    %mul3A_0 = arith.muli %arg1, %mul3A : i32
    %add3A = arith.addi %mul3A_0, %arg0 : i32
    %mul3A_1 = arith.constant 632 : i32
    %mul3A_2 = arith.muli %arg1, %mul3A_1 : i32
    "tpu.region"() ({
      %run_scoped3A = tpu.sem_alloc : memref<!tpu.dma_semaphore, #tpu.memory_space<semaphore_mem>>
      %dma_start3A_36 = arith.constant 0 : i32
      %dma_start3A_37 = tpu.memref_slice %arg15[%mul3A_2, %dma_start3A_36] : memref<10112x128xf32, #tpu.memory_space<vmem_shared>> -> memref<632x128xf32, #tpu.memory_space<vmem_shared>>
      %dma_start3A_38 = arith.constant 0 : i32
      %dma_start3A_39 = tpu.memref_slice %arg5[%mul3A_2, %dma_start3A_38] : memref<10112x128xf32, #tpu.memory_space<hbm>> -> memref<632x128xf32, #tpu.memory_space<hbm>>
      tpu.enqueue_dma source(%dma_start3A_39 : memref<632x128xf32, #tpu.memory_space<hbm>>) target(%dma_start3A_37 : memref<632x128xf32, #tpu.memory_space<vmem_shared>>) target_semaphore(%run_scoped3A : memref<!tpu.dma_semaphore, #tpu.memory_space<semaphore_mem>>)
      %dma_wait3A = arith.constant 0 : i32
      %dma_wait3A_40 = tpu.memref_slice %arg15[%mul3A_2, %dma_wait3A] : memref<10112x128xf32, #tpu.memory_space<vmem_shared>> -> memref<632x128xf32, #tpu.memory_space<vmem_shared>>
      %dma_wait3A_41 = arith.constant 0 : i32
      %dma_wait3A_42 = tpu.memref_slice %arg5[%mul3A_2, %dma_wait3A_41] : memref<10112x128xf32, #tpu.memory_space<hbm>> -> memref<632x128xf32, #tpu.memory_space<hbm>>
      tpu.wait_dma2 semaphore(%run_scoped3A : memref<!tpu.dma_semaphore, #tpu.memory_space<semaphore_mem>>) src(%dma_wait3A_42 : memref<632x128xf32, #tpu.memory_space<hbm>>) dst(%dma_wait3A_40 : memref<632x128xf32, #tpu.memory_space<vmem_shared>>)
      tpu.yield
    }) : () -> ()
    "tpu.region"() ({
      %run_scoped3A = tpu.sem_alloc : memref<!tpu.dma_semaphore, #tpu.memory_space<semaphore_mem>>
      %dma_start3A_36 = arith.constant 0 : i32
      %dma_start3A_37 = tpu.memref_slice %arg16[%mul3A_2, %dma_start3A_36] : memref<10112x16xf32, #tpu.memory_space<vmem_shared>> -> memref<632x16xf32, #tpu.memory_space<vmem_shared>>
      %dma_start3A_38 = arith.constant 0 : i32
      %dma_start3A_39 = tpu.memref_slice %arg6[%mul3A_2, %dma_start3A_38] : memref<10112x16xf32, #tpu.memory_space<hbm>> -> memref<632x16xf32, #tpu.memory_space<hbm>>
      tpu.enqueue_dma source(%dma_start3A_39 : memref<632x16xf32, #tpu.memory_space<hbm>>) target(%dma_start3A_37 : memref<632x16xf32, #tpu.memory_space<vmem_shared>>) target_semaphore(%run_scoped3A : memref<!tpu.dma_semaphore, #tpu.memory_space<semaphore_mem>>)
      %dma_wait3A = arith.constant 0 : i32
      %dma_wait3A_40 = tpu.memref_slice %arg16[%mul3A_2, %dma_wait3A] : memref<10112x16xf32, #tpu.memory_space<vmem_shared>> -> memref<632x16xf32, #tpu.memory_space<vmem_shared>>
      %dma_wait3A_41 = arith.constant 0 : i32
      %dma_wait3A_42 = tpu.memref_slice %arg6[%mul3A_2, %dma_wait3A_41] : memref<10112x16xf32, #tpu.memory_space<hbm>> -> memref<632x16xf32, #tpu.memory_space<hbm>>
      tpu.wait_dma2 semaphore(%run_scoped3A : memref<!tpu.dma_semaphore, #tpu.memory_space<semaphore_mem>>) src(%dma_wait3A_42 : memref<632x16xf32, #tpu.memory_space<hbm>>) dst(%dma_wait3A_40 : memref<632x16xf32, #tpu.memory_space<vmem_shared>>)
      tpu.yield
    }) : () -> ()
    %barrier3A = arith.constant 0 : index
    tpu.barrier barrier_id(%barrier3A)
    %mul3A_3 = arith.constant 10240 : i32
    %mul3A_4 = arith.muli %add3A, %mul3A_3 : i32
    %add3A_5 = arith.constant 0 : i32
    %add3A_6 = arith.addi %mul3A_4, %add3A_5 : i32
    %dma_start3A = tpu.memref_slice %arg2[%add3A_6] : memref<327680xi32, #tpu.memory_space<hbm>> -> memref<128xi32, #tpu.memory_space<hbm>>
    %dma_start3A_7 = tpu.memref_slice %arg2[%add3A_6] : memref<327680xi32, #tpu.memory_space<hbm>> -> memref<128xi32, #tpu.memory_space<hbm>>
    tpu.enqueue_dma source(%dma_start3A_7 : memref<128xi32, #tpu.memory_space<hbm>>) target(%arg9 : memref<128xi32, #tpu.memory_space<vmem>>) target_semaphore(%arg17 : memref<!tpu.dma_semaphore, #tpu.memory_space<semaphore_mem>>)
    %dma_start3A_8 = arith.constant 0 : i32
    %dma_start3A_9 = tpu.memref_slice %arg3[%add3A_6, %dma_start3A_8] : memref<327680x128xf32, #tpu.memory_space<hbm>> -> memref<128x128xf32, #tpu.memory_space<hbm>>
    %dma_start3A_10 = arith.constant 0 : i32
    %dma_start3A_11 = tpu.memref_slice %arg3[%add3A_6, %dma_start3A_10] : memref<327680x128xf32, #tpu.memory_space<hbm>> -> memref<128x128xf32, #tpu.memory_space<hbm>>
    tpu.enqueue_dma source(%dma_start3A_11 : memref<128x128xf32, #tpu.memory_space<hbm>>) target(%arg11 : memref<128x128xf32, #tpu.memory_space<vmem>>) target_semaphore(%arg19 : memref<!tpu.dma_semaphore, #tpu.memory_space<semaphore_mem>>)
    %dma_start3A_12 = arith.constant 0 : i32
    %dma_start3A_13 = tpu.memref_slice %arg4[%add3A_6, %dma_start3A_12] : memref<327680x16xf32, #tpu.memory_space<hbm>> -> memref<128x16xf32, #tpu.memory_space<hbm>>
    %dma_start3A_14 = arith.constant 0 : i32
    %dma_start3A_15 = tpu.memref_slice %arg4[%add3A_6, %dma_start3A_14] : memref<327680x16xf32, #tpu.memory_space<hbm>> -> memref<128x16xf32, #tpu.memory_space<hbm>>
    tpu.enqueue_dma source(%dma_start3A_15 : memref<128x16xf32, #tpu.memory_space<hbm>>) target(%arg13 : memref<128x16xf32, #tpu.memory_space<vmem>>) target_semaphore(%arg21 : memref<!tpu.dma_semaphore, #tpu.memory_space<semaphore_mem>>)
    %mul3A_16 = arith.constant 10240 : i32
    %mul3A_17 = arith.muli %add3A, %mul3A_16 : i32
    %add3A_18 = arith.constant 128 : i32
    %add3A_19 = arith.addi %mul3A_17, %add3A_18 : i32
    %dma_start3A_20 = tpu.memref_slice %arg2[%add3A_19] : memref<327680xi32, #tpu.memory_space<hbm>> -> memref<128xi32, #tpu.memory_space<hbm>>
    %dma_start3A_21 = tpu.memref_slice %arg2[%add3A_19] : memref<327680xi32, #tpu.memory_space<hbm>> -> memref<128xi32, #tpu.memory_space<hbm>>
    tpu.enqueue_dma source(%dma_start3A_21 : memref<128xi32, #tpu.memory_space<hbm>>) target(%arg10 : memref<128xi32, #tpu.memory_space<vmem>>) target_semaphore(%arg18 : memref<!tpu.dma_semaphore, #tpu.memory_space<semaphore_mem>>)
    %dma_start3A_22 = arith.constant 0 : i32
    %dma_start3A_23 = tpu.memref_slice %arg3[%add3A_19, %dma_start3A_22] : memref<327680x128xf32, #tpu.memory_space<hbm>> -> memref<128x128xf32, #tpu.memory_space<hbm>>
    %dma_start3A_24 = arith.constant 0 : i32
    %dma_start3A_25 = tpu.memref_slice %arg3[%add3A_19, %dma_start3A_24] : memref<327680x128xf32, #tpu.memory_space<hbm>> -> memref<128x128xf32, #tpu.memory_space<hbm>>
    tpu.enqueue_dma source(%dma_start3A_25 : memref<128x128xf32, #tpu.memory_space<hbm>>) target(%arg12 : memref<128x128xf32, #tpu.memory_space<vmem>>) target_semaphore(%arg20 : memref<!tpu.dma_semaphore, #tpu.memory_space<semaphore_mem>>)
    %dma_start3A_26 = arith.constant 0 : i32
    %dma_start3A_27 = tpu.memref_slice %arg4[%add3A_19, %dma_start3A_26] : memref<327680x16xf32, #tpu.memory_space<hbm>> -> memref<128x16xf32, #tpu.memory_space<hbm>>
    %dma_start3A_28 = arith.constant 0 : i32
    %dma_start3A_29 = tpu.memref_slice %arg4[%add3A_19, %dma_start3A_28] : memref<327680x16xf32, #tpu.memory_space<hbm>> -> memref<128x16xf32, #tpu.memory_space<hbm>>
    tpu.enqueue_dma source(%dma_start3A_29 : memref<128x16xf32, #tpu.memory_space<hbm>>) target(%arg14 : memref<128x16xf32, #tpu.memory_space<vmem>>) target_semaphore(%arg22 : memref<!tpu.dma_semaphore, #tpu.memory_space<semaphore_mem>>)
    %scan3A = arith.constant 0 : i32
    %scan3A_30 = arith.constant 0 : i32
    %scan3A_31 = arith.constant 80 : i32
    %scan3A_32 = arith.addi %scan3A_30, %scan3A_31 : i32
    %scan3A_33 = arith.constant 1 : i32
    scf.for %scan3A_36 = %scan3A_30 to %scan3A_32 step %scan3A_33  : i32 {
      %rem3A = arith.constant 2 : i32
      %rem3A_37 = arith.remsi %scan3A_36, %rem3A : i32
      %eq3A = arith.constant 0 : i32
      %eq3A_38 = arith.cmpi eq, %rem3A_37, %eq3A : i32
      %convert_element_type3A = arith.extui %eq3A_38 : i1 to i32
      %cond3A = arith.constant 0 : i32
      %cond3A_39 = arith.cmpi ne, %convert_element_type3A, %cond3A : i32
      scf.if %cond3A_39 {
        %mul3A_45 = arith.constant 10240 : i32
        %mul3A_46 = arith.muli %add3A, %mul3A_45 : i32
        %mul3A_47 = arith.constant 128 : i32
        %mul3A_48 = arith.muli %scan3A_36, %mul3A_47 : i32
        %add3A_49 = arith.addi %mul3A_46, %mul3A_48 : i32
        %dma_wait3A = tpu.memref_slice %arg2[%add3A_49] : memref<327680xi32, #tpu.memory_space<hbm>> -> memref<128xi32, #tpu.memory_space<hbm>>
        %dma_wait3A_50 = tpu.memref_slice %arg2[%add3A_49] : memref<327680xi32, #tpu.memory_space<hbm>> -> memref<128xi32, #tpu.memory_space<hbm>>
        tpu.wait_dma2 semaphore(%arg17 : memref<!tpu.dma_semaphore, #tpu.memory_space<semaphore_mem>>) src(%dma_wait3A_50 : memref<128xi32, #tpu.memory_space<hbm>>) dst(%arg9 : memref<128xi32, #tpu.memory_space<vmem>>)
        %dma_wait3A_51 = arith.constant 0 : i32
        %dma_wait3A_52 = tpu.memref_slice %arg3[%add3A_49, %dma_wait3A_51] : memref<327680x128xf32, #tpu.memory_space<hbm>> -> memref<128x128xf32, #tpu.memory_space<hbm>>
        %dma_wait3A_53 = arith.constant 0 : i32
        %dma_wait3A_54 = tpu.memref_slice %arg3[%add3A_49, %dma_wait3A_53] : memref<327680x128xf32, #tpu.memory_space<hbm>> -> memref<128x128xf32, #tpu.memory_space<hbm>>
        tpu.wait_dma2 semaphore(%arg19 : memref<!tpu.dma_semaphore, #tpu.memory_space<semaphore_mem>>) src(%dma_wait3A_54 : memref<128x128xf32, #tpu.memory_space<hbm>>) dst(%arg11 : memref<128x128xf32, #tpu.memory_space<vmem>>)
        %dma_wait3A_55 = arith.constant 0 : i32
        %dma_wait3A_56 = tpu.memref_slice %arg4[%add3A_49, %dma_wait3A_55] : memref<327680x16xf32, #tpu.memory_space<hbm>> -> memref<128x16xf32, #tpu.memory_space<hbm>>
        %dma_wait3A_57 = arith.constant 0 : i32
        %dma_wait3A_58 = tpu.memref_slice %arg4[%add3A_49, %dma_wait3A_57] : memref<327680x16xf32, #tpu.memory_space<hbm>> -> memref<128x16xf32, #tpu.memory_space<hbm>>
        tpu.wait_dma2 semaphore(%arg21 : memref<!tpu.dma_semaphore, #tpu.memory_space<semaphore_mem>>) src(%dma_wait3A_58 : memref<128x16xf32, #tpu.memory_space<hbm>>) dst(%arg13 : memref<128x16xf32, #tpu.memory_space<vmem>>)
        "tpu.region"() ({
          %run_scoped3A = tpu.sem_alloc : memref<!tpu.dma_semaphore, #tpu.memory_space<semaphore_mem>>
          %dma_start3A_65 = arith.constant 0 : i32
          %dma_start3A_66 = arith.constant 0 : i32
          %dma_start3A_67 = tpu.memref_slice %arg15[%dma_start3A_65, %dma_start3A_66] : memref<10112x128xf32, #tpu.memory_space<vmem_shared>> -> memref<10112x128xf32, #tpu.memory_space<vmem_shared>>
          tpu.enqueue_indirect_dma source(%arg11 : memref<128x128xf32, #tpu.memory_space<vmem>>) target(%dma_start3A_67 : memref<10112x128xf32, #tpu.memory_space<vmem_shared>>) offsets(%arg9 : memref<128xi32, #tpu.memory_space<vmem>>) semaphore(%run_scoped3A : memref<!tpu.dma_semaphore, #tpu.memory_space<semaphore_mem>>) {add = true}
          %dma_wait3A_68 = arith.constant 0 : i32
          %dma_wait3A_69 = arith.constant 0 : i32
          %dma_wait3A_70 = tpu.memref_slice %arg15[%dma_wait3A_68, %dma_wait3A_69] : memref<10112x128xf32, #tpu.memory_space<vmem_shared>> -> memref<10112x128xf32, #tpu.memory_space<vmem_shared>>
          tpu.wait_indirect_dma semaphore(%run_scoped3A : memref<!tpu.dma_semaphore, #tpu.memory_space<semaphore_mem>>) src(%arg11 : memref<128x128xf32, #tpu.memory_space<vmem>>) dst(%dma_wait3A_70 : memref<10112x128xf32, #tpu.memory_space<vmem_shared>>)
          tpu.yield
        }) : () -> ()
        "tpu.region"() ({
          %run_scoped3A = tpu.sem_alloc : memref<!tpu.dma_semaphore, #tpu.memory_space<semaphore_mem>>
          %dma_start3A_65 = arith.constant 0 : i32
          %dma_start3A_66 = arith.constant 0 : i32
          %dma_start3A_67 = tpu.memref_slice %arg16[%dma_start3A_65, %dma_start3A_66] : memref<10112x16xf32, #tpu.memory_space<vmem_shared>> -> memref<10112x16xf32, #tpu.memory_space<vmem_shared>>
          tpu.enqueue_indirect_dma source(%arg13 : memref<128x16xf32, #tpu.memory_space<vmem>>) target(%dma_start3A_67 : memref<10112x16xf32, #tpu.memory_space<vmem_shared>>) offsets(%arg9 : memref<128xi32, #tpu.memory_space<vmem>>) semaphore(%run_scoped3A : memref<!tpu.dma_semaphore, #tpu.memory_space<semaphore_mem>>) {add = true}
          %dma_wait3A_68 = arith.constant 0 : i32
          %dma_wait3A_69 = arith.constant 0 : i32
          %dma_wait3A_70 = tpu.memref_slice %arg16[%dma_wait3A_68, %dma_wait3A_69] : memref<10112x16xf32, #tpu.memory_space<vmem_shared>> -> memref<10112x16xf32, #tpu.memory_space<vmem_shared>>
          tpu.wait_indirect_dma semaphore(%run_scoped3A : memref<!tpu.dma_semaphore, #tpu.memory_space<semaphore_mem>>) src(%arg13 : memref<128x16xf32, #tpu.memory_space<vmem>>) dst(%dma_wait3A_70 : memref<10112x16xf32, #tpu.memory_space<vmem_shared>>)
          tpu.yield
        }) : () -> ()
        %add3A_59 = arith.constant 2 : i32
        %add3A_60 = arith.addi %scan3A_36, %add3A_59 : i32
        %lt3A = arith.constant 80 : i32
        %lt3A_61 = arith.cmpi slt, %add3A_60, %lt3A : i32
        %convert_element_type3A_62 = arith.extui %lt3A_61 : i1 to i32
        %cond3A_63 = arith.constant 0 : i32
        %cond3A_64 = arith.cmpi ne, %convert_element_type3A_62, %cond3A_63 : i32
        scf.if %cond3A_64 {
          %add3A_65 = arith.constant 2 : i32
          %add3A_66 = arith.addi %scan3A_36, %add3A_65 : i32
          %mul3A_67 = arith.constant 10240 : i32
          %mul3A_68 = arith.muli %add3A, %mul3A_67 : i32
          %mul3A_69 = arith.constant 128 : i32
          %mul3A_70 = arith.muli %add3A_66, %mul3A_69 : i32
          %add3A_71 = arith.addi %mul3A_68, %mul3A_70 : i32
          %dma_start3A_72 = tpu.memref_slice %arg2[%add3A_71] : memref<327680xi32, #tpu.memory_space<hbm>> -> memref<128xi32, #tpu.memory_space<hbm>>
          %dma_start3A_73 = tpu.memref_slice %arg2[%add3A_71] : memref<327680xi32, #tpu.memory_space<hbm>> -> memref<128xi32, #tpu.memory_space<hbm>>
          tpu.enqueue_dma source(%dma_start3A_73 : memref<128xi32, #tpu.memory_space<hbm>>) target(%arg9 : memref<128xi32, #tpu.memory_space<vmem>>) target_semaphore(%arg17 : memref<!tpu.dma_semaphore, #tpu.memory_space<semaphore_mem>>)
          %dma_start3A_74 = arith.constant 0 : i32
          %dma_start3A_75 = tpu.memref_slice %arg3[%add3A_71, %dma_start3A_74] : memref<327680x128xf32, #tpu.memory_space<hbm>> -> memref<128x128xf32, #tpu.memory_space<hbm>>
          %dma_start3A_76 = arith.constant 0 : i32
          %dma_start3A_77 = tpu.memref_slice %arg3[%add3A_71, %dma_start3A_76] : memref<327680x128xf32, #tpu.memory_space<hbm>> -> memref<128x128xf32, #tpu.memory_space<hbm>>
          tpu.enqueue_dma source(%dma_start3A_77 : memref<128x128xf32, #tpu.memory_space<hbm>>) target(%arg11 : memref<128x128xf32, #tpu.memory_space<vmem>>) target_semaphore(%arg19 : memref<!tpu.dma_semaphore, #tpu.memory_space<semaphore_mem>>)
          %dma_start3A_78 = arith.constant 0 : i32
          %dma_start3A_79 = tpu.memref_slice %arg4[%add3A_71, %dma_start3A_78] : memref<327680x16xf32, #tpu.memory_space<hbm>> -> memref<128x16xf32, #tpu.memory_space<hbm>>
          %dma_start3A_80 = arith.constant 0 : i32
          %dma_start3A_81 = tpu.memref_slice %arg4[%add3A_71, %dma_start3A_80] : memref<327680x16xf32, #tpu.memory_space<hbm>> -> memref<128x16xf32, #tpu.memory_space<hbm>>
          tpu.enqueue_dma source(%dma_start3A_81 : memref<128x16xf32, #tpu.memory_space<hbm>>) target(%arg13 : memref<128x16xf32, #tpu.memory_space<vmem>>) target_semaphore(%arg21 : memref<!tpu.dma_semaphore, #tpu.memory_space<semaphore_mem>>)
        } else {
        }
      } else {
      }
      %eq3A_40 = arith.constant 1 : i32
      %eq3A_41 = arith.cmpi eq, %rem3A_37, %eq3A_40 : i32
      %convert_element_type3A_42 = arith.extui %eq3A_41 : i1 to i32
      %cond3A_43 = arith.constant 0 : i32
      %cond3A_44 = arith.cmpi ne, %convert_element_type3A_42, %cond3A_43 : i32
      scf.if %cond3A_44 {
        %mul3A_45 = arith.constant 10240 : i32
        %mul3A_46 = arith.muli %add3A, %mul3A_45 : i32
        %mul3A_47 = arith.constant 128 : i32
        %mul3A_48 = arith.muli %scan3A_36, %mul3A_47 : i32
        %add3A_49 = arith.addi %mul3A_46, %mul3A_48 : i32
        %dma_wait3A = tpu.memref_slice %arg2[%add3A_49] : memref<327680xi32, #tpu.memory_space<hbm>> -> memref<128xi32, #tpu.memory_space<hbm>>
        %dma_wait3A_50 = tpu.memref_slice %arg2[%add3A_49] : memref<327680xi32, #tpu.memory_space<hbm>> -> memref<128xi32, #tpu.memory_space<hbm>>
        tpu.wait_dma2 semaphore(%arg18 : memref<!tpu.dma_semaphore, #tpu.memory_space<semaphore_mem>>) src(%dma_wait3A_50 : memref<128xi32, #tpu.memory_space<hbm>>) dst(%arg10 : memref<128xi32, #tpu.memory_space<vmem>>)
        %dma_wait3A_51 = arith.constant 0 : i32
        %dma_wait3A_52 = tpu.memref_slice %arg3[%add3A_49, %dma_wait3A_51] : memref<327680x128xf32, #tpu.memory_space<hbm>> -> memref<128x128xf32, #tpu.memory_space<hbm>>
        %dma_wait3A_53 = arith.constant 0 : i32
        %dma_wait3A_54 = tpu.memref_slice %arg3[%add3A_49, %dma_wait3A_53] : memref<327680x128xf32, #tpu.memory_space<hbm>> -> memref<128x128xf32, #tpu.memory_space<hbm>>
        tpu.wait_dma2 semaphore(%arg20 : memref<!tpu.dma_semaphore, #tpu.memory_space<semaphore_mem>>) src(%dma_wait3A_54 : memref<128x128xf32, #tpu.memory_space<hbm>>) dst(%arg12 : memref<128x128xf32, #tpu.memory_space<vmem>>)
        %dma_wait3A_55 = arith.constant 0 : i32
        %dma_wait3A_56 = tpu.memref_slice %arg4[%add3A_49, %dma_wait3A_55] : memref<327680x16xf32, #tpu.memory_space<hbm>> -> memref<128x16xf32, #tpu.memory_space<hbm>>
        %dma_wait3A_57 = arith.constant 0 : i32
        %dma_wait3A_58 = tpu.memref_slice %arg4[%add3A_49, %dma_wait3A_57] : memref<327680x16xf32, #tpu.memory_space<hbm>> -> memref<128x16xf32, #tpu.memory_space<hbm>>
        tpu.wait_dma2 semaphore(%arg22 : memref<!tpu.dma_semaphore, #tpu.memory_space<semaphore_mem>>) src(%dma_wait3A_58 : memref<128x16xf32, #tpu.memory_space<hbm>>) dst(%arg14 : memref<128x16xf32, #tpu.memory_space<vmem>>)
        "tpu.region"() ({
          %run_scoped3A = tpu.sem_alloc : memref<!tpu.dma_semaphore, #tpu.memory_space<semaphore_mem>>
          %dma_start3A_65 = arith.constant 0 : i32
          %dma_start3A_66 = arith.constant 0 : i32
          %dma_start3A_67 = tpu.memref_slice %arg15[%dma_start3A_65, %dma_start3A_66] : memref<10112x128xf32, #tpu.memory_space<vmem_shared>> -> memref<10112x128xf32, #tpu.memory_space<vmem_shared>>
          tpu.enqueue_indirect_dma source(%arg12 : memref<128x128xf32, #tpu.memory_space<vmem>>) target(%dma_start3A_67 : memref<10112x128xf32, #tpu.memory_space<vmem_shared>>) offsets(%arg10 : memref<128xi32, #tpu.memory_space<vmem>>) semaphore(%run_scoped3A : memref<!tpu.dma_semaphore, #tpu.memory_space<semaphore_mem>>) {add = true}
          %dma_wait3A_68 = arith.constant 0 : i32
          %dma_wait3A_69 = arith.constant 0 : i32
          %dma_wait3A_70 = tpu.memref_slice %arg15[%dma_wait3A_68, %dma_wait3A_69] : memref<10112x128xf32, #tpu.memory_space<vmem_shared>> -> memref<10112x128xf32, #tpu.memory_space<vmem_shared>>
          tpu.wait_indirect_dma semaphore(%run_scoped3A : memref<!tpu.dma_semaphore, #tpu.memory_space<semaphore_mem>>) src(%arg12 : memref<128x128xf32, #tpu.memory_space<vmem>>) dst(%dma_wait3A_70 : memref<10112x128xf32, #tpu.memory_space<vmem_shared>>)
          tpu.yield
        }) : () -> ()
        "tpu.region"() ({
          %run_scoped3A = tpu.sem_alloc : memref<!tpu.dma_semaphore, #tpu.memory_space<semaphore_mem>>
          %dma_start3A_65 = arith.constant 0 : i32
          %dma_start3A_66 = arith.constant 0 : i32
          %dma_start3A_67 = tpu.memref_slice %arg16[%dma_start3A_65, %dma_start3A_66] : memref<10112x16xf32, #tpu.memory_space<vmem_shared>> -> memref<10112x16xf32, #tpu.memory_space<vmem_shared>>
          tpu.enqueue_indirect_dma source(%arg14 : memref<128x16xf32, #tpu.memory_space<vmem>>) target(%dma_start3A_67 : memref<10112x16xf32, #tpu.memory_space<vmem_shared>>) offsets(%arg10 : memref<128xi32, #tpu.memory_space<vmem>>) semaphore(%run_scoped3A : memref<!tpu.dma_semaphore, #tpu.memory_space<semaphore_mem>>) {add = true}
          %dma_wait3A_68 = arith.constant 0 : i32
          %dma_wait3A_69 = arith.constant 0 : i32
          %dma_wait3A_70 = tpu.memref_slice %arg16[%dma_wait3A_68, %dma_wait3A_69] : memref<10112x16xf32, #tpu.memory_space<vmem_shared>> -> memref<10112x16xf32, #tpu.memory_space<vmem_shared>>
          tpu.wait_indirect_dma semaphore(%run_scoped3A : memref<!tpu.dma_semaphore, #tpu.memory_space<semaphore_mem>>) src(%arg14 : memref<128x16xf32, #tpu.memory_space<vmem>>) dst(%dma_wait3A_70 : memref<10112x16xf32, #tpu.memory_space<vmem_shared>>)
          tpu.yield
        }) : () -> ()
        %add3A_59 = arith.constant 2 : i32
        %add3A_60 = arith.addi %scan3A_36, %add3A_59 : i32
        %lt3A = arith.constant 80 : i32
        %lt3A_61 = arith.cmpi slt, %add3A_60, %lt3A : i32
        %convert_element_type3A_62 = arith.extui %lt3A_61 : i1 to i32
        %cond3A_63 = arith.constant 0 : i32
        %cond3A_64 = arith.cmpi ne, %convert_element_type3A_62, %cond3A_63 : i32
        scf.if %cond3A_64 {
          %add3A_65 = arith.constant 2 : i32
          %add3A_66 = arith.addi %scan3A_36, %add3A_65 : i32
          %mul3A_67 = arith.constant 10240 : i32
          %mul3A_68 = arith.muli %add3A, %mul3A_67 : i32
          %mul3A_69 = arith.constant 128 : i32
          %mul3A_70 = arith.muli %add3A_66, %mul3A_69 : i32
          %add3A_71 = arith.addi %mul3A_68, %mul3A_70 : i32
          %dma_start3A_72 = tpu.memref_slice %arg2[%add3A_71] : memref<327680xi32, #tpu.memory_space<hbm>> -> memref<128xi32, #tpu.memory_space<hbm>>
          %dma_start3A_73 = tpu.memref_slice %arg2[%add3A_71] : memref<327680xi32, #tpu.memory_space<hbm>> -> memref<128xi32, #tpu.memory_space<hbm>>
          tpu.enqueue_dma source(%dma_start3A_73 : memref<128xi32, #tpu.memory_space<hbm>>) target(%arg10 : memref<128xi32, #tpu.memory_space<vmem>>) target_semaphore(%arg18 : memref<!tpu.dma_semaphore, #tpu.memory_space<semaphore_mem>>)
          %dma_start3A_74 = arith.constant 0 : i32
          %dma_start3A_75 = tpu.memref_slice %arg3[%add3A_71, %dma_start3A_74] : memref<327680x128xf32, #tpu.memory_space<hbm>> -> memref<128x128xf32, #tpu.memory_space<hbm>>
          %dma_start3A_76 = arith.constant 0 : i32
          %dma_start3A_77 = tpu.memref_slice %arg3[%add3A_71, %dma_start3A_76] : memref<327680x128xf32, #tpu.memory_space<hbm>> -> memref<128x128xf32, #tpu.memory_space<hbm>>
          tpu.enqueue_dma source(%dma_start3A_77 : memref<128x128xf32, #tpu.memory_space<hbm>>) target(%arg12 : memref<128x128xf32, #tpu.memory_space<vmem>>) target_semaphore(%arg20 : memref<!tpu.dma_semaphore, #tpu.memory_space<semaphore_mem>>)
          %dma_start3A_78 = arith.constant 0 : i32
          %dma_start3A_79 = tpu.memref_slice %arg4[%add3A_71, %dma_start3A_78] : memref<327680x16xf32, #tpu.memory_space<hbm>> -> memref<128x16xf32, #tpu.memory_space<hbm>>
          %dma_start3A_80 = arith.constant 0 : i32
          %dma_start3A_81 = tpu.memref_slice %arg4[%add3A_71, %dma_start3A_80] : memref<327680x16xf32, #tpu.memory_space<hbm>> -> memref<128x16xf32, #tpu.memory_space<hbm>>
          tpu.enqueue_dma source(%dma_start3A_81 : memref<128x16xf32, #tpu.memory_space<hbm>>) target(%arg14 : memref<128x16xf32, #tpu.memory_space<vmem>>) target_semaphore(%arg22 : memref<!tpu.dma_semaphore, #tpu.memory_space<semaphore_mem>>)
        } else {
        }
      } else {
      }
    }
    %scan3A_34 = arith.constant 80 : i32
    %barrier3A_35 = arith.constant 0 : index
    tpu.barrier barrier_id(%barrier3A_35)
    "tpu.region"() ({
      %run_scoped3A = tpu.sem_alloc : memref<!tpu.dma_semaphore, #tpu.memory_space<semaphore_mem>>
      %dma_start3A_36 = arith.constant 0 : i32
      %dma_start3A_37 = arith.constant 0 : i32
      %dma_start3A_38 = tpu.memref_slice %arg7[%arg0, %dma_start3A_36, %dma_start3A_37] : memref<2x10112x128xf32, #tpu.memory_space<hbm>> -> memref<1x10112x128xf32, #tpu.memory_space<hbm>>
      %dma_start3A_39 = tpu.memref_squeeze %dma_start3A_38 : memref<1x10112x128xf32, #tpu.memory_space<hbm>> -> memref<10112x128xf32, #tpu.memory_space<hbm>>
      %dma_start3A_40 = arith.constant 0 : i32
      %dma_start3A_41 = tpu.memref_slice %dma_start3A_39[%mul3A_2, %dma_start3A_40] : memref<10112x128xf32, #tpu.memory_space<hbm>> -> memref<632x128xf32, #tpu.memory_space<hbm>>
      %dma_start3A_42 = arith.constant 0 : i32
      %dma_start3A_43 = tpu.memref_slice %arg15[%mul3A_2, %dma_start3A_42] : memref<10112x128xf32, #tpu.memory_space<vmem_shared>> -> memref<632x128xf32, #tpu.memory_space<vmem_shared>>
      tpu.enqueue_dma source(%dma_start3A_43 : memref<632x128xf32, #tpu.memory_space<vmem_shared>>) target(%dma_start3A_41 : memref<632x128xf32, #tpu.memory_space<hbm>>) target_semaphore(%run_scoped3A : memref<!tpu.dma_semaphore, #tpu.memory_space<semaphore_mem>>)
      %dma_wait3A = arith.constant 0 : i32
      %dma_wait3A_44 = arith.constant 0 : i32
      %dma_wait3A_45 = tpu.memref_slice %arg7[%arg0, %dma_wait3A, %dma_wait3A_44] : memref<2x10112x128xf32, #tpu.memory_space<hbm>> -> memref<1x10112x128xf32, #tpu.memory_space<hbm>>
      %dma_wait3A_46 = tpu.memref_squeeze %dma_wait3A_45 : memref<1x10112x128xf32, #tpu.memory_space<hbm>> -> memref<10112x128xf32, #tpu.memory_space<hbm>>
      %dma_wait3A_47 = arith.constant 0 : i32
      %dma_wait3A_48 = tpu.memref_slice %dma_wait3A_46[%mul3A_2, %dma_wait3A_47] : memref<10112x128xf32, #tpu.memory_space<hbm>> -> memref<632x128xf32, #tpu.memory_space<hbm>>
      %dma_wait3A_49 = arith.constant 0 : i32
      %dma_wait3A_50 = tpu.memref_slice %arg15[%mul3A_2, %dma_wait3A_49] : memref<10112x128xf32, #tpu.memory_space<vmem_shared>> -> memref<632x128xf32, #tpu.memory_space<vmem_shared>>
      tpu.wait_dma2 semaphore(%run_scoped3A : memref<!tpu.dma_semaphore, #tpu.memory_space<semaphore_mem>>) src(%dma_wait3A_50 : memref<632x128xf32, #tpu.memory_space<vmem_shared>>) dst(%dma_wait3A_48 : memref<632x128xf32, #tpu.memory_space<hbm>>)
      tpu.yield
    }) : () -> ()
    "tpu.region"() ({
      %run_scoped3A = tpu.sem_alloc : memref<!tpu.dma_semaphore, #tpu.memory_space<semaphore_mem>>
      %dma_start3A_36 = arith.constant 0 : i32
      %dma_start3A_37 = arith.constant 0 : i32
      %dma_start3A_38 = tpu.memref_slice %arg8[%arg0, %dma_start3A_36, %dma_start3A_37] : memref<2x10112x16xf32, #tpu.memory_space<hbm>> -> memref<1x10112x16xf32, #tpu.memory_space<hbm>>
      %dma_start3A_39 = tpu.memref_squeeze %dma_start3A_38 : memref<1x10112x16xf32, #tpu.memory_space<hbm>> -> memref<10112x16xf32, #tpu.memory_space<hbm>>
      %dma_start3A_40 = arith.constant 0 : i32
      %dma_start3A_41 = tpu.memref_slice %dma_start3A_39[%mul3A_2, %dma_start3A_40] : memref<10112x16xf32, #tpu.memory_space<hbm>> -> memref<632x16xf32, #tpu.memory_space<hbm>>
      %dma_start3A_42 = arith.constant 0 : i32
      %dma_start3A_43 = tpu.memref_slice %arg16[%mul3A_2, %dma_start3A_42] : memref<10112x16xf32, #tpu.memory_space<vmem_shared>> -> memref<632x16xf32, #tpu.memory_space<vmem_shared>>
      tpu.enqueue_dma source(%dma_start3A_43 : memref<632x16xf32, #tpu.memory_space<vmem_shared>>) target(%dma_start3A_41 : memref<632x16xf32, #tpu.memory_space<hbm>>) target_semaphore(%run_scoped3A : memref<!tpu.dma_semaphore, #tpu.memory_space<semaphore_mem>>)
      %dma_wait3A = arith.constant 0 : i32
      %dma_wait3A_44 = arith.constant 0 : i32
      %dma_wait3A_45 = tpu.memref_slice %arg8[%arg0, %dma_wait3A, %dma_wait3A_44] : memref<2x10112x16xf32, #tpu.memory_space<hbm>> -> memref<1x10112x16xf32, #tpu.memory_space<hbm>>
      %dma_wait3A_46 = tpu.memref_squeeze %dma_wait3A_45 : memref<1x10112x16xf32, #tpu.memory_space<hbm>> -> memref<10112x16xf32, #tpu.memory_space<hbm>>
      %dma_wait3A_47 = arith.constant 0 : i32
      %dma_wait3A_48 = tpu.memref_slice %dma_wait3A_46[%mul3A_2, %dma_wait3A_47] : memref<10112x16xf32, #tpu.memory_space<hbm>> -> memref<632x16xf32, #tpu.memory_space<hbm>>
      %dma_wait3A_49 = arith.constant 0 : i32
      %dma_wait3A_50 = tpu.memref_slice %arg16[%mul3A_2, %dma_wait3A_49] : memref<10112x16xf32, #tpu.memory_space<vmem_shared>> -> memref<632x16xf32, #tpu.memory_space<vmem_shared>>
      tpu.wait_dma2 semaphore(%run_scoped3A : memref<!tpu.dma_semaphore, #tpu.memory_space<semaphore_mem>>) src(%dma_wait3A_50 : memref<632x16xf32, #tpu.memory_space<vmem_shared>>) dst(%dma_wait3A_48 : memref<632x16xf32, #tpu.memory_space<hbm>>)
      tpu.yield
    }) : () -> ()
    return
  }
}

module attributes {stable_mosaic.version = 14 : i64} {
  func.func @_mlp_body(%arg0: i32, %arg1: memref<1280x128xf32, #tpu.memory_space<vmem>>, %arg2: memref<1280x128xf32, #tpu.memory_space<vmem>>, %arg3: memref<1280x16xf32, #tpu.memory_space<vmem>>, %arg4: memref<1280x16xf32, #tpu.memory_space<vmem>>, %arg5: memref<128x384xbf16, #tpu.memory_space<vmem>>, %arg6: memref<128x384xbf16, #tpu.memory_space<vmem>>, %arg7: memref<16x384xf32, #tpu.memory_space<vmem>>, %arg8: memref<16x384xf32, #tpu.memory_space<vmem>>, %arg9: memref<1x384xf32, #tpu.memory_space<vmem>>, %arg10: memref<128x128xbf16, #tpu.memory_space<vmem>>, %arg11: memref<1x128xf32, #tpu.memory_space<vmem>>, %arg12: memref<128x1xbf16, #tpu.memory_space<vmem>>, %arg13: memref<1x1xf32, #tpu.memory_space<vmem>>, %arg14: memref<128x16xbf16, #tpu.memory_space<vmem>>, %arg15: memref<1x16xf32, #tpu.memory_space<vmem>>, %arg16: memref<1280x128xf32, #tpu.memory_space<vmem>>, %arg17: memref<1280x16xf32, #tpu.memory_space<vmem>>, %arg18: memref<1280x16xf32, #tpu.memory_space<vmem>>) attributes {dimension_semantics = [#tpu.dimension_semantics<arbitrary>], iteration_bounds = array<i64: 250>, scalar_prefetch = 0 : i64, scratch_operands = 0 : i64, tpu.core_type = #tpu.core_type<tc>, window_params = [{transform_indices = @transform_0, window_bounds = array<i64: 1280, 128>}, {transform_indices = @transform_1, window_bounds = array<i64: 1280, 128>}, {transform_indices = @transform_2, window_bounds = array<i64: 1280, 16>}, {transform_indices = @transform_3, window_bounds = array<i64: 1280, 16>}, {pipeline_mode = #tpu.pipeline_mode<synchronous>, transform_indices = @transform_4, window_bounds = array<i64: 128, 384>}, {pipeline_mode = #tpu.pipeline_mode<synchronous>, transform_indices = @transform_5, window_bounds = array<i64: 128, 384>}, {pipeline_mode = #tpu.pipeline_mode<synchronous>, transform_indices = @transform_6, window_bounds = array<i64: 16, 384>}, {pipeline_mode = #tpu.pipeline_mode<synchronous>, transform_indices = @transform_7, window_bounds = array<i64: 16, 384>}, {pipeline_mode = #tpu.pipeline_mode<synchronous>, transform_indices = @transform_8, window_bounds = array<i64: 1, 384>}, {pipeline_mode = #tpu.pipeline_mode<synchronous>, transform_indices = @transform_9, window_bounds = array<i64: 128, 128>}, {pipeline_mode = #tpu.pipeline_mode<synchronous>, transform_indices = @transform_10, window_bounds = array<i64: 1, 128>}, {pipeline_mode = #tpu.pipeline_mode<synchronous>, transform_indices = @transform_11, window_bounds = array<i64: 128, 1>}, {pipeline_mode = #tpu.pipeline_mode<synchronous>, transform_indices = @transform_12, window_bounds = array<i64: 1, 1>}, {pipeline_mode = #tpu.pipeline_mode<synchronous>, transform_indices = @transform_13, window_bounds = array<i64: 128, 16>}, {pipeline_mode = #tpu.pipeline_mode<synchronous>, transform_indices = @transform_14, window_bounds = array<i64: 1, 16>}, {transform_indices = @transform_15, window_bounds = array<i64: 1280, 128>}, {transform_indices = @transform_16, window_bounds = array<i64: 1280, 16>}, {transform_indices = @transform_17, window_bounds = array<i64: 1280, 16>}]} {
    %get3A = arith.constant 0 : index
    %get3A_0 = arith.constant 0 : index
    %get3A_1 = vector.load %arg4[%get3A, %get3A_0] : memref<1280x16xf32, #tpu.memory_space<vmem>>, vector<1280x16xf32>
    %get3A_2 = arith.constant 0 : index
    %get3A_3 = arith.constant 0 : index
    %get3A_4 = vector.load %arg1[%get3A_2, %get3A_3] : memref<1280x128xf32, #tpu.memory_space<vmem>>, vector<1280x128xf32>
    %convert_element_type3A = arith.truncf %get3A_4 : vector<1280x128xf32> to vector<1280x128xbf16>
    %get3A_5 = arith.constant 0 : index
    %get3A_6 = arith.constant 0 : index
    %get3A_7 = vector.load %arg5[%get3A_5, %get3A_6] : memref<128x384xbf16, #tpu.memory_space<vmem>>, vector<128x384xbf16>
    %dot_general3A = arith.constant dense<0.000000e+00> : vector<1280x384xf32>
    %dot_general3A_8 = tpu.matmul %convert_element_type3A, %get3A_7, %dot_general3A {dimension_numbers = #tpu.dot_dimension_numbers<[1], [0], [0], [1], [0, 0, 1, 1], [], []>, transpose_lhs_hint = false} : vector<1280x128xbf16>, vector<128x384xbf16>, vector<1280x384xf32> -> vector<1280x384xf32>
    %get3A_9 = arith.constant 0 : index
    %get3A_10 = arith.constant 0 : index
    %get3A_11 = vector.load %arg2[%get3A_9, %get3A_10] : memref<1280x128xf32, #tpu.memory_space<vmem>>, vector<1280x128xf32>
    %convert_element_type3A_12 = arith.truncf %get3A_11 : vector<1280x128xf32> to vector<1280x128xbf16>
    %get3A_13 = arith.constant 0 : index
    %get3A_14 = arith.constant 0 : index
    %get3A_15 = vector.load %arg6[%get3A_13, %get3A_14] : memref<128x384xbf16, #tpu.memory_space<vmem>>, vector<128x384xbf16>
    %dot_general3A_16 = arith.constant dense<0.000000e+00> : vector<1280x384xf32>
    %dot_general3A_17 = tpu.matmul %convert_element_type3A_12, %get3A_15, %dot_general3A_16 {dimension_numbers = #tpu.dot_dimension_numbers<[1], [0], [0], [1], [0, 0, 1, 1], [], []>, transpose_lhs_hint = false} : vector<1280x128xbf16>, vector<128x384xbf16>, vector<1280x384xf32> -> vector<1280x384xf32>
    %add3A = arith.addf %dot_general3A_8, %dot_general3A_17 : vector<1280x384xf32>
    %get3A_18 = arith.constant 0 : index
    %get3A_19 = arith.constant 0 : index
    %get3A_20 = vector.load %arg3[%get3A_18, %get3A_19] : memref<1280x16xf32, #tpu.memory_space<vmem>>, vector<1280x16xf32>
    %get3A_21 = arith.constant 0 : index
    %get3A_22 = arith.constant 0 : index
    %get3A_23 = vector.load %arg7[%get3A_21, %get3A_22] : memref<16x384xf32, #tpu.memory_space<vmem>>, vector<16x384xf32>
    %dot_general3A_24 = arith.constant dense<0.000000e+00> : vector<1280x384xf32>
    %dot_general3A_25 = tpu.matmul %get3A_20, %get3A_23, %dot_general3A_24 {dimension_numbers = #tpu.dot_dimension_numbers<[1], [0], [0], [1], [0, 0, 1, 1], [], []>, transpose_lhs_hint = false} : vector<1280x16xf32>, vector<16x384xf32>, vector<1280x384xf32> -> vector<1280x384xf32>
    %add3A_26 = arith.addf %add3A, %dot_general3A_25 : vector<1280x384xf32>
    %mul3A = arith.mulf %get3A_1, %get3A_1 : vector<1280x16xf32>
    %get3A_27 = arith.constant 0 : index
    %get3A_28 = arith.constant 0 : index
    %get3A_29 = vector.load %arg8[%get3A_27, %get3A_28] : memref<16x384xf32, #tpu.memory_space<vmem>>, vector<16x384xf32>
    %dot_general3A_30 = arith.constant dense<0.000000e+00> : vector<1280x384xf32>
    %dot_general3A_31 = tpu.matmul %mul3A, %get3A_29, %dot_general3A_30 {dimension_numbers = #tpu.dot_dimension_numbers<[1], [0], [0], [1], [0, 0, 1, 1], [], []>, transpose_lhs_hint = false} : vector<1280x16xf32>, vector<16x384xf32>, vector<1280x384xf32> -> vector<1280x384xf32>
    %add3A_32 = arith.addf %add3A_26, %dot_general3A_31 : vector<1280x384xf32>
    %get3A_33 = arith.constant 0 : index
    %get3A_34 = arith.constant 0 : index
    %get3A_35 = vector.load %arg9[%get3A_33, %get3A_34] : memref<1x384xf32, #tpu.memory_space<vmem>>, vector<1x384xf32>
    %add3A_36 = vector.broadcast %get3A_35 : vector<1x384xf32> to vector<1280x384xf32>
    %add3A_37 = arith.addf %add3A_32, %add3A_36 : vector<1280x384xf32>
    %logistic3A = arith.negf %add3A_37 : vector<1280x384xf32>
    %logistic3A_38 = math.exp %logistic3A : vector<1280x384xf32>
    %logistic3A_39 = arith.constant 1.000000e+00 : f32
    %logistic3A_40 = vector.broadcast %logistic3A_39 : f32 to vector<1280x384xf32>
    %logistic3A_41 = arith.addf %logistic3A_40, %logistic3A_38 : vector<1280x384xf32>
    %logistic3A_42 = arith.divf %logistic3A_40, %logistic3A_41 : vector<1280x384xf32>
    %mul3A_43 = arith.mulf %add3A_37, %logistic3A_42 : vector<1280x384xf32>
    %convert_element_type3A_44 = arith.truncf %mul3A_43 : vector<1280x384xf32> to vector<1280x384xbf16>
    %slice3A = vector.extract_strided_slice %convert_element_type3A_44 {offsets = [0, 0], sizes = [1280, 128], strides = [1, 1]} : vector<1280x384xbf16> to vector<1280x128xbf16>
    %get3A_45 = arith.constant 0 : index
    %get3A_46 = arith.constant 0 : index
    %get3A_47 = vector.load %arg10[%get3A_45, %get3A_46] : memref<128x128xbf16, #tpu.memory_space<vmem>>, vector<128x128xbf16>
    %dot_general3A_48 = arith.constant dense<0.000000e+00> : vector<1280x128xf32>
    %dot_general3A_49 = tpu.matmul %slice3A, %get3A_47, %dot_general3A_48 {dimension_numbers = #tpu.dot_dimension_numbers<[1], [0], [0], [1], [0, 0, 1, 1], [], []>, transpose_lhs_hint = false} : vector<1280x128xbf16>, vector<128x128xbf16>, vector<1280x128xf32> -> vector<1280x128xf32>
    %get3A_50 = arith.constant 0 : index
    %get3A_51 = arith.constant 0 : index
    %get3A_52 = vector.load %arg11[%get3A_50, %get3A_51] : memref<1x128xf32, #tpu.memory_space<vmem>>, vector<1x128xf32>
    %add3A_53 = vector.broadcast %get3A_52 : vector<1x128xf32> to vector<1280x128xf32>
    %add3A_54 = arith.addf %dot_general3A_49, %add3A_53 : vector<1280x128xf32>
    %swap3A = arith.constant 0 : index
    %swap3A_55 = arith.constant 0 : index
    %swap3A_56 = vector.load %arg16[%swap3A, %swap3A_55] : memref<1280x128xf32, #tpu.memory_space<vmem>>, vector<1280x128xf32>
    tpu.vector_store %arg16[%swap3A, %swap3A_55], %add3A_54 {strides = array<i32>} : memref<1280x128xf32, #tpu.memory_space<vmem>>, vector<1280x128xf32>,
    %slice3A_57 = vector.extract_strided_slice %convert_element_type3A_44 {offsets = [0, 128], sizes = [1280, 128], strides = [1, 1]} : vector<1280x384xbf16> to vector<1280x128xbf16>
    %get3A_58 = arith.constant 0 : index
    %get3A_59 = arith.constant 0 : index
    %get3A_60 = vector.load %arg12[%get3A_58, %get3A_59] : memref<128x1xbf16, #tpu.memory_space<vmem>>, vector<128x1xbf16>
    %dot_general3A_61 = arith.constant dense<0.000000e+00> : vector<1280x1xf32>
    %dot_general3A_62 = tpu.matmul %slice3A_57, %get3A_60, %dot_general3A_61 {dimension_numbers = #tpu.dot_dimension_numbers<[1], [0], [0], [1], [0, 0, 1, 1], [], []>, transpose_lhs_hint = false} : vector<1280x128xbf16>, vector<128x1xbf16>, vector<1280x1xf32> -> vector<1280x1xf32>
    %get3A_63 = arith.constant 0 : index
    %get3A_64 = arith.constant 0 : index
    %get3A_65 = vector.load %arg13[%get3A_63, %get3A_64] : memref<1x1xf32, #tpu.memory_space<vmem>>, vector<1x1xf32>
    %add3A_66 = vector.broadcast %get3A_65 : vector<1x1xf32> to vector<1280x1xf32>
    %add3A_67 = arith.addf %dot_general3A_62, %add3A_66 : vector<1280x1xf32>
    %slice3A_68 = vector.extract_strided_slice %convert_element_type3A_44 {offsets = [0, 256], sizes = [1280, 128], strides = [1, 1]} : vector<1280x384xbf16> to vector<1280x128xbf16>
    %get3A_69 = arith.constant 0 : index
    %get3A_70 = arith.constant 0 : index
    %get3A_71 = vector.load %arg14[%get3A_69, %get3A_70] : memref<128x16xbf16, #tpu.memory_space<vmem>>, vector<128x16xbf16>
    %dot_general3A_72 = arith.constant dense<0.000000e+00> : vector<1280x16xf32>
    %dot_general3A_73 = tpu.matmul %slice3A_68, %get3A_71, %dot_general3A_72 {dimension_numbers = #tpu.dot_dimension_numbers<[1], [0], [0], [1], [0, 0, 1, 1], [], []>, transpose_lhs_hint = false} : vector<1280x128xbf16>, vector<128x16xbf16>, vector<1280x16xf32> -> vector<1280x16xf32>
    %get3A_74 = arith.constant 0 : index
    %get3A_75 = arith.constant 0 : index
    %get3A_76 = vector.load %arg15[%get3A_74, %get3A_75] : memref<1x16xf32, #tpu.memory_space<vmem>>, vector<1x16xf32>
    %add3A_77 = vector.broadcast %get3A_76 : vector<1x16xf32> to vector<1280x16xf32>
    %add3A_78 = arith.addf %dot_general3A_73, %add3A_77 : vector<1280x16xf32>
    %swap3A_79 = arith.constant 0 : index
    %swap3A_80 = arith.constant 0 : index
    %swap3A_81 = vector.load %arg18[%swap3A_79, %swap3A_80] : memref<1280x16xf32, #tpu.memory_space<vmem>>, vector<1280x16xf32>
    tpu.vector_store %arg18[%swap3A_79, %swap3A_80], %add3A_78 {strides = array<i32>} : memref<1280x16xf32, #tpu.memory_space<vmem>>, vector<1280x16xf32>,
    %iota3A = tpu.iota {dimensions = array<i32: 1>} : vector<1x16xi32>
    %lt3A = arith.constant 3 : i32
    %lt3A_82 = vector.broadcast %lt3A : i32 to vector<1x16xi32>
    %lt3A_83 = arith.cmpi slt, %iota3A, %lt3A_82 : vector<1x16xi32>
    %jit3A = arith.constant 1.000000e+00 : f32
    %jit3A_84 = arith.constant 0.000000e+00 : f32
    %broadcast_in_dim3A = vector.broadcast %jit3A : f32 to vector<1x16xf32>
    %broadcast_in_dim3A_85 = vector.broadcast %jit3A_84 : f32 to vector<1x16xf32>
    %select_n3A = arith.select %lt3A_83, %broadcast_in_dim3A, %broadcast_in_dim3A_85 : vector<1x16xi1>, vector<1x16xf32>
    %mul3A_86 = vector.broadcast %select_n3A : vector<1x16xf32> to vector<1280x16xf32>
    %mul3A_87 = arith.mulf %get3A_1, %mul3A_86 : vector<1280x16xf32>
    %mul3A_88 = vector.broadcast %add3A_67 : vector<1280x1xf32> to vector<1280x16xf32>
    %mul3A_89 = arith.mulf %mul3A_88, %mul3A_87 : vector<1280x16xf32>
    %swap3A_90 = arith.constant 0 : index
    %swap3A_91 = arith.constant 0 : index
    %swap3A_92 = vector.load %arg17[%swap3A_90, %swap3A_91] : memref<1280x16xf32, #tpu.memory_space<vmem>>, vector<1280x16xf32>
    tpu.vector_store %arg17[%swap3A_90, %swap3A_91], %mul3A_89 {strides = array<i32>} : memref<1280x16xf32, #tpu.memory_space<vmem>>, vector<1280x16xf32>,
    return
  }
  func.func @transform_0(%arg0: i32) -> (i32, i32) {
    %c0_i32 = arith.constant 0 : i32
    %c0_i32_0 = arith.constant 0 : i32
    return %arg0, %c0_i32 : i32, i32
  }
  func.func @transform_1(%arg0: i32) -> (i32, i32) {
    %c0_i32 = arith.constant 0 : i32
    %c0_i32_0 = arith.constant 0 : i32
    return %arg0, %c0_i32 : i32, i32
  }
  func.func @transform_2(%arg0: i32) -> (i32, i32) {
    %c0_i32 = arith.constant 0 : i32
    %c0_i32_0 = arith.constant 0 : i32
    return %arg0, %c0_i32 : i32, i32
  }
  func.func @transform_3(%arg0: i32) -> (i32, i32) {
    %c0_i32 = arith.constant 0 : i32
    %c0_i32_0 = arith.constant 0 : i32
    return %arg0, %c0_i32 : i32, i32
  }
  func.func @transform_4(%arg0: i32) -> (i32, i32) {
    %c0_i32 = arith.constant 0 : i32
    %c0_i32_0 = arith.constant 0 : i32
    %c0_i32_1 = arith.constant 0 : i32
    return %c0_i32, %c0_i32_0 : i32, i32
  }
  func.func @transform_5(%arg0: i32) -> (i32, i32) {
    %c0_i32 = arith.constant 0 : i32
    %c0_i32_0 = arith.constant 0 : i32
    %c0_i32_1 = arith.constant 0 : i32
    return %c0_i32, %c0_i32_0 : i32, i32
  }
  func.func @transform_6(%arg0: i32) -> (i32, i32) {
    %c0_i32 = arith.constant 0 : i32
    %c0_i32_0 = arith.constant 0 : i32
    %c0_i32_1 = arith.constant 0 : i32
    return %c0_i32, %c0_i32_0 : i32, i32
  }
  func.func @transform_7(%arg0: i32) -> (i32, i32) {
    %c0_i32 = arith.constant 0 : i32
    %c0_i32_0 = arith.constant 0 : i32
    %c0_i32_1 = arith.constant 0 : i32
    return %c0_i32, %c0_i32_0 : i32, i32
  }
  func.func @transform_8(%arg0: i32) -> (i32, i32) {
    %c0_i32 = arith.constant 0 : i32
    %c0_i32_0 = arith.constant 0 : i32
    %c0_i32_1 = arith.constant 0 : i32
    return %c0_i32, %c0_i32_0 : i32, i32
  }
  func.func @transform_9(%arg0: i32) -> (i32, i32) {
    %c0_i32 = arith.constant 0 : i32
    %c0_i32_0 = arith.constant 0 : i32
    %c0_i32_1 = arith.constant 0 : i32
    return %c0_i32, %c0_i32_0 : i32, i32
  }
  func.func @transform_10(%arg0: i32) -> (i32, i32) {
    %c0_i32 = arith.constant 0 : i32
    %c0_i32_0 = arith.constant 0 : i32
    %c0_i32_1 = arith.constant 0 : i32
    return %c0_i32, %c0_i32_0 : i32, i32
  }
  func.func @transform_11(%arg0: i32) -> (i32, i32) {
    %c0_i32 = arith.constant 0 : i32
    %c0_i32_0 = arith.constant 0 : i32
    %c0_i32_1 = arith.constant 0 : i32
    return %c0_i32, %c0_i32_0 : i32, i32
  }
  func.func @transform_12(%arg0: i32) -> (i32, i32) {
    %c0_i32 = arith.constant 0 : i32
    %c0_i32_0 = arith.constant 0 : i32
    %c0_i32_1 = arith.constant 0 : i32
    return %c0_i32, %c0_i32_0 : i32, i32
  }
  func.func @transform_13(%arg0: i32) -> (i32, i32) {
    %c0_i32 = arith.constant 0 : i32
    %c0_i32_0 = arith.constant 0 : i32
    %c0_i32_1 = arith.constant 0 : i32
    return %c0_i32, %c0_i32_0 : i32, i32
  }
  func.func @transform_14(%arg0: i32) -> (i32, i32) {
    %c0_i32 = arith.constant 0 : i32
    %c0_i32_0 = arith.constant 0 : i32
    %c0_i32_1 = arith.constant 0 : i32
    return %c0_i32, %c0_i32_0 : i32, i32
  }
  func.func @transform_15(%arg0: i32) -> (i32, i32) {
    %c0_i32 = arith.constant 0 : i32
    %c0_i32_0 = arith.constant 0 : i32
    return %arg0, %c0_i32 : i32, i32
  }
  func.func @transform_16(%arg0: i32) -> (i32, i32) {
    %c0_i32 = arith.constant 0 : i32
    %c0_i32_0 = arith.constant 0 : i32
    return %arg0, %c0_i32 : i32, i32
  }
  func.func @transform_17(%arg0: i32) -> (i32, i32) {
    %c0_i32 = arith.constant 0 : i32
    %c0_i32_0 = arith.constant 0 : i32
    return %arg0, %c0_i32 : i32, i32
  }
}

module attributes {stable_mosaic.version = 14 : i64} {
  func.func @_combine_body(%arg0: i32, %arg1: memref<2x2000x128xf32, #tpu.memory_space<vmem>>, %arg2: memref<2x2000x16xf32, #tpu.memory_space<vmem>>, %arg3: memref<2000x128xf32, #tpu.memory_space<vmem>>, %arg4: memref<2000x16xf32, #tpu.memory_space<vmem>>) attributes {dimension_semantics = [#tpu.dimension_semantics<arbitrary>], iteration_bounds = array<i64: 5>, scalar_prefetch = 0 : i64, scratch_operands = 0 : i64, tpu.core_type = #tpu.core_type<tc>, window_params = [{transform_indices = @transform_0, window_bounds = array<i64: 2, 2000, 128>}, {transform_indices = @transform_1, window_bounds = array<i64: 2, 2000, 16>}, {transform_indices = @transform_2, window_bounds = array<i64: 2000, 128>}, {transform_indices = @transform_3, window_bounds = array<i64: 2000, 16>}]} {
    %get3A = arith.constant 0 : index
    %get3A_0 = arith.constant 0 : index
    %get3A_1 = arith.constant 0 : index
    %get3A_2 = vector.load %arg1[%get3A, %get3A_0, %get3A_1] : memref<2x2000x128xf32, #tpu.memory_space<vmem>>, vector<1x2000x128xf32>
    %get3A_3 = vector.shape_cast %get3A_2 : vector<1x2000x128xf32> to vector<2000x128xf32>
    %get3A_4 = arith.constant 1 : index
    %get3A_5 = arith.constant 0 : index
    %get3A_6 = arith.constant 0 : index
    %get3A_7 = vector.load %arg1[%get3A_4, %get3A_5, %get3A_6] : memref<2x2000x128xf32, #tpu.memory_space<vmem>>, vector<1x2000x128xf32>
    %get3A_8 = vector.shape_cast %get3A_7 : vector<1x2000x128xf32> to vector<2000x128xf32>
    %add3A = arith.addf %get3A_3, %get3A_8 : vector<2000x128xf32>
    %swap3A = arith.constant 0 : index
    %swap3A_9 = arith.constant 0 : index
    %swap3A_10 = vector.load %arg3[%swap3A, %swap3A_9] : memref<2000x128xf32, #tpu.memory_space<vmem>>, vector<2000x128xf32>
    tpu.vector_store %arg3[%swap3A, %swap3A_9], %add3A {strides = array<i32>} : memref<2000x128xf32, #tpu.memory_space<vmem>>, vector<2000x128xf32>,
    %get3A_11 = arith.constant 0 : index
    %get3A_12 = arith.constant 0 : index
    %get3A_13 = arith.constant 0 : index
    %get3A_14 = vector.load %arg2[%get3A_11, %get3A_12, %get3A_13] : memref<2x2000x16xf32, #tpu.memory_space<vmem>>, vector<1x2000x16xf32>
    %get3A_15 = vector.shape_cast %get3A_14 : vector<1x2000x16xf32> to vector<2000x16xf32>
    %get3A_16 = arith.constant 1 : index
    %get3A_17 = arith.constant 0 : index
    %get3A_18 = arith.constant 0 : index
    %get3A_19 = vector.load %arg2[%get3A_16, %get3A_17, %get3A_18] : memref<2x2000x16xf32, #tpu.memory_space<vmem>>, vector<1x2000x16xf32>
    %get3A_20 = vector.shape_cast %get3A_19 : vector<1x2000x16xf32> to vector<2000x16xf32>
    %add3A_21 = arith.addf %get3A_15, %get3A_20 : vector<2000x16xf32>
    %swap3A_22 = arith.constant 0 : index
    %swap3A_23 = arith.constant 0 : index
    %swap3A_24 = vector.load %arg4[%swap3A_22, %swap3A_23] : memref<2000x16xf32, #tpu.memory_space<vmem>>, vector<2000x16xf32>
    tpu.vector_store %arg4[%swap3A_22, %swap3A_23], %add3A_21 {strides = array<i32>} : memref<2000x16xf32, #tpu.memory_space<vmem>>, vector<2000x16xf32>,
    return
  }
  func.func @transform_0(%arg0: i32) -> (i32, i32, i32) {
    %c0_i32 = arith.constant 0 : i32
    %c0_i32_0 = arith.constant 0 : i32
    %c0_i32_1 = arith.constant 0 : i32
    return %c0_i32, %arg0, %c0_i32_0 : i32, i32, i32
  }
  func.func @transform_1(%arg0: i32) -> (i32, i32, i32) {
    %c0_i32 = arith.constant 0 : i32
    %c0_i32_0 = arith.constant 0 : i32
    %c0_i32_1 = arith.constant 0 : i32
    return %c0_i32, %arg0, %c0_i32_0 : i32, i32, i32
  }
  func.func @transform_2(%arg0: i32) -> (i32, i32) {
    %c0_i32 = arith.constant 0 : i32
    %c0_i32_0 = arith.constant 0 : i32
    return %arg0, %c0_i32 : i32, i32
  }
  func.func @transform_3(%arg0: i32) -> (i32, i32) {
    %c0_i32 = arith.constant 0 : i32
    %c0_i32_0 = arith.constant 0 : i32
    return %arg0, %c0_i32 : i32, i32
  }
}

</mosaic_0001>

<sc_bundles>
// kernel: kernel.6.cloned.1.call-start
scs
__scs_entry_jumppad:
0x0: {  	(pc) =	sbr.rel $0x88, $3  }
0x1: {  	(tag) =	ssettag $0x0;
	lr =	simm.s32 $0x1  }
0x2: {  	[smem:$0x3F91] =	sst lr;
	_ =	strace $0xD0000000  }
0x3: {  	_ = 	snop  }
0x4: {  	_ = 	snop  }
0x5: {  	_ = 	snop  }
0x6: {  	_ = 	snop  }
0x7: {  	_ = 	snop  }
__scs_overlays_trampoline_lowered:
0x8: {  	[smem:$0x3FA0] =	sst s0  }
0x9: {  	[smem:$0x3FA1] =	sst s1  }
0xa: {  	[smem:$0x3FA2] =	sst s2  }
0xb: {  	[smem:$0x3FA3] =	sst s3  }
0xc: {  	[smem:$0x3FA4] =	sst s4  }
0xd: {  	[smem:$0x3FA5] =	sst s5  }
0xe: {  	[smem:$0x3FA6] =	sst s6  }
0xf: {  	[smem:$0x3FA7] =	sst s7  }
0x10: {  	[smem:$0x3FA8] =	sst s8  }
0x11: {  	[smem:$0x3FA9] =	sst s9;
	s0 =	simm.s32 @!p0 $0x0  }
0x12: {  	s1 =	sld [smem:$0x3F8F];
	s0 =	simm.s32 @p0 $0x1  }
0x13: {  	[smem:$0x3FAA] =	sst s0;
	s0 =	simm.s32 @!p1 $0x0  }
0x14: {  	s2 =	sld [smem:$0x3F8E];
	s0 =	simm.s32 @p1 $0x1  }
0x15: {  	[smem:$0x3FAB] =	sst s0;
	s0 =	simm.s32 @!p2 $0x0  }
0x16: {  	s3 =	sld [smem:$0x3FDB];
	s0 =	simm.s32 @p2 $0x1  }
0x17: {  	s4 =	simm.s32 $0x1BF5;
	[smem:$0x3FAD] =	sst s0  }
0x18: {  	s0 =	sld [smem:$0x3F90];
	_ =	swait.ge [sflag:s4], $0x0  }
0x19: {  	s7 =	sld [smem:$0x3F91]  }
0x1a: {  	s8 =	sadd.s32 $0xFFFFE003, lr  }
0x1b: {  	s9 =	sadd.s32 $0xFFFFFEF7, lr;
	s5 =	simm.s32 $0xFFFFFFFF;
	p2 =	slt.u32 s8, $0xFFFFF086  }
0x1c: {  	p1 =	slt.u32 s9, $0xF7A;
	s5 =	simm.s32 @!p2 $0x0  }
0x1d: {  	s5 =	simm.s32 @p1 $0x1;
	p0 =	seq.s32 s7, s2  }
0x1e: {  	s7 =	smul.u32 @!p0 $0xF7A, s2;
	p2 =	seq.s32 @!p0 s5, $0x0  }
0x1f: {  	s9 =	smul.u32 $0xF7A, s1;
	s8 =	simm.s32 @!p0 $0x1BF5;
	p2 =	por !p2, p0  }
0x20: {  	[sflag:s8] =	ssyncset.s32 @!p0 $0xFFFFF086;
	s6 =	sadd.s32 @!p0 s3, s7;
	s7 =	simm.s32 @!p0 $0x108  }
0x21: {  	s3 =	sadd.s32 s3, s9;
	s6 =	sadd.s32 @!p0 $0x88, s6;
	s7 =	simm.s32 @p2 $0x1082  }
0x22: {  	[simem:s7], [sflag:s8] =	dma.local @!p0 [hbm:s6], $0xF7A  }
0x23: {  	s9 =	sor.u32 $0xD0000000, s2;
	s6 =	simm.s32 $0x108;
	_ =	swait.ge @!p0 [sflag:s8], $0x0  }
0x24: {  	s3 =	sadd.s32 $0x88, s3;
	s6 =	simm.s32 @!p1 $0x1082;
	[sflag:s4] =	ssyncset.s32 $0xFFFFF086  }
0x25: {  	[simem:s6], [sflag:s4] =	dma.local [hbm:s3], $0xF7A  }
0x26: {  	[smem:$0x3F91] =	sst s1;
	(tag) =	ssettag s2;
	_ =	strace s9  }
0x27: {  	s1 =	sld [smem:$0x3FA1]  }
0x28: {  	s2 =	sld [smem:$0x3FA2]  }
0x29: {  	s4 =	sld [smem:$0x3FA4]  }
0x2a: {  	p0 =	seq.s32 s5, $0x0;
	s5 =	sld [smem:$0x3FA5]  }
0x2b: {  	s6 =	sld [smem:$0x3FA6]  }
0x2c: {  	s7 =	sld [smem:$0x3FA7]  }
0x2d: {  	s3 =	simm.s32 $0x108;
	s8 =	sld [smem:$0x3FA8]  }
0x2e: {  	s3 =	simm.s32 @!p0 $0x1082;
	s9 =	sld [smem:$0x3FA9]  }
0x2f: {  	lr =	sadd.s32 s0, s3;
	s0 =	sld [smem:$0x3FA0]  }
0x30: {  	s3 =	sld [smem:$0x3FA3]  }
0x31: {  	[smem:$0x3FAC] =	sst s10  }
0x32: {  	s10 =	sld [smem:$0x3FAA];
	_ =	sdelay $0x3  }
0x33: {  	p0 =	seq.s32 s10, $0x1;
	s10 =	sld [smem:$0x3FAC];
	_ =	sdelay $0x3  }
0x34: {  	[smem:$0x3FAC] =	sst s10  }
0x35: {  	s10 =	sld [smem:$0x3FAB];
	_ =	sdelay $0x3  }
0x36: {  	p1 =	seq.s32 s10, $0x1;
	s10 =	sld [smem:$0x3FAC];
	_ =	sdelay $0x3  }
0x37: {  	[smem:$0x3FAC] =	sst s10  }
0x38: {  	s10 =	sld [smem:$0x3FAD]  }
0x39: {  	_ = 	snop;
	(pc) =	sbr.ind lr, $3  }
0x3a: {  	_ = 	snop  }
0x3b: {  	_ = 	snop  }
0x3c: {  	p2 =	seq.s32 s10, $0x1;
	s10 =	sld [smem:$0x3FAC]  }
0x3d: {  	_ =	shalt  }
0x3e: {  	_ =	shalt  }
0x3f: {  	_ =	shalt  }
0x40: {  	_ =	shalt  }
0x41: {  	_ =	shalt  }
0x42: {  	_ =	shalt  }
0x43: {  	_ =	shalt  }
0x44: {  	_ =	shalt  }
0x45: {  	_ =	shalt  }
0x46: {  	_ =	shalt  }
0x47: {  	_ =	shalt  }
0x48: {  	_ =	shalt  }
0x49: {  	_ =	shalt  }
0x4a: {  	_ =	shalt  }
0x4b: {  	_ =	shalt  }
0x4c: {  	_ =	shalt  }
0x4d: {  	_ =	shalt  }
0x4e: {  	_ =	shalt  }
0x4f: {  	_ =	shalt  }
0x50: {  	_ =	shalt  }
0x51: {  	_ =	shalt  }
0x52: {  	_ =	shalt  }
0x53: {  	_ =	shalt  }
0x54: {  	_ =	shalt  }
0x55: {  	_ =	shalt  }
0x56: {  	_ =	shalt  }
0x57: {  	_ =	shalt  }
0x58: {  	_ =	shalt  }
0x59: {  	_ =	shalt  }
0x5a: {  	_ =	shalt  }
0x5b: {  	_ =	shalt  }
0x5c: {  	_ =	shalt  }
0x5d: {  	_ =	shalt  }
0x5e: {  	_ =	shalt  }
0x5f: {  	_ =	shalt  }
0x60: {  	_ =	shalt  }
0x61: {  	_ =	shalt  }
0x62: {  	_ =	shalt  }
0x63: {  	_ =	shalt  }
0x64: {  	_ =	shalt  }
0x65: {  	_ =	shalt  }
0x66: {  	_ =	shalt  }
0x67: {  	_ =	shalt  }
0x68: {  	_ =	shalt  }
0x69: {  	_ =	shalt  }
0x6a: {  	_ =	shalt  }
0x6b: {  	_ =	shalt  }
0x6c: {  	_ =	shalt  }
0x6d: {  	_ =	shalt  }
0x6e: {  	_ =	shalt  }
0x6f: {  	_ =	shalt  }
0x70: {  	_ =	shalt  }
0x71: {  	_ =	shalt  }
0x72: {  	_ =	shalt  }
0x73: {  	_ =	shalt  }
0x74: {  	_ =	shalt  }
0x75: {  	_ =	shalt  }
0x76: {  	_ =	shalt  }
0x77: {  	_ =	shalt  }
0x78: {  	_ =	shalt  }
0x79: {  	_ =	shalt  }
0x7a: {  	_ =	shalt  }
0x7b: {  	_ =	shalt  }
0x7c: {  	_ =	shalt  }
0x7d: {  	_ =	shalt  }
0x7e: {  	_ =	shalt  }
0x7f: {  	_ =	shalt  }
0x80: {  	_ =	shalt  }
0x81: {  	_ =	shalt  }
0x82: {  	_ =	shalt  }
0x83: {  	_ =	shalt  }
0x84: {  	_ =	shalt  }
0x85: {  	_ =	shalt  }
0x86: {  	_ =	shalt  }
0x87: {  	_ =	shalt  }
.Lfunc_end0:
.L_simem_size_0:
called_computation_lowered:
.L_overlay_start_0:
0x88: {  	s2 =	sld [smem:$0x3FD9]  }
0x89: {  	s3 =	sld [smem:$0x3FFE];
	_ =	sdelay $0x1  }
0x8a: {  	s1 =	srdreg.scid  }
0x8b: {  	s0 =	sand.u32 $0x1, s1  }
0x8c: {  	s14 =	sshll.u32 s0, $0xA;
	s2 =	sadd.s32 s3, s2  }
0x8d: {  	s2 =	sadd.s32 s2, s14  }
0x8e: {  	[smem:$0x3FB8] =	sst s2  }
0x8f: {  	_ = 	snop  }
0x90: {  	s2 =	sld [smem:$0x3FD0];
	_ =	sdelay $0x2  }
0x91: {  	s4 =	simm.s32 $0xA;
	s5 =	simm.s32 $0x10;
	s15 =	sld [smem:$0x3FC9]  }
0x92: {  	[smem:s5], [sflag:s4] =	dma.local [hbm:s2], $0x1  }
0x93: {  	_ =	swait.eq [sflag:s4], $0x1  }
0x94: {  	[sflag:s4] =	ssyncset.done $0x0  }
0x95: {  	s16 =	sld [smem:$0x10];
	[sflag:s4] =	ssyncadd.s32 $0xFFFFFFFF  }
0x96: {  	s17 =	sld [smem:$0x12];
	(tm) =	ssettm $0x1  }
0x97: {  	s18 =	sld [smem:$0x3FFB];
	_ =	sdelay $0x3  }
0x98: {  	_ =	strace s18  }
0x99: {  	s5 =	sld [smem:$0x3FFC];
	_ =	sdelay $0x3  }
0x9a: {  	_ =	strace s5  }
0x9b: {  	s5 =	sld [smem:$0x3FFD];
	_ =	sdelay $0x3  }
0x9c: {  	_ =	strace s5  }
0x9d: {  	_ =	strace $0x8FFFFFFF  }
0x9e: {  	s19 =	sld [smem:$0x3FDB];
	_ =	sdelay $0x1  }
0x9f: {  	s6 =	simm.s32 $_scs_section_size  }
0xa0: {  	s7 =	simm.s32 $_size__tile_overlayer_lowered;
	s8 =	simm.s32 $_tile_overlayer_lowered  }
0xa1: {  	s22 =	simm.s32 $0x1BFF;
	s21 =	sshll.u32 s8, $0x1;
	s5 =	sadd.s32 s6, s19  }
0xa2: {  	s9 =	simm.s32 $0x0;
	s20 =	sshll.u32 s7, $0x1;
	s7 =	sadd.s32 s21, s5  }
0xa3: {  	[timem:s9], [sflag:s22] =	dma.local [hbm:s7], s20  }
0xa4: {  	_ =	swait.ge [sflag:s22], s20  }
0xa5: {  	s6 =	ssub.s32 $0x0, s20;
	[sflag:s22] =	ssyncset.done $0x0  }
0xa6: {  	[sflag:s22] =	ssyncadd.s32 s6;
	_ =	sdelay $0x1  }
0xa7: {  	s23 =	simm.s32 $0x1B8B  }
0xa8: {  	_ =	swait.ge [sflag:s23], $0x1  }
0xa9: {  	[sflag:s23] =	ssyncset.done $0x0  }
0xaa: {  	s25 =	simm.s32 $0x1B8E;
	s24 =	sld [smem:$0x3FFE];
	[sflag:s23] =	ssyncadd.s32 $0xFFFFFFFF  }
0xab: {  	s26 =	simm.s32 $execute0_lowered;
	[smem:$0x3FD2] =	sst s25  }
0xac: {  	s7 =	sshll.u32 s26, $0x1;
	_ =	strace $0x80000046;
	[dreg:$0x1] =	wrdreg $0xFFFFFFFF  }
0xad: {  	s28 =	simm.s32 $_size_execute0_lowered;
	s5 =	sadd.s32 s5, s7;
	[dreg:$0x0] =	wrdreg $0x0  }
0xae: {  	s7 =	sshll.u32 s28, $0x1;
	[dreg:$0x2] =	wrdreg s5  }
0xaf: {  	[dreg:$0x3] =	wrdreg s7  }
0xb0: {  	[dreg:$0x4] =	wrdreg $0xC0  }
0xb1: {  	_ =	task [dreg:s9], $0x5FFFF  }
0xb2: {  	[dreg:$0x1] =	wrdreg $0xFFFFFFFF  }
0xb3: {  	[dreg:$0x0] =	wrdreg $0x60  }
0xb4: {  	[dreg:$0x2] =	wrdreg s15  }
0xb5: {  	[dreg:$0x3] =	wrdreg s24  }
0xb6: {  	[dreg:$0x4] =	wrdreg s17  }
0xb7: {  	[dreg:$0x5] =	wrdreg s16  }
0xb8: {  	[dreg:$0x6] =	wrdreg $0x91000  }
0xb9: {  	[dreg:$0x7] =	wrdreg $0x1C9800  }
0xba: {  	[dreg:$0x8] =	wrdreg $0x9  }
0xbb: {  	_ =	task.clear_ibuf [dreg:s9], $0x9FFFF;
	_ =	strace $0x90000046  }
0xbc: {  	s29 =	simm.s32 $0x9;
	_ =	strace $0x80000048  }
0xbd: {  	_ =	swait.ge [sflag:s29], $0x1  }
0xbe: {  	[sflag:s29] =	ssyncadd.s32 $0xFFFFFFFF  }
0xbf: {  	_ =	strace $0x90000048  }
0xc0: {  	_ =	sfence  }
0xc1: {  	s30 =	sld [smem:$0x0];
	_ =	sdelay $0x2  }
0xc2: {  	s31 =	sshll.u32 s1, $0xD;
	s1 =	sshrl.u32 s1, $0x2  }
0xc3: {  	s3 =	sand.u32 $0x4000, s31;
	s1 =	sadd.s32 s1, s30  }
0xc4: {  	s0 =	sor.u32 s3, s0;
	s1 =	sshll.u32 s1, $0x11  }
0xc5: {  	s0 =	sor.u32 s1, s0  }
0xc6: {  	s0 =	sadd.s32 $0x8F2B, s0  }
0xc7: {  	[sflag:s0] =	ssyncadd.remote.s32 $0x1  }
0xc8: {  	_ =	sfence.sel $0xFFFF  }
0xc9: {  	[dreg:$0x0] =	wrdreg $0xFFFFFFFF;
	(pc) =	sbr.abs _section_cstart, $3  }
0xca: {  	[dreg:$0x1] =	wrdreg $0xFFFFFFFF  }
0xcb: {  	_ =	task.clear_ibuf [dreg:s9], $0x2FFFF;
	_ =	strace $0x9FFFFFFF  }
0xcc: {  	(tm) =	ssettm $0x7FFFFFFF  }
0xcd: {  	_ =	shalt  }
tec
execute0_lowered:
.L_overlay_start_1:
0x0: {  	(tag) =	ssettag $0x1  }
0x1: {  	s0 =	rddreg [dreg:$0x0]  }
0x2: {  	s1 =	rddreg [dreg:$0x1]  }
0x3: {  	s5 =	rddreg [dreg:$0x2]  }
0x4: {  	s6 =	rddreg [dreg:$0x3]  }
0x5: {  	s2 =	rddreg [dreg:$0x4]  }
0x6: {  	s15 =	stileid.u32;
	s3 =	rddreg [dreg:$0x5]  }
0x7: {  	s4 =	simm.s32 $0x0;
	s9 =	srdreg.scid;
	s28 =	simm.s32 $0xC0  }
0x8: {  	s29 =	simm.s32 $0x2;
	s30 =	simm.s32 $0x4;
	s8 =	smul.u32 $0x2710, s15  }
0x9: {  	[smem:$0x7FF] =	sst s4;
	s9 =	sand.u32 $0x1, s9;
	s14 =	smul.u32 $0x13880, s15  }
0xa: {  	s16 =	sadd.s32 $0xB2800, s1;
	s17 =	sadd.s32 $0x5B2800, s1;
	s23 =	smul.u32 $0x5000, s15  }
0xb: {  	s13 =	sshll.u32 s15, $0x1;
	s20 =	sshll.u32 s15, $0x6;
	s31 =	smul.u32 $0x50000, s15  }
0xc: {  	_ =	strace $0x80000047;
	s11 =	ssub.s32 $0x2, s9;
	s18 =	sor.u32 s9, s13  }
0xd: {  	s21 =	sor.u32 $0x1C13, s20;
	s25 =	smul.u32 $0x2800, s9;
	[dreg:$0x8] =	wrdreg s17  }
0xe: {  	[dreg:$0x7] =	wrdreg s16;
	s13 =	simm.s32 $0x8;
	s7 =	sshrl.u32 s8, $0x3  }
0xf: {  	s12 =	sshrl.u32 s11, $0x1;
	s19 =	sshrl.u32 s14, $0x3;
	s14 =	sadd.s32 s14, s2  }
0x10: {  	[dreg:$0xa] =	wrdreg s21;
	s21 =	smul.u32 $0xA000, s15;
	s10 =	sadd.s32 s7, s1  }
0x11: {  	s7 =	sadd.s32 $0x12800, s1;
	s1 =	ssub.s32 s11, s12;
	s11 =	smul.u32 $0x2800, s18  }
0x12: {  	s15 =	simm.s32 $0x8500;
	s0 =	sadd.s32 s0, s19;
	s19 =	smul.u32 $0x28000, s9  }
0x13: {  	s12 =	simm.s32 $0x6;
	[dreg:$0x9] =	wrdreg s0;
	s10 =	sadd.s32 $0xD800, s10  }
0x14: {  	s0 =	sadd.s32 s8, s3;
	s1 =	smax.u32 s1, $0x1;
	[dreg:$0xb] =	wrdreg s10  }
0x15: {  	s22 =	sshrl.u32 s11, $0x3;
	s10 =	sadd.s32 s25, s23;
	[dreg:$0x10] =	wrdreg s1  }
0x16: {  	s23 =	smul.u32 $0x5000, s9;
	s0 =	sshrl.u32 s0, $0x3;
	s11 =	simm.s32 $0xC  }
0x17: {  	s9 =	simm.s32 $0xB;
	s24 =	sadd.s32 s5, s22;
	[dreg:$0x18] =	wrdreg s0  }
0x18: {  	s26 =	sadd.s32 s6, s22;
	s8 =	sor.u32 $0x8, s22;
	[dreg:$0xc] =	wrdreg s24  }
0x19: {  	s20 =	sor.u32 $0x80, s10;
	s10 =	simm.s32 $0xA;
	[dreg:$0xd] =	wrdreg s26  }
0x1a: {  	s18 =	sadd.s32 s5, s8;
	s8 =	sadd.s32 s6, s8;
	s22 =	sshrl.u32 s20, $0x3  }
0x1b: {  	s24 =	sadd.s32 s19, s31;
	s25 =	sadd.s32 s23, s21;
	[dreg:$0xe] =	wrdreg s18  }
0x1c: {  	s31 =	sshrl.u32 s14, $0x3;
	s19 =	simm.s32 $0x1;
	[dreg:$0xf] =	wrdreg s8  }
0x1d: {  	s14 =	simm.s32 $0x3;
	s23 =	simm.s32 $0x5;
	[dreg:$0x14] =	wrdreg s25  }
0x1e: {  	s6 =	sadd.s32 s22, s6;
	s1 =	sadd.s32 s22, s5;
	[dreg:$0x13] =	wrdreg s24  }
.Ltmp0:
0x1f: {  	s26 =	sadd.s32 s17, s24;
	[dreg:$0x17] =	wrdreg s31;
	(pc) =	sbr.rel .LBB2_1-.Ltmp0, $4  }
0x20: {  	s25 =	simm.s32 $0x80;
	s22 =	simm.s32 $0x4100;
	[dreg:$0x11] =	wrdreg s6  }
0x21: {  	s17 =	simm.s32 $0x9;
	s8 =	simm.s32 $0x7;
	[dreg:$0x12] =	wrdreg s1  }
0x22: {  	[dreg:$0x15] =	wrdreg s26;
	s1 =	sadd.s32 s16, s24;
	s26 =	simm.s32 $0x40  }
0x23: {  	s16 =	simm.s32 $0x8100;
	[dreg:$0x16] =	wrdreg s1;
	s1 =	simm.s32 $0x0  }
.LBB2_6:
0x24: {  	s0 =	simm.s32 $0xD  }
0x25: {  	_ =	swait.ge [sflag:s0], $0x2000  }
0x26: {  	[sflag:s0] =	ssyncset.done $0x0  }
0x27: {  	s18 =	simm.s32 $0xF;
	[sflag:s0] =	ssyncadd.s32 $0xFFFFE000  }
0x28: {  	_ =	swait.ge [sflag:s18], $0x2000  }
0x29: {  	[sflag:s18] =	ssyncset.done $0x0  }
0x2a: {  	s20 =	simm.s32 $0x11;
	[sflag:s18] =	ssyncadd.s32 $0xFFFFE000  }
0x2b: {  	_ =	swait.ge [sflag:s20], $0x400  }
0x2c: {  	[sflag:s20] =	ssyncset.done $0x0  }
0x2d: {  	s21 =	simm.s32 $0xE;
	[sflag:s20] =	ssyncadd.s32 $0xFFFFFC00  }
0x2e: {  	_ =	swait.ge [sflag:s21], $0x2000  }
0x2f: {  	[sflag:s21] =	ssyncset.done $0x0  }
0x30: {  	s24 =	simm.s32 $0x10;
	[sflag:s21] =	ssyncadd.s32 $0xFFFFE000  }
0x31: {  	_ =	swait.ge [sflag:s24], $0x2000  }
0x32: {  	[sflag:s24] =	ssyncset.done $0x0  }
0x33: {  	s31 =	simm.s32 $0x12;
	[sflag:s24] =	ssyncadd.s32 $0xFFFFE000  }
0x34: {  	_ =	swait.ge [sflag:s31], $0x400  }
0x35: {  	s1 =	rddreg [dreg:$0x19]  }
0x36: {  	s5 =	rddreg [dreg:$0x10];
	s1 =	sadd.s32 $0x1, s1  }
0x37: {  	p0 =	sne.s32 s1, s5  }
.Ltmp1:
0x38: {  	_ = 	snop;
	(pc) =	sbr.rel @!p0 .LBB2_7-.Ltmp1, $3  }
0x39: {  	_ =	sdelay $0x1  }
0x3a: {  	[sflag:s31] =	ssyncset.done $0x0  }
0x3b: {  	[sflag:s31] =	ssyncadd.s32 $0xFFFFFC00  }
.LBB2_1:
0x3c: {  	[dreg:$0x19] =	wrdreg s1  }
0x3d: {  	s5 =	rddreg [dreg:$0x9]  }
0x3e: {  	s6 =	rddreg [dreg:$0xa]  }
0x3f: {  	s18 =	rddreg [dreg:$0x17];
	s0 =	simm.s32 $0x13  }
0x40: {  	[spmem:s18], [sflag:s6] =	dma.local [hbm:s5], $0x2710  }
0x41: {  	_ =	swait.ge [sflag:s0], $0x2710  }
0x42: {  	[sflag:s0] =	ssyncset.done $0x0;
	s1 =	rddreg [dreg:$0xb]  }
0x43: {  	s20 =	rddreg [dreg:$0x18];
	[sflag:s0] =	ssyncadd.s32 $0xFFFFD8F0  }
0x44: {  	[spmem:s20], [sflag:s6] =	dma.local [hbm:s1], $0x4E2  }
0x45: {  	_ =	swait.ge [sflag:s0], $0x4E2  }
0x46: {  	[sflag:s0] =	ssyncset.done $0x0  }
0x47: {  	[sflag:s0] =	ssyncadd.s32 $0xFFFFFB1E  }
0x48: {  	[bflag:$0x0] =	sbarrier.arrive $0xFFFF  }
0x49: {  	s20 =	rddreg [dreg:$0xc]  }
0x4a: {  	s21 =	rddreg [dreg:$0xd]  }
0x4b: {  	s24 =	rddreg [dreg:$0xe]  }
0x4c: {  	[tilespmem:s4], [sflag:$0x1] =	stream.linear.gather [hbm4b:s20+s4], $0x40, $0x38;
	[tilespmem:$0x1F090] =	vst v63  }
0x4d: {  	s31 =	rddreg [dreg:$0xf]  }
0x4e: {  	[tilespmem:s25], [sflag:$0x3] =	stream.linear.gather [hbm4b:s21+s4], $0x40, $0x38;
	[tilespmem:$0x1F090] =	vst v63  }
.Ltmp2:
0x4f: {  	s6 =	rddreg [dreg:$0x12];
	(pc) =	sbr.rel .LBB2_2-.Ltmp2, $4  }
0x50: {  	s20 =	rddreg [dreg:$0x11]  }
0x51: {  	[tilespmem:s26], [sflag:$0x2] =	stream.linear.gather [hbm4b:s24+s4], $0x40, $0x38;
	[tilespmem:$0x1F090] =	vst v63  }
0x52: {  	s5 =	simm.s32 $0x0;
	s18 =	simm.s32 $0x0;
	s24 =	rddreg [dreg:$0x14]  }
0x53: {  	[tilespmem:s28], [sflag:$0x4] =	stream.linear.gather [hbm4b:s31+s4], $0x40, $0x38;
	[tilespmem:$0x1F090] =	vst v63  }
.LBB2_4:
0x54: {  	_ =	swait.ge [sflag:s29], $0x40  }
0x55: {  	[sflag:s29] =	ssyncset.done $0x0  }
0x56: {  	[sflag:s29] =	ssyncadd.s32 $0xFFFFFFC0  }
0x57: {  	_ =	swait.ge [sflag:s30], $0x40  }
0x58: {  	[sflag:s30] =	ssyncset.done $0x0  }
0x59: {  	s21 =	simm.s32 @!p0 $0xE;
	[sflag:s30] =	ssyncadd.s32 $0xFFFFFFC0  }
0x5a: {  	_ =	swait.ge @!p0 [sflag:s21], $0x2000  }
0x5b: {  	[sflag:s21] =	ssyncset.done @!p0 $0x0  }
0x5c: {  	[sflag:s21] =	ssyncadd.s32 @!p0 $0xFFFFE000;
	s21 =	simm.s32 @!p0 $0x10  }
0x5d: {  	_ =	swait.ge @!p0 [sflag:s21], $0x2000  }
0x5e: {  	[sflag:s21] =	ssyncset.done @!p0 $0x0  }
0x5f: {  	[sflag:s21] =	ssyncadd.s32 @!p0 $0xFFFFE000;
	s21 =	simm.s32 @!p0 $0x12  }
0x60: {  	_ =	swait.ge @!p0 [sflag:s21], $0x400  }
0x61: {  	[sflag:s21] =	ssyncset.done @!p0 $0x0  }
0x62: {  	s1 =	simm.s32 $0x2100;
	[sflag:s21] =	ssyncadd.s32 @!p0 $0xFFFFFC00  }
0x63: {  	[tilespmem:s1], [sflag:$0x6] =	stream.indirect.gather [spmem:s2], $0x80, s26, s26, $0xb8;
	[tilespmem:$0x1F090] =	vst v63  }
0x64: {  	s0 =	simm.s32 $0x6100  }
0x65: {  	[tilespmem:s0], [sflag:$0x8] =	stream.indirect.gather [spmem:s2], $0x80, s28, s26, $0xb8;
	[tilespmem:$0x1F090] =	vst v63  }
0x66: {  	_ = 	snop  }
0x67: {  	[tilespmem:s15], [sflag:$0xA] =	stream.indirect.gather [spmem:s3], $0x10, s26, s26, $0xb8;
	[tilespmem:$0x1F090] =	vst v63  }
0x68: {  	s31 =	simm.s32 $0x8D00  }
0x69: {  	[tilespmem:s31], [sflag:$0xC] =	stream.indirect.gather [spmem:s3], $0x10, s28, s26, $0xb8;
	[tilespmem:$0x1F090] =	vst v63  }
0x6a: {  	_ =	swait.ge [sflag:s10], $0x400  }
0x6b: {  	[sflag:s10] =	ssyncset.done $0x0  }
0x6c: {  	[sflag:s10] =	ssyncadd.s32 $0xFFFFFC00  }
0x6d: {  	_ =	swait.ge [sflag:s11], $0x400  }
0x6e: {  	[sflag:s11] =	ssyncset.done $0x0  }
0x6f: {  	[sflag:s11] =	ssyncadd.s32 $0xFFFFFC00  }
0x70: {  	v0 =	vld [tilespmem:$0x8500]  }
0x71: {  	v1 =	vld [tilespmem:$0x8D00]  }
0x72: {  	v2 =	vld [tilespmem:$0x8510]  }
0x73: {  	v3 =	vld [tilespmem:$0x8D10]  }
0x74: {  	v4 =	vld [tilespmem:$0x8520]  }
0x75: {  	v5 =	vld [tilespmem:$0x8D20]  }
0x76: {  	v6 =	vld [tilespmem:$0x8530]  }
0x77: {  	v7 =	vld [tilespmem:$0x8D30]  }
0x78: {  	v8 =	vld [tilespmem:$0x8540]  }
0x79: {  	v9 =	vld [tilespmem:$0x8D40]  }
0x7a: {  	v10 =	vld [tilespmem:$0x8550]  }
0x7b: {  	v11 =	vld [tilespmem:$0x8D50]  }
0x7c: {  	v12 =	vld [tilespmem:$0x8560]  }
0x7d: {  	v13 =	vld [tilespmem:$0x8D60]  }
0x7e: {  	v14 =	vld [tilespmem:$0x8570]  }
0x7f: {  	v15 =	vld [tilespmem:$0x8D70]  }
0x80: {  	v16 =	vld [tilespmem:$0x8580]  }
0x81: {  	v17 =	vld [tilespmem:$0x8D80]  }
0x82: {  	v18 =	vld [tilespmem:$0x8590]  }
0x83: {  	v19 =	vld [tilespmem:$0x8D90]  }
0x84: {  	v20 =	vld [tilespmem:$0x85A0]  }
0x85: {  	v21 =	vld [tilespmem:$0x8DA0]  }
0x86: {  	v22 =	vld [tilespmem:$0x85B0]  }
0x87: {  	v23 =	vld [tilespmem:$0x8DB0]  }
0x88: {  	v24 =	vld [tilespmem:$0x85C0]  }
0x89: {  	v25 =	vld [tilespmem:$0x8DC0]  }
0x8a: {  	v26 =	vld [tilespmem:$0x85D0]  }
0x8b: {  	v27 =	vld [tilespmem:$0x8DD0]  }
0x8c: {  	v28 =	vld [tilespmem:$0x85E0]  }
0x8d: {  	v29 =	vld [tilespmem:$0x8DE0]  }
0x8e: {  	v30 =	vld [tilespmem:$0x85F0]  }
0x8f: {  	v31 =	vld [tilespmem:$0x8DF0]  }
0x90: {  	v32 =	vld [tilespmem:$0x8600]  }
0x91: {  	v33 =	vld [tilespmem:$0x8E00]  }
0x92: {  	v34 =	vld [tilespmem:$0x8610]  }
0x93: {  	v35 =	vld [tilespmem:$0x8E10]  }
0x94: {  	v36 =	vld [tilespmem:$0x8620]  }
0x95: {  	v37 =	vld [tilespmem:$0x8E20]  }
0x96: {  	v38 =	vld [tilespmem:$0x8630]  }
0x97: {  	v39 =	vld [tilespmem:$0x8E30]  }
0x98: {  	v40 =	vld [tilespmem:$0x8640]  }
0x99: {  	v41 =	vld [tilespmem:$0x8E40]  }
0x9a: {  	v42 =	vld [tilespmem:$0x8650]  }
0x9b: {  	v43 =	vld [tilespmem:$0x8E50]  }
0x9c: {  	v44 =	vld [tilespmem:$0x8660]  }
0x9d: {  	v45 =	vld [tilespmem:$0x8E60]  }
0x9e: {  	v46 =	vld [tilespmem:$0x8670]  }
0x9f: {  	v47 =	vld [tilespmem:$0x8E70]  }
0xa0: {  	v48 =	vld [tilespmem:$0x8680]  }
0xa1: {  	v49 =	vld [tilespmem:$0x8E80]  }
0xa2: {  	v50 =	vld [tilespmem:$0x8690]  }
0xa3: {  	v51 =	vld [tilespmem:$0x8E90]  }
0xa4: {  	v52 =	vld [tilespmem:$0x86A0]  }
0xa5: {  	v53 =	vld [tilespmem:$0x8EA0]  }
0xa6: {  	v54 =	vld [tilespmem:$0x86B0]  }
0xa7: {  	v55 =	vld [tilespmem:$0x8EB0]  }
0xa8: {  	v56 =	vld [tilespmem:$0x86C0]  }
0xa9: {  	v57 =	vld [tilespmem:$0x8EC0]  }
0xaa: {  	v58 =	vld [tilespmem:$0x86D0]  }
0xab: {  	v62 =	vld [tilespmem:$0x86F0]  }
0xac: {  	v59 =	vld [tilespmem:$0x8ED0]  }
0xad: {  	v60 =	vld [tilespmem:$0x86E0]  }
0xae: {  	v61 =	vld [tilespmem:$0x8EE0]  }
0xaf: {  	v63 =	vld [tilespmem:$0x8EF0]  }
0xb0: {  	[tilespmem:$0x1FF40] =	vst v62;
	v62 =	vld [tilespmem:$0x8700]  }
0xb1: {  	v0 =	vsub.f32 v0, v1;
	v1 =	vld [tilespmem:$0x8F20]  }
0xb2: {  	v2 =	vsub.f32 v2, v3;
	v3 =	vld [tilespmem:$0x8730]  }
0xb3: {  	v9 =	vsub.f32 v8, v9;
	v8 =	vld [tilespmem:$0x8F50]  }
0xb4: {  	v13 =	vsub.f32 v12, v13;
	v12 =	vld [tilespmem:$0x8F70]  }
0xb5: {  	v15 =	vsub.f32 v14, v15;
	v14 =	vld [tilespmem:$0x8F80]  }
0xb6: {  	v17 =	vsub.f32 v16, v17;
	v16 =	vld [tilespmem:$0x8F90]  }
0xb7: {  	v19 =	vsub.f32 v18, v19;
	v18 =	vld [tilespmem:$0x8FA0]  }
0xb8: {  	v23 =	vsub.f32 v22, v23;
	v22 =	vld [tilespmem:$0x8FC0];
	[tilespmem:$0x8500] =	vst v0  }
0xb9: {  	v25 =	vsub.f32 v24, v25;
	v24 =	vld [tilespmem:$0x8FD0];
	[tilespmem:$0x8510] =	vst v2  }
0xba: {  	v21 =	vsub.f32 v20, v21;
	v27 =	vsub.f32 v26, v27;
	v26 =	vld [tilespmem:$0x8FE0];
	[tilespmem:$0x8540] =	vst v9  }
0xbb: {  	v31 =	vsub.f32 v30, v31;
	v30 =	vsub.f32 v44, v45;
	v45 =	vld [tilespmem:$0x9030];
	[tilespmem:$0x8560] =	vst v13  }
0xbc: {  	v33 =	vsub.f32 v32, v33;
	v32 =	vsub.f32 v48, v49;
	v49 =	vld [tilespmem:$0x9040];
	[tilespmem:$0x8570] =	vst v15  }
0xbd: {  	v35 =	vsub.f32 v34, v35;
	v34 =	vsub.f32 v52, v53;
	v53 =	vld [tilespmem:$0x9050];
	[tilespmem:$0x8580] =	vst v17  }
0xbe: {  	v37 =	vsub.f32 v36, v37;
	v36 =	vsub.f32 v56, v57;
	v57 =	vld [tilespmem:$0x9060];
	[tilespmem:$0x8590] =	vst v19  }
0xbf: {  	v0 =	vsub.f32 v4, v5;
	v4 =	vld [tilespmem:$0x8F30];
	[tilespmem:$0x85A0] =	vst v21  }
0xc0: {  	v5 =	vld [tilespmem:$0x8740];
	[tilespmem:$0x85B0] =	vst v23  }
0xc1: {  	v29 =	vsub.f32 v28, v29;
	v9 =	vld [tilespmem:$0x8760];
	[tilespmem:$0x85C0] =	vst v25  }
0xc2: {  	v13 =	vld [tilespmem:$0x8780];
	[tilespmem:$0x85D0] =	vst v27  }
0xc3: {  	v15 =	vld [tilespmem:$0x8790];
	[tilespmem:$0x85E0] =	vst v29  }
0xc4: {  	v17 =	vld [tilespmem:$0x87A0];
	[tilespmem:$0x85F0] =	vst v31  }
0xc5: {  	v19 =	vld [tilespmem:$0x87B0];
	[tilespmem:$0x8600] =	vst v33  }
0xc6: {  	v28 =	vsub.f32 v40, v41;
	[tilespmem:$0x8610] =	vst v35;
	v21 =	vld [tilespmem:$0x87C0]  }
0xc7: {  	[tilespmem:$0x8620] =	vst v37;
	v23 =	vld [tilespmem:$0x87D0]  }
0xc8: {  	[tilespmem:$0x8640] =	vst v28;
	v25 =	vld [tilespmem:$0x87E0]  }
0xc9: {  	[tilespmem:$0x8660] =	vst v30;
	v28 =	vld [tilespmem:$0x8FF0]  }
0xca: {  	[tilespmem:$0x8680] =	vst v32;
	v30 =	vld [tilespmem:$0x9000]  }
0xcb: {  	[tilespmem:$0x86A0] =	vst v34;
	v32 =	vld [tilespmem:$0x9010]  }
0xcc: {  	v27 =	vsub.f32 v38, v39;
	[tilespmem:$0x86C0] =	vst v36;
	v39 =	vld [tilespmem:$0x1FF40]  }
0xcd: {  	v34 =	vld [tilespmem:$0x9020];
	[tilespmem:$0x8520] =	vst v0  }
0xce: {  	v29 =	vsub.f32 v42, v43;
	v31 =	vsub.f32 v46, v47;
	v47 =	vld [tilespmem:$0x8840];
	[tilespmem:$0x8630] =	vst v27  }
0xcf: {  	[tilespmem:$0x1FF50] =	vst v62;
	v62 =	vld [tilespmem:$0x8F00]  }
0xd0: {  	v33 =	vsub.f32 v50, v51;
	v51 =	vld [tilespmem:$0x8850];
	[tilespmem:$0x8650] =	vst v29  }
0xd1: {  	v35 =	vsub.f32 v54, v55;
	v55 =	vld [tilespmem:$0x8860];
	[tilespmem:$0x8670] =	vst v31  }
0xd2: {  	v37 =	vsub.f32 v58, v59;
	v59 =	vld [tilespmem:$0x8870];
	[tilespmem:$0x8690] =	vst v33  }
0xd3: {  	v38 =	vsub.f32 v60, v61;
	v61 =	vld [tilespmem:$0x9070];
	[tilespmem:$0x86B0] =	vst v35  }
0xd4: {  	[tilespmem:$0x1FF60] =	vst v62;
	v62 =	vld [tilespmem:$0x8710]  }
0xd5: {  	v27 =	vld [tilespmem:$0x87F0];
	[tilespmem:$0x86D0] =	vst v37;
	v2 =	vsub.f32 v39, v63  }
0xd6: {  	v29 =	vld [tilespmem:$0x8800];
	[tilespmem:$0x86E0] =	vst v38;
	v46 =	vsub.f32 v3, v4  }
0xd7: {  	v31 =	vld [tilespmem:$0x8810];
	[tilespmem:$0x86F0] =	vst v2  }
0xd8: {  	v33 =	vld [tilespmem:$0x8820];
	v56 =	vsub.f32 v13, v14;
	[tilespmem:$0x8730] =	vst v46  }
0xd9: {  	v58 =	vsub.f32 v15, v16;
	[tilespmem:$0x1FF70] =	vst v62;
	v62 =	vld [tilespmem:$0x8F10]  }
0xda: {  	v35 =	vld [tilespmem:$0x8830];
	v60 =	vsub.f32 v17, v18;
	[tilespmem:$0x8780] =	vst v56  }
0xdb: {  	v37 =	vld [tilespmem:$0x88A0];
	v21 =	vsub.f32 v21, v22;
	[tilespmem:$0x8790] =	vst v58  }
0xdc: {  	v40 =	vld [tilespmem:$0x1FF50];
	[tilespmem:$0x87A0] =	vst v60  }
0xdd: {  	v23 =	vsub.f32 v23, v24;
	[tilespmem:$0x87C0] =	vst v21;
	v41 =	vld [tilespmem:$0x1FF60]  }
0xde: {  	v25 =	vsub.f32 v25, v26;
	[tilespmem:$0x1FF80] =	vst v62;
	v62 =	vld [tilespmem:$0x8720]  }
0xdf: {  	[tilespmem:$0x87D0] =	vst v23;
	v36 =	vsub.f32 v27, v28;
	v42 =	vld [tilespmem:$0x1FF70]  }
0xe0: {  	[tilespmem:$0x87E0] =	vst v25;
	v38 =	vsub.f32 v29, v30;
	v43 =	vld [tilespmem:$0x1FF80]  }
0xe1: {  	v63 =	vld [tilespmem:$0x8880];
	[tilespmem:$0x87F0] =	vst v36  }
0xe2: {  	v22 =	vld [tilespmem:$0x9080];
	[tilespmem:$0x8800] =	vst v38;
	v0 =	vsub.f32 v40, v41  }
0xe3: {  	v40 =	vsub.f32 v31, v32;
	[tilespmem:$0x1FF90] =	vst v62;
	v62 =	vsub.f32 v6, v7;
	v6 =	vld [tilespmem:$0x8F40]  }
0xe4: {  	[tilespmem:$0x8700] =	vst v0;
	v7 =	vld [tilespmem:$0x8750]  }
0xe5: {  	[tilespmem:$0x8810] =	vst v40;
	v2 =	vsub.f32 v42, v43;
	v44 =	vld [tilespmem:$0x1FF90]  }
0xe6: {  	v24 =	vld [tilespmem:$0x8890];
	v42 =	vsub.f32 v33, v34;
	[tilespmem:$0x8530] =	vst v62  }
0xe7: {  	v26 =	vld [tilespmem:$0x9090];
	v62 =	vsub.f32 v10, v11;
	[tilespmem:$0x8710] =	vst v2  }
0xe8: {  	v39 =	vld [tilespmem:$0x90A0];
	[tilespmem:$0x8820] =	vst v42;
	v48 =	vsub.f32 v5, v6  }
0xe9: {  	v46 =	vld [tilespmem:$0x90C0];
	[tilespmem:$0x8550] =	vst v62;
	v50 =	vsub.f32 v7, v8  }
0xea: {  	v56 =	vld [tilespmem:$0x88F0];
	v0 =	vsub.f32 v44, v1;
	[tilespmem:$0x8740] =	vst v48  }
0xeb: {  	v58 =	vld [tilespmem:$0x90F0];
	v1 =	vsub.f32 v35, v45;
	[tilespmem:$0x8750] =	vst v50  }
0xec: {  	v41 =	vld [tilespmem:$0x88B0];
	v45 =	vsub.f32 v47, v49;
	[tilespmem:$0x8720] =	vst v0  }
0xed: {  	v10 =	vld [tilespmem:$0x8F60];
	v47 =	vsub.f32 v51, v53;
	[tilespmem:$0x8830] =	vst v1  }
0xee: {  	v11 =	vld [tilespmem:$0x8770];
	v49 =	vsub.f32 v55, v57;
	[tilespmem:$0x8840] =	vst v45  }
0xef: {  	v43 =	vld [tilespmem:$0x90B0];
	v51 =	vsub.f32 v59, v61;
	[tilespmem:$0x8850] =	vst v47  }
0xf0: {  	v62 =	vld [tilespmem:$0x8FB0];
	v53 =	vsub.f32 v63, v22;
	[tilespmem:$0x8860] =	vst v49  }
0xf1: {  	v44 =	vld [tilespmem:$0x88C0];
	v55 =	vsub.f32 v24, v26;
	[tilespmem:$0x8870] =	vst v51  }
0xf2: {  	v52 =	vsub.f32 v9, v10;
	v48 =	vld [tilespmem:$0x88D0];
	[tilespmem:$0x8880] =	vst v53  }
0xf3: {  	v54 =	vsub.f32 v11, v12;
	v50 =	vld [tilespmem:$0x90D0];
	[tilespmem:$0x8890] =	vst v55  }
0xf4: {  	v57 =	vsub.f32 v37, v39;
	[tilespmem:$0x8760] =	vst v52;
	v52 =	vld [tilespmem:$0x88E0]  }
0xf5: {  	v59 =	vsub.f32 v41, v43;
	[tilespmem:$0x8770] =	vst v54;
	v54 =	vld [tilespmem:$0x90E0]  }
0xf6: {  	v63 =	vsub.f32 v56, v58;
	[tilespmem:$0x88A0] =	vst v57  }
0xf7: {  	[tilespmem:$0x88B0] =	vst v59;
	v62 =	vsub.f32 v19, v62  }
0xf8: {  	[tilespmem:$0x88F0] =	vst v63;
	v60 =	vsub.f32 v44, v46  }
0xf9: {  	[tilespmem:$0x87B0] =	vst v62;
	v61 =	vsub.f32 v48, v50  }
0xfa: {  	[tilespmem:$0x88C0] =	vst v60;
	v62 =	vsub.f32 v52, v54  }
0xfb: {  	[tilespmem:$0x88D0] =	vst v61  }
0xfc: {  	[tilespmem:$0x88E0] =	vst v62  }
0xfd: {  	_ =	swait.ge [sflag:s12], $0x2000  }
0xfe: {  	[sflag:s12] =	ssyncset.done $0x0  }
0xff: {  	[sflag:s12] =	ssyncadd.s32 $0xFFFFE000  }
0x100: {  	_ =	swait.ge [sflag:s13], $0x2000  }
0x101: {  	p0 =	sgt.u32 s18, $0x9D;
	[sflag:s13] =	ssyncset.done $0x0  }
0x102: {  	s21 =	simm.s32 @!p0 $0x0;
	s31 =	simm.s32 @!p0 $0x40;
	[sflag:s13] =	ssyncadd.s32 $0xFFFFE000  }
0x103: {  	[tilespmem:s31], [sflag:$0x2] =	stream.linear.gather @!p0 [hbm4b:s6+s21], $0x40, $0x38;
	[tilespmem:$0x1F090] =	vst v63  }
0x104: {  	s31 =	simm.s32 @!p0 $0xC0  }
0x105: {  	[tilespmem:s31], [sflag:$0x4] =	stream.linear.gather @!p0 [hbm4b:s20+s21], $0x40, $0x38;
	[tilespmem:$0x1F090] =	vst v63  }
0x106: {  	s31 =	rddreg [dreg:$0x16]  }
0x107: {  	s21 =	sadd.s32 s5, s31  }
0x108: {  	[hbm4b:s21+s4] =	stream.linear.scatter [tilespmem:s1], [sflag:$0xE], $0x2000, $0x38;
	[tilespmem:$0x1F090] =	vst v63  }
0x109: {  	s1 =	rddreg [dreg:$0x15]  }
0x10a: {  	s21 =	sadd.s32 s5, s1  }
0x10b: {  	[hbm4b:s21+s4] =	stream.linear.scatter [tilespmem:s0], [sflag:$0x10], $0x2000, $0x38;
	[tilespmem:$0x1F090] =	vst v63  }
0x10c: {  	s31 =	sadd.s32 s24, s7  }
0x10d: {  	[hbm4b:s31+s4] =	stream.linear.scatter [tilespmem:s15], [sflag:$0x12], $0x400, $0x38;
	[tilespmem:$0x1F090] =	vst v63  }
.LBB2_5:
0x10e: {  	s5 =	sadd.s32 $0x400, s5  }
0x10f: {  	p0 =	sne.s32 s5, $0x28000  }
.Ltmp3:
0x110: {  	_ = 	snop;
	(pc) =	sbr.rel @!p0 .LBB2_6-.Ltmp3, $3  }
0x111: {  	_ =	sdelay $0x1  }
0x112: {  	s18 =	sadd.s32 $0x1, s18  }
0x113: {  	s20 =	sadd.s32 $0x8, s20;
	s6 =	sadd.s32 $0x8, s6;
	s24 =	sadd.s32 $0x80, s24  }
.LBB2_2:
0x114: {  	s21 =	sand.u32 $0x1, s18  }
0x115: {  	p1 =	seq.s32 s21, $0x1  }
.Ltmp4:
0x116: {  	_ = 	snop;
	(pc) =	sbr.rel @p1 .LBB2_4-.Ltmp4, $2  }
0x117: {  	_ =	sdelay $0x2  }
0x118: {  	p0 =	slt.u32 s18, $0x2  }
0x119: {  	_ =	swait.ge [sflag:s19], $0x40  }
0x11a: {  	[sflag:s19] =	ssyncset.done $0x0  }
0x11b: {  	[sflag:s19] =	ssyncadd.s32 $0xFFFFFFC0  }
0x11c: {  	_ =	swait.ge [sflag:s14], $0x40  }
0x11d: {  	[sflag:s14] =	ssyncset.done $0x0  }
0x11e: {  	s21 =	simm.s32 @!p0 $0xD;
	[sflag:s14] =	ssyncadd.s32 $0xFFFFFFC0  }
0x11f: {  	_ =	swait.ge @!p0 [sflag:s21], $0x2000  }
0x120: {  	[sflag:s21] =	ssyncset.done @!p0 $0x0  }
0x121: {  	[sflag:s21] =	ssyncadd.s32 @!p0 $0xFFFFE000;
	s21 =	simm.s32 @!p0 $0xF  }
0x122: {  	_ =	swait.ge @!p0 [sflag:s21], $0x2000  }
0x123: {  	[sflag:s21] =	ssyncset.done @!p0 $0x0  }
0x124: {  	[sflag:s21] =	ssyncadd.s32 @!p0 $0xFFFFE000;
	s21 =	simm.s32 @!p0 $0x11  }
0x125: {  	_ =	swait.ge @!p0 [sflag:s21], $0x400  }
0x126: {  	[sflag:s21] =	ssyncset.done @!p0 $0x0  }
0x127: {  	s0 =	simm.s32 $0x100;
	[sflag:s21] =	ssyncadd.s32 @!p0 $0xFFFFFC00  }
0x128: {  	[tilespmem:s0], [sflag:$0x5] =	stream.indirect.gather [spmem:s2], $0x80, s4, s26, $0xb8;
	[tilespmem:$0x1F090] =	vst v63  }
0x129: {  	_ = 	snop  }
0x12a: {  	[tilespmem:s22], [sflag:$0x7] =	stream.indirect.gather [spmem:s2], $0x80, s25, s26, $0xb8;
	[tilespmem:$0x1F090] =	vst v63  }
0x12b: {  	_ = 	snop  }
0x12c: {  	[tilespmem:s16], [sflag:$0x9] =	stream.indirect.gather [spmem:s3], $0x10, s4, s26, $0xb8;
	[tilespmem:$0x1F090] =	vst v63  }
0x12d: {  	s1 =	simm.s32 $0x8900  }
0x12e: {  	[tilespmem:s1], [sflag:$0xB] =	stream.indirect.gather [spmem:s3], $0x10, s25, s26, $0xb8;
	[tilespmem:$0x1F090] =	vst v63  }
0x12f: {  	_ =	swait.ge [sflag:s17], $0x400  }
0x130: {  	[sflag:s17] =	ssyncset.done $0x0  }
0x131: {  	[sflag:s17] =	ssyncadd.s32 $0xFFFFFC00  }
0x132: {  	_ =	swait.ge [sflag:s9], $0x400  }
0x133: {  	[sflag:s9] =	ssyncset.done $0x0  }
0x134: {  	[sflag:s9] =	ssyncadd.s32 $0xFFFFFC00  }
0x135: {  	v0 =	vld [tilespmem:$0x8100]  }
0x136: {  	v1 =	vld [tilespmem:$0x8900]  }
0x137: {  	v2 =	vld [tilespmem:$0x8110]  }
0x138: {  	v3 =	vld [tilespmem:$0x8910]  }
0x139: {  	v4 =	vld [tilespmem:$0x8120]  }
0x13a: {  	v5 =	vld [tilespmem:$0x8920]  }
0x13b: {  	v6 =	vld [tilespmem:$0x8130]  }
0x13c: {  	v7 =	vld [tilespmem:$0x8930]  }
0x13d: {  	v8 =	vld [tilespmem:$0x8140]  }
0x13e: {  	v9 =	vld [tilespmem:$0x8940]  }
0x13f: {  	v10 =	vld [tilespmem:$0x8150]  }
0x140: {  	v11 =	vld [tilespmem:$0x8950]  }
0x141: {  	v12 =	vld [tilespmem:$0x8160]  }
0x142: {  	v13 =	vld [tilespmem:$0x8960]  }
0x143: {  	v14 =	vld [tilespmem:$0x8170]  }
0x144: {  	v15 =	vld [tilespmem:$0x8970]  }
0x145: {  	v16 =	vld [tilespmem:$0x8180]  }
0x146: {  	v17 =	vld [tilespmem:$0x8980]  }
0x147: {  	v18 =	vld [tilespmem:$0x8190]  }
0x148: {  	v19 =	vld [tilespmem:$0x8990]  }
0x149: {  	v20 =	vld [tilespmem:$0x81A0]  }
0x14a: {  	v21 =	vld [tilespmem:$0x89A0]  }
0x14b: {  	v22 =	vld [tilespmem:$0x81B0]  }
0x14c: {  	v23 =	vld [tilespmem:$0x89B0]  }
0x14d: {  	v24 =	vld [tilespmem:$0x81C0]  }
0x14e: {  	v25 =	vld [tilespmem:$0x89C0]  }
0x14f: {  	v26 =	vld [tilespmem:$0x81D0]  }
0x150: {  	v27 =	vld [tilespmem:$0x89D0]  }
0x151: {  	v28 =	vld [tilespmem:$0x81E0]  }
0x152: {  	v29 =	vld [tilespmem:$0x89E0]  }
0x153: {  	v30 =	vld [tilespmem:$0x81F0]  }
0x154: {  	v31 =	vld [tilespmem:$0x89F0]  }
0x155: {  	v32 =	vld [tilespmem:$0x8200]  }
0x156: {  	v33 =	vld [tilespmem:$0x8A00]  }
0x157: {  	v34 =	vld [tilespmem:$0x8210]  }
0x158: {  	v35 =	vld [tilespmem:$0x8A10]  }
0x159: {  	v36 =	vld [tilespmem:$0x8220]  }
0x15a: {  	v37 =	vld [tilespmem:$0x8A20]  }
0x15b: {  	v38 =	vld [tilespmem:$0x8230]  }
0x15c: {  	v39 =	vld [tilespmem:$0x8A30]  }
0x15d: {  	v40 =	vld [tilespmem:$0x8240]  }
0x15e: {  	v41 =	vld [tilespmem:$0x8A40]  }
0x15f: {  	v42 =	vld [tilespmem:$0x8250]  }
0x160: {  	v43 =	vld [tilespmem:$0x8A50]  }
0x161: {  	v44 =	vld [tilespmem:$0x8260]  }
0x162: {  	v45 =	vld [tilespmem:$0x8A60]  }
0x163: {  	v46 =	vld [tilespmem:$0x8270]  }
0x164: {  	v47 =	vld [tilespmem:$0x8A70]  }
0x165: {  	v48 =	vld [tilespmem:$0x8280]  }
0x166: {  	v49 =	vld [tilespmem:$0x8A80]  }
0x167: {  	v50 =	vld [tilespmem:$0x8290]  }
0x168: {  	v51 =	vld [tilespmem:$0x8A90]  }
0x169: {  	v52 =	vld [tilespmem:$0x82A0]  }
0x16a: {  	v53 =	vld [tilespmem:$0x8AA0]  }
0x16b: {  	v54 =	vld [tilespmem:$0x82B0]  }
0x16c: {  	v55 =	vld [tilespmem:$0x8AB0]  }
0x16d: {  	v56 =	vld [tilespmem:$0x82C0]  }
0x16e: {  	v57 =	vld [tilespmem:$0x8AC0]  }
0x16f: {  	v58 =	vld [tilespmem:$0x82D0]  }
0x170: {  	v62 =	vld [tilespmem:$0x82F0]  }
0x171: {  	v59 =	vld [tilespmem:$0x8AD0]  }
0x172: {  	v60 =	vld [tilespmem:$0x82E0]  }
0x173: {  	v61 =	vld [tilespmem:$0x8AE0]  }
0x174: {  	v63 =	vld [tilespmem:$0x8AF0]  }
0x175: {  	[tilespmem:$0x1FFA0] =	vst v62;
	v62 =	vld [tilespmem:$0x8300]  }
0x176: {  	v0 =	vsub.f32 v0, v1;
	v1 =	vld [tilespmem:$0x8B20]  }
0x177: {  	v2 =	vsub.f32 v2, v3;
	v3 =	vld [tilespmem:$0x8330]  }
0x178: {  	v9 =	vsub.f32 v8, v9;
	v8 =	vld [tilespmem:$0x8B50]  }
0x179: {  	v13 =	vsub.f32 v12, v13;
	v12 =	vld [tilespmem:$0x8B70]  }
0x17a: {  	v15 =	vsub.f32 v14, v15;
	v14 =	vld [tilespmem:$0x8B80]  }
0x17b: {  	v17 =	vsub.f32 v16, v17;
	v16 =	vld [tilespmem:$0x8B90]  }
0x17c: {  	v19 =	vsub.f32 v18, v19;
	v18 =	vld [tilespmem:$0x8BA0]  }
0x17d: {  	v23 =	vsub.f32 v22, v23;
	v22 =	vld [tilespmem:$0x8BC0];
	[tilespmem:$0x8100] =	vst v0  }
0x17e: {  	v25 =	vsub.f32 v24, v25;
	v24 =	vld [tilespmem:$0x8BD0];
	[tilespmem:$0x8110] =	vst v2  }
0x17f: {  	v21 =	vsub.f32 v20, v21;
	v27 =	vsub.f32 v26, v27;
	v26 =	vld [tilespmem:$0x8BE0];
	[tilespmem:$0x8140] =	vst v9  }
0x180: {  	v31 =	vsub.f32 v30, v31;
	v30 =	vsub.f32 v44, v45;
	v45 =	vld [tilespmem:$0x8C30];
	[tilespmem:$0x8160] =	vst v13  }
0x181: {  	v33 =	vsub.f32 v32, v33;
	v32 =	vsub.f32 v48, v49;
	v49 =	vld [tilespmem:$0x8C40];
	[tilespmem:$0x8170] =	vst v15  }
0x182: {  	v35 =	vsub.f32 v34, v35;
	v34 =	vsub.f32 v52, v53;
	v53 =	vld [tilespmem:$0x8C50];
	[tilespmem:$0x8180] =	vst v17  }
0x183: {  	v37 =	vsub.f32 v36, v37;
	v36 =	vsub.f32 v56, v57;
	v57 =	vld [tilespmem:$0x8C60];
	[tilespmem:$0x8190] =	vst v19  }
0x184: {  	v0 =	vsub.f32 v4, v5;
	v4 =	vld [tilespmem:$0x8B30];
	[tilespmem:$0x81A0] =	vst v21  }
0x185: {  	v5 =	vld [tilespmem:$0x8340];
	[tilespmem:$0x81B0] =	vst v23  }
0x186: {  	v29 =	vsub.f32 v28, v29;
	v9 =	vld [tilespmem:$0x8360];
	[tilespmem:$0x81C0] =	vst v25  }
0x187: {  	v13 =	vld [tilespmem:$0x8380];
	[tilespmem:$0x81D0] =	vst v27  }
0x188: {  	v15 =	vld [tilespmem:$0x8390];
	[tilespmem:$0x81E0] =	vst v29  }
0x189: {  	v17 =	vld [tilespmem:$0x83A0];
	[tilespmem:$0x81F0] =	vst v31  }
0x18a: {  	v19 =	vld [tilespmem:$0x83B0];
	[tilespmem:$0x8200] =	vst v33  }
0x18b: {  	v28 =	vsub.f32 v40, v41;
	[tilespmem:$0x8210] =	vst v35;
	v21 =	vld [tilespmem:$0x83C0]  }
0x18c: {  	[tilespmem:$0x8220] =	vst v37;
	v23 =	vld [tilespmem:$0x83D0]  }
0x18d: {  	[tilespmem:$0x8240] =	vst v28;
	v25 =	vld [tilespmem:$0x83E0]  }
0x18e: {  	[tilespmem:$0x8260] =	vst v30;
	v28 =	vld [tilespmem:$0x8BF0]  }
0x18f: {  	[tilespmem:$0x8280] =	vst v32;
	v30 =	vld [tilespmem:$0x8C00]  }
0x190: {  	[tilespmem:$0x82A0] =	vst v34;
	v32 =	vld [tilespmem:$0x8C10]  }
0x191: {  	v27 =	vsub.f32 v38, v39;
	[tilespmem:$0x82C0] =	vst v36;
	v39 =	vld [tilespmem:$0x1FFA0]  }
0x192: {  	v34 =	vld [tilespmem:$0x8C20];
	[tilespmem:$0x8120] =	vst v0  }
0x193: {  	v29 =	vsub.f32 v42, v43;
	v31 =	vsub.f32 v46, v47;
	v47 =	vld [tilespmem:$0x8440];
	[tilespmem:$0x8230] =	vst v27  }
0x194: {  	[tilespmem:$0x1FFB0] =	vst v62;
	v62 =	vld [tilespmem:$0x8B00]  }
0x195: {  	v33 =	vsub.f32 v50, v51;
	v51 =	vld [tilespmem:$0x8450];
	[tilespmem:$0x8250] =	vst v29  }
0x196: {  	v35 =	vsub.f32 v54, v55;
	v55 =	vld [tilespmem:$0x8460];
	[tilespmem:$0x8270] =	vst v31  }
0x197: {  	v37 =	vsub.f32 v58, v59;
	v59 =	vld [tilespmem:$0x8470];
	[tilespmem:$0x8290] =	vst v33  }
0x198: {  	v38 =	vsub.f32 v60, v61;
	v61 =	vld [tilespmem:$0x8C70];
	[tilespmem:$0x82B0] =	vst v35  }
0x199: {  	[tilespmem:$0x1FFC0] =	vst v62;
	v62 =	vld [tilespmem:$0x8310]  }
0x19a: {  	v27 =	vld [tilespmem:$0x83F0];
	[tilespmem:$0x82D0] =	vst v37;
	v2 =	vsub.f32 v39, v63  }
0x19b: {  	v29 =	vld [tilespmem:$0x8400];
	[tilespmem:$0x82E0] =	vst v38;
	v46 =	vsub.f32 v3, v4  }
0x19c: {  	v31 =	vld [tilespmem:$0x8410];
	[tilespmem:$0x82F0] =	vst v2  }
0x19d: {  	v33 =	vld [tilespmem:$0x8420];
	v56 =	vsub.f32 v13, v14;
	[tilespmem:$0x8330] =	vst v46  }
0x19e: {  	v58 =	vsub.f32 v15, v16;
	[tilespmem:$0x1FFD0] =	vst v62;
	v62 =	vld [tilespmem:$0x8B10]  }
0x19f: {  	v35 =	vld [tilespmem:$0x8430];
	v60 =	vsub.f32 v17, v18;
	[tilespmem:$0x8380] =	vst v56  }
0x1a0: {  	v37 =	vld [tilespmem:$0x84A0];
	v21 =	vsub.f32 v21, v22;
	[tilespmem:$0x8390] =	vst v58  }
0x1a1: {  	v40 =	vld [tilespmem:$0x1FFB0];
	[tilespmem:$0x83A0] =	vst v60  }
0x1a2: {  	v23 =	vsub.f32 v23, v24;
	[tilespmem:$0x83C0] =	vst v21;
	v41 =	vld [tilespmem:$0x1FFC0]  }
0x1a3: {  	v25 =	vsub.f32 v25, v26;
	[tilespmem:$0x1FFE0] =	vst v62;
	v62 =	vld [tilespmem:$0x8320]  }
0x1a4: {  	[tilespmem:$0x83D0] =	vst v23;
	v36 =	vsub.f32 v27, v28;
	v42 =	vld [tilespmem:$0x1FFD0]  }
0x1a5: {  	[tilespmem:$0x83E0] =	vst v25;
	v38 =	vsub.f32 v29, v30;
	v43 =	vld [tilespmem:$0x1FFE0]  }
0x1a6: {  	v63 =	vld [tilespmem:$0x8480];
	[tilespmem:$0x83F0] =	vst v36  }
0x1a7: {  	v22 =	vld [tilespmem:$0x8C80];
	[tilespmem:$0x8400] =	vst v38;
	v0 =	vsub.f32 v40, v41  }
0x1a8: {  	v40 =	vsub.f32 v31, v32;
	[tilespmem:$0x1FFF0] =	vst v62;
	v62 =	vsub.f32 v6, v7;
	v6 =	vld [tilespmem:$0x8B40]  }
0x1a9: {  	[tilespmem:$0x8300] =	vst v0;
	v7 =	vld [tilespmem:$0x8350]  }
0x1aa: {  	[tilespmem:$0x8410] =	vst v40;
	v2 =	vsub.f32 v42, v43;
	v44 =	vld [tilespmem:$0x1FFF0]  }
0x1ab: {  	v24 =	vld [tilespmem:$0x8490];
	v42 =	vsub.f32 v33, v34;
	[tilespmem:$0x8130] =	vst v62  }
0x1ac: {  	v26 =	vld [tilespmem:$0x8C90];
	v62 =	vsub.f32 v10, v11;
	[tilespmem:$0x8310] =	vst v2  }
0x1ad: {  	v39 =	vld [tilespmem:$0x8CA0];
	[tilespmem:$0x8420] =	vst v42;
	v48 =	vsub.f32 v5, v6  }
0x1ae: {  	v46 =	vld [tilespmem:$0x8CC0];
	[tilespmem:$0x8150] =	vst v62;
	v50 =	vsub.f32 v7, v8  }
0x1af: {  	v56 =	vld [tilespmem:$0x84F0];
	v0 =	vsub.f32 v44, v1;
	[tilespmem:$0x8340] =	vst v48  }
0x1b0: {  	v58 =	vld [tilespmem:$0x8CF0];
	v1 =	vsub.f32 v35, v45;
	[tilespmem:$0x8350] =	vst v50  }
0x1b1: {  	v41 =	vld [tilespmem:$0x84B0];
	v45 =	vsub.f32 v47, v49;
	[tilespmem:$0x8320] =	vst v0  }
0x1b2: {  	v10 =	vld [tilespmem:$0x8B60];
	v47 =	vsub.f32 v51, v53;
	[tilespmem:$0x8430] =	vst v1  }
0x1b3: {  	v11 =	vld [tilespmem:$0x8370];
	v49 =	vsub.f32 v55, v57;
	[tilespmem:$0x8440] =	vst v45  }
0x1b4: {  	v43 =	vld [tilespmem:$0x8CB0];
	v51 =	vsub.f32 v59, v61;
	[tilespmem:$0x8450] =	vst v47  }
0x1b5: {  	v62 =	vld [tilespmem:$0x8BB0];
	v53 =	vsub.f32 v63, v22;
	[tilespmem:$0x8460] =	vst v49  }
0x1b6: {  	v44 =	vld [tilespmem:$0x84C0];
	v55 =	vsub.f32 v24, v26;
	[tilespmem:$0x8470] =	vst v51  }
0x1b7: {  	v52 =	vsub.f32 v9, v10;
	v48 =	vld [tilespmem:$0x84D0];
	[tilespmem:$0x8480] =	vst v53  }
0x1b8: {  	v54 =	vsub.f32 v11, v12;
	v50 =	vld [tilespmem:$0x8CD0];
	[tilespmem:$0x8490] =	vst v55  }
0x1b9: {  	v57 =	vsub.f32 v37, v39;
	[tilespmem:$0x8360] =	vst v52;
	v52 =	vld [tilespmem:$0x84E0]  }
0x1ba: {  	v59 =	vsub.f32 v41, v43;
	[tilespmem:$0x8370] =	vst v54;
	v54 =	vld [tilespmem:$0x8CE0]  }
0x1bb: {  	v63 =	vsub.f32 v56, v58;
	[tilespmem:$0x84A0] =	vst v57  }
0x1bc: {  	[tilespmem:$0x84B0] =	vst v59;
	v62 =	vsub.f32 v19, v62  }
0x1bd: {  	[tilespmem:$0x84F0] =	vst v63;
	v60 =	vsub.f32 v44, v46  }
0x1be: {  	[tilespmem:$0x83B0] =	vst v62;
	v61 =	vsub.f32 v48, v50  }
0x1bf: {  	[tilespmem:$0x84C0] =	vst v60;
	v62 =	vsub.f32 v52, v54  }
0x1c0: {  	[tilespmem:$0x84D0] =	vst v61  }
0x1c1: {  	[tilespmem:$0x84E0] =	vst v62  }
0x1c2: {  	_ =	swait.ge [sflag:s23], $0x2000  }
0x1c3: {  	[sflag:s23] =	ssyncset.done $0x0  }
0x1c4: {  	[sflag:s23] =	ssyncadd.s32 $0xFFFFE000  }
0x1c5: {  	_ =	swait.ge [sflag:s8], $0x2000  }
0x1c6: {  	p0 =	sgt.u32 s18, $0x9D;
	[sflag:s8] =	ssyncset.done $0x0  }
0x1c7: {  	s21 =	simm.s32 @!p0 $0x0;
	[sflag:s8] =	ssyncadd.s32 $0xFFFFE000  }
0x1c8: {  	[tilespmem:s21], [sflag:$0x1] =	stream.linear.gather @!p0 [hbm4b:s6+s21], $0x40, $0x38;
	[tilespmem:$0x1F090] =	vst v63  }
0x1c9: {  	s31 =	simm.s32 @!p0 $0x80  }
0x1ca: {  	[tilespmem:s31], [sflag:$0x3] =	stream.linear.gather @!p0 [hbm4b:s20+s21], $0x40, $0x38;
	[tilespmem:$0x1F090] =	vst v63  }
0x1cb: {  	s31 =	rddreg [dreg:$0x13]  }
0x1cc: {  	s21 =	sadd.s32 s5, s31  }
0x1cd: {  	s1 =	rddreg [dreg:$0x7];
	s21 =	sand.u32 $0x1FFFF800, s21  }
0x1ce: {  	s31 =	sadd.s32 s1, s21  }
0x1cf: {  	[hbm4b:s31+s4] =	stream.linear.scatter [tilespmem:s0], [sflag:$0xD], $0x2000, $0x38;
	[tilespmem:$0x1F090] =	vst v63  }
.Ltmp5:
0x1d0: {  	s1 =	rddreg [dreg:$0x8];
	(pc) =	sbr.rel .LBB2_5-.Ltmp5, $4  }
0x1d1: {  	s21 =	sadd.s32 s1, s21;
	s31 =	sand.u32 $0x1FFFFF00, s24  }
0x1d2: {  	[hbm4b:s21+s4] =	stream.linear.scatter [tilespmem:s22], [sflag:$0xF], $0x2000, $0x38;
	[tilespmem:$0x1F090] =	vst v63  }
0x1d3: {  	s21 =	sadd.s32 s7, s31  }
0x1d4: {  	[hbm4b:s21+s4] =	stream.linear.scatter [tilespmem:s16], [sflag:$0x11], $0x400, $0x38;
	[tilespmem:$0x1F090] =	vst v63  }
.LBB2_7:
0x1d5: {  	_ =	sfence.sel $0x180000  }
0x1d6: {  	[bflag:$0x0] =	sbarrier.arrive $0xFFFF  }
0x1d7: {  	_ =	strace $0x90000047  }
0x1d8: {  	s0 =	stileid.u32;
	[bflag:$0x2] =	sbarrier.arrive $0xFFFF  }
0x1d9: {  	p0 =	sne.s32 s0, $0x0;
	s0 =	rddreg [dreg:$0x6]  }
0x1da: {  	s0 =	sadd.s32 @!p0 $0x100000, s0  }
0x1db: {  	[sflag:s0] =	ssyncadd.tile.s32 @!p0 $0x1;
	_ =	shalt  }
.Lfunc_end2:
_tile_overlayer_lowered:
.L_overlay_start_2:
0x1dc: {  	(tag) =	ssettag $0x2  }
0x1dd: {  	s0 =	rddreg [dreg:$0x0];
	s2 =	stileid.u32  }
0x1de: {  	s1 =	rddreg [dreg:$0x1];
	p0 =	sne.s32 s2, $0x0  }
0x1df: {  	s3 =	rddreg [dreg:$0x2];
	[bflag:$0x3] =	sbarrier.arrive $0xFFFF;
	s2 =	simm.s32 @!p0 $0x1C13  }
0x1e0: {  	[timem:s3], [sflag:s2] =	dma.local @!p0 [hbm:s0], s1  }
0x1e1: {  	s0 =	simm.s32 @!p0 $0x13  }
0x1e2: {  	_ =	swait.ge @!p0 [sflag:s0], s1  }
0x1e3: {  	s1 =	ssub.s32 @!p0 $0x0, s1;
	[sflag:s0] =	ssyncset.done @!p0 $0x0  }
0x1e4: {  	[sflag:s0] =	ssyncadd.s32 @!p0 s1  }
0x1e5: {  	[bflag:$0x3] =	sbarrier.arrive $0xFFFF  }
0x1e6: {  	_ =	shalt  }

// kernel: kernel.9.cloned.1.call-start
scs
__scs_entry_jumppad:
0x0: {  	(pc) =	sbr.rel $0x88, $3  }
0x1: {  	(tag) =	ssettag $0x0;
	lr =	simm.s32 $0x1  }
0x2: {  	[smem:$0x3F91] =	sst lr;
	_ =	strace $0xD0000000  }
0x3: {  	_ = 	snop  }
0x4: {  	_ = 	snop  }
0x5: {  	_ = 	snop  }
0x6: {  	_ = 	snop  }
0x7: {  	_ = 	snop  }
__scs_overlays_trampoline_lowered:
0x8: {  	[smem:$0x3FA0] =	sst s0  }
0x9: {  	[smem:$0x3FA1] =	sst s1  }
0xa: {  	[smem:$0x3FA2] =	sst s2  }
0xb: {  	[smem:$0x3FA3] =	sst s3  }
0xc: {  	[smem:$0x3FA4] =	sst s4  }
0xd: {  	[smem:$0x3FA5] =	sst s5  }
0xe: {  	[smem:$0x3FA6] =	sst s6  }
0xf: {  	[smem:$0x3FA7] =	sst s7  }
0x10: {  	[smem:$0x3FA8] =	sst s8  }
0x11: {  	[smem:$0x3FA9] =	sst s9;
	s0 =	simm.s32 @!p0 $0x0  }
0x12: {  	s1 =	sld [smem:$0x3F8F];
	s0 =	simm.s32 @p0 $0x1  }
0x13: {  	[smem:$0x3FAA] =	sst s0;
	s0 =	simm.s32 @!p1 $0x0  }
0x14: {  	s2 =	sld [smem:$0x3F8E];
	s0 =	simm.s32 @p1 $0x1  }
0x15: {  	[smem:$0x3FAB] =	sst s0;
	s0 =	simm.s32 @!p2 $0x0  }
0x16: {  	s3 =	sld [smem:$0x3FDB];
	s0 =	simm.s32 @p2 $0x1  }
0x17: {  	s4 =	simm.s32 $0x1BF5;
	[smem:$0x3FAD] =	sst s0  }
0x18: {  	s0 =	sld [smem:$0x3F90];
	_ =	swait.ge [sflag:s4], $0x0  }
0x19: {  	s7 =	sld [smem:$0x3F91]  }
0x1a: {  	s8 =	sadd.s32 $0xFFFFE003, lr  }
0x1b: {  	s9 =	sadd.s32 $0xFFFFFEF7, lr;
	s5 =	simm.s32 $0xFFFFFFFF;
	p2 =	slt.u32 s8, $0xFFFFF086  }
0x1c: {  	p1 =	slt.u32 s9, $0xF7A;
	s5 =	simm.s32 @!p2 $0x0  }
0x1d: {  	s5 =	simm.s32 @p1 $0x1;
	p0 =	seq.s32 s7, s2  }
0x1e: {  	s7 =	smul.u32 @!p0 $0xF7A, s2;
	p2 =	seq.s32 @!p0 s5, $0x0  }
0x1f: {  	s9 =	smul.u32 $0xF7A, s1;
	s8 =	simm.s32 @!p0 $0x1BF5;
	p2 =	por !p2, p0  }
0x20: {  	[sflag:s8] =	ssyncset.s32 @!p0 $0xFFFFF086;
	s6 =	sadd.s32 @!p0 s3, s7;
	s7 =	simm.s32 @!p0 $0x108  }
0x21: {  	s3 =	sadd.s32 s3, s9;
	s6 =	sadd.s32 @!p0 $0x88, s6;
	s7 =	simm.s32 @p2 $0x1082  }
0x22: {  	[simem:s7], [sflag:s8] =	dma.local @!p0 [hbm:s6], $0xF7A  }
0x23: {  	s9 =	sor.u32 $0xD0000000, s2;
	s6 =	simm.s32 $0x108;
	_ =	swait.ge @!p0 [sflag:s8], $0x0  }
0x24: {  	s3 =	sadd.s32 $0x88, s3;
	s6 =	simm.s32 @!p1 $0x1082;
	[sflag:s4] =	ssyncset.s32 $0xFFFFF086  }
0x25: {  	[simem:s6], [sflag:s4] =	dma.local [hbm:s3], $0xF7A  }
0x26: {  	[smem:$0x3F91] =	sst s1;
	(tag) =	ssettag s2;
	_ =	strace s9  }
0x27: {  	s1 =	sld [smem:$0x3FA1]  }
0x28: {  	s2 =	sld [smem:$0x3FA2]  }
0x29: {  	s4 =	sld [smem:$0x3FA4]  }
0x2a: {  	p0 =	seq.s32 s5, $0x0;
	s5 =	sld [smem:$0x3FA5]  }
0x2b: {  	s6 =	sld [smem:$0x3FA6]  }
0x2c: {  	s7 =	sld [smem:$0x3FA7]  }
0x2d: {  	s3 =	simm.s32 $0x108;
	s8 =	sld [smem:$0x3FA8]  }
0x2e: {  	s3 =	simm.s32 @!p0 $0x1082;
	s9 =	sld [smem:$0x3FA9]  }
0x2f: {  	lr =	sadd.s32 s0, s3;
	s0 =	sld [smem:$0x3FA0]  }
0x30: {  	s3 =	sld [smem:$0x3FA3]  }
0x31: {  	[smem:$0x3FAC] =	sst s10  }
0x32: {  	s10 =	sld [smem:$0x3FAA];
	_ =	sdelay $0x3  }
0x33: {  	p0 =	seq.s32 s10, $0x1;
	s10 =	sld [smem:$0x3FAC];
	_ =	sdelay $0x3  }
0x34: {  	[smem:$0x3FAC] =	sst s10  }
0x35: {  	s10 =	sld [smem:$0x3FAB];
	_ =	sdelay $0x3  }
0x36: {  	p1 =	seq.s32 s10, $0x1;
	s10 =	sld [smem:$0x3FAC];
	_ =	sdelay $0x3  }
0x37: {  	[smem:$0x3FAC] =	sst s10  }
0x38: {  	s10 =	sld [smem:$0x3FAD]  }
0x39: {  	_ = 	snop;
	(pc) =	sbr.ind lr, $3  }
0x3a: {  	_ = 	snop  }
0x3b: {  	_ = 	snop  }
0x3c: {  	p2 =	seq.s32 s10, $0x1;
	s10 =	sld [smem:$0x3FAC]  }
0x3d: {  	_ =	shalt  }
0x3e: {  	_ =	shalt  }
0x3f: {  	_ =	shalt  }
0x40: {  	_ =	shalt  }
0x41: {  	_ =	shalt  }
0x42: {  	_ =	shalt  }
0x43: {  	_ =	shalt  }
0x44: {  	_ =	shalt  }
0x45: {  	_ =	shalt  }
0x46: {  	_ =	shalt  }
0x47: {  	_ =	shalt  }
0x48: {  	_ =	shalt  }
0x49: {  	_ =	shalt  }
0x4a: {  	_ =	shalt  }
0x4b: {  	_ =	shalt  }
0x4c: {  	_ =	shalt  }
0x4d: {  	_ =	shalt  }
0x4e: {  	_ =	shalt  }
0x4f: {  	_ =	shalt  }
0x50: {  	_ =	shalt  }
0x51: {  	_ =	shalt  }
0x52: {  	_ =	shalt  }
0x53: {  	_ =	shalt  }
0x54: {  	_ =	shalt  }
0x55: {  	_ =	shalt  }
0x56: {  	_ =	shalt  }
0x57: {  	_ =	shalt  }
0x58: {  	_ =	shalt  }
0x59: {  	_ =	shalt  }
0x5a: {  	_ =	shalt  }
0x5b: {  	_ =	shalt  }
0x5c: {  	_ =	shalt  }
0x5d: {  	_ =	shalt  }
0x5e: {  	_ =	shalt  }
0x5f: {  	_ =	shalt  }
0x60: {  	_ =	shalt  }
0x61: {  	_ =	shalt  }
0x62: {  	_ =	shalt  }
0x63: {  	_ =	shalt  }
0x64: {  	_ =	shalt  }
0x65: {  	_ =	shalt  }
0x66: {  	_ =	shalt  }
0x67: {  	_ =	shalt  }
0x68: {  	_ =	shalt  }
0x69: {  	_ =	shalt  }
0x6a: {  	_ =	shalt  }
0x6b: {  	_ =	shalt  }
0x6c: {  	_ =	shalt  }
0x6d: {  	_ =	shalt  }
0x6e: {  	_ =	shalt  }
0x6f: {  	_ =	shalt  }
0x70: {  	_ =	shalt  }
0x71: {  	_ =	shalt  }
0x72: {  	_ =	shalt  }
0x73: {  	_ =	shalt  }
0x74: {  	_ =	shalt  }
0x75: {  	_ =	shalt  }
0x76: {  	_ =	shalt  }
0x77: {  	_ =	shalt  }
0x78: {  	_ =	shalt  }
0x79: {  	_ =	shalt  }
0x7a: {  	_ =	shalt  }
0x7b: {  	_ =	shalt  }
0x7c: {  	_ =	shalt  }
0x7d: {  	_ =	shalt  }
0x7e: {  	_ =	shalt  }
0x7f: {  	_ =	shalt  }
0x80: {  	_ =	shalt  }
0x81: {  	_ =	shalt  }
0x82: {  	_ =	shalt  }
0x83: {  	_ =	shalt  }
0x84: {  	_ =	shalt  }
0x85: {  	_ =	shalt  }
0x86: {  	_ =	shalt  }
0x87: {  	_ =	shalt  }
.Lfunc_end0:
.L_simem_size_0:
called_computation.1_lowered:
.L_overlay_start_0:
0x88: {  	s2 =	sld [smem:$0x3FD9]  }
0x89: {  	s3 =	sld [smem:$0x3FFE];
	_ =	sdelay $0x1  }
0x8a: {  	s1 =	srdreg.scid  }
0x8b: {  	s0 =	sand.u32 $0x1, s1  }
0x8c: {  	s14 =	sshll.u32 s0, $0xA;
	s2 =	sadd.s32 s3, s2  }
0x8d: {  	s2 =	sadd.s32 s2, s14  }
0x8e: {  	[smem:$0x3FB8] =	sst s2  }
0x8f: {  	_ = 	snop  }
0x90: {  	s2 =	sld [smem:$0x3FD0];
	_ =	sdelay $0x2  }
0x91: {  	s15 =	simm.s32 $0xA;
	s4 =	simm.s32 $0x10  }
0x92: {  	[smem:s4], [sflag:s15] =	dma.local [hbm:s2], $0x1  }
0x93: {  	_ =	swait.eq [sflag:s15], $0x1  }
0x94: {  	[sflag:s15] =	ssyncset.done $0x0  }
0x95: {  	[sflag:s15] =	ssyncadd.s32 $0xFFFFFFFF  }
0x96: {  	s16 =	sld [smem:$0x10];
	(tm) =	ssettm $0x1  }
0x97: {  	s17 =	sld [smem:$0x3FFB];
	_ =	sdelay $0x3  }
0x98: {  	_ =	strace s17  }
0x99: {  	s3 =	sld [smem:$0x3FFC];
	_ =	sdelay $0x3  }
0x9a: {  	_ =	strace s3  }
0x9b: {  	s3 =	sld [smem:$0x3FFD];
	_ =	sdelay $0x3  }
0x9c: {  	_ =	strace s3  }
0x9d: {  	_ =	strace $0x8FFFFFFF  }
0x9e: {  	s18 =	sld [smem:$0x3FDB];
	_ =	sdelay $0x1  }
0x9f: {  	s19 =	simm.s32 $_scs_section_size  }
0xa0: {  	s5 =	simm.s32 $_size__tile_overlayer_lowered;
	s6 =	simm.s32 $_tile_overlayer_lowered  }
0xa1: {  	s22 =	simm.s32 $0x1BFF;
	s21 =	sshll.u32 s6, $0x1;
	s3 =	sadd.s32 s19, s18  }
0xa2: {  	s7 =	simm.s32 $0x0;
	s20 =	sshll.u32 s5, $0x1;
	s5 =	sadd.s32 s21, s3  }
0xa3: {  	[timem:s7], [sflag:s22] =	dma.local [hbm:s5], s20  }
0xa4: {  	_ =	swait.ge [sflag:s22], s20  }
0xa5: {  	s4 =	ssub.s32 $0x0, s20;
	[sflag:s22] =	ssyncset.done $0x0  }
0xa6: {  	[sflag:s22] =	ssyncadd.s32 s4;
	_ =	sdelay $0x1  }
0xa7: {  	s23 =	simm.s32 $0x1B8B  }
0xa8: {  	_ =	swait.ge [sflag:s23], $0x1  }
0xa9: {  	[sflag:s23] =	ssyncset.done $0x0  }
0xaa: {  	s25 =	simm.s32 $0x1B8E;
	s24 =	sld [smem:$0x3FFE];
	[sflag:s23] =	ssyncadd.s32 $0xFFFFFFFF  }
0xab: {  	s26 =	simm.s32 $execute0_lowered;
	[smem:$0x3FD2] =	sst s25  }
0xac: {  	s5 =	sshll.u32 s26, $0x1;
	_ =	strace $0x80000049;
	[dreg:$0x1] =	wrdreg $0xFFFFFFFF  }
0xad: {  	s28 =	simm.s32 $_size_execute0_lowered;
	s3 =	sadd.s32 s3, s5;
	[dreg:$0x0] =	wrdreg $0x0  }
0xae: {  	s5 =	sshll.u32 s28, $0x1;
	[dreg:$0x2] =	wrdreg s3  }
0xaf: {  	[dreg:$0x3] =	wrdreg s5  }
0xb0: {  	[dreg:$0x4] =	wrdreg $0xC0  }
0xb1: {  	_ =	task [dreg:s7], $0x5FFFF  }
0xb2: {  	[dreg:$0x1] =	wrdreg $0xFFFFFFFF  }
0xb3: {  	[dreg:$0x0] =	wrdreg $0x60  }
0xb4: {  	[dreg:$0x2] =	wrdreg s24  }
0xb5: {  	[dreg:$0x3] =	wrdreg s16  }
0xb6: {  	[dreg:$0x4] =	wrdreg $0x91000  }
0xb7: {  	[dreg:$0x5] =	wrdreg $0x1CD000  }
0xb8: {  	[dreg:$0x6] =	wrdreg $0x9  }
0xb9: {  	_ =	task.clear_ibuf [dreg:s7], $0x7FFFF;
	_ =	strace $0x90000049  }
0xba: {  	s29 =	simm.s32 $0x9;
	_ =	strace $0x8000004B  }
0xbb: {  	_ =	swait.ge [sflag:s29], $0x1  }
0xbc: {  	[sflag:s29] =	ssyncadd.s32 $0xFFFFFFFF  }
0xbd: {  	_ =	strace $0x9000004B  }
0xbe: {  	_ =	sfence  }
0xbf: {  	s30 =	sld [smem:$0x0];
	_ =	sdelay $0x2  }
0xc0: {  	s31 =	sshll.u32 s1, $0xD;
	s1 =	sshrl.u32 s1, $0x2  }
0xc1: {  	s3 =	sand.u32 $0x4000, s31;
	s1 =	sadd.s32 s1, s30  }
0xc2: {  	s0 =	sor.u32 s3, s0;
	s1 =	sshll.u32 s1, $0x11  }
0xc3: {  	s0 =	sor.u32 s1, s0  }
0xc4: {  	s0 =	sadd.s32 $0x8F2B, s0  }
0xc5: {  	[sflag:s0] =	ssyncadd.remote.s32 $0x1  }
0xc6: {  	_ =	sfence.sel $0xFFFF  }
0xc7: {  	[dreg:$0x0] =	wrdreg $0xFFFFFFFF;
	(pc) =	sbr.abs _section_cstart, $3  }
0xc8: {  	[dreg:$0x1] =	wrdreg $0xFFFFFFFF  }
0xc9: {  	_ =	task.clear_ibuf [dreg:s7], $0x2FFFF;
	_ =	strace $0x9FFFFFFF  }
0xca: {  	(tm) =	ssettm $0x7FFFFFFF  }
0xcb: {  	_ =	shalt  }
tec
execute0_lowered:
.L_overlay_start_1:
0x0: {  	(tag) =	ssettag $0x1  }
0x1: {  	s0 =	rddreg [dreg:$0x0]  }
0x2: {  	s2 =	rddreg [dreg:$0x1]  }
0x3: {  	s1 =	rddreg [dreg:$0x2];
	s21 =	stileid.u32  }
0x4: {  	s3 =	rddreg [dreg:$0x3];
	s4 =	simm.s32 $0x0;
	s7 =	smul.u32 $0x13C00, s21  }
0x5: {  	s9 =	srdreg.scid;
	s31 =	simm.s32 $0x0;
	s11 =	smul.u32 $0x2780, s21  }
0x6: {  	[smem:$0x7FF] =	sst s4;
	s8 =	sadd.s32 $0x3800, s0;
	s23 =	smul.u32 $0xA000, s21  }
0x7: {  	s5 =	sadd.s32 $0x1E76800, s0;
	s13 =	sand.u32 $0x1, s9;
	s29 =	smul.u32 $0x5000, s21  }
0x8: {  	s6 =	sadd.s32 $0xD800, s0;
	s19 =	sshll.u32 s21, $0x1;
	s15 =	smul.u32 $0x27800, s13  }
0x9: {  	s25 =	sshll.u32 s21, $0x6;
	_ =	strace $0x8000004A;
	s26 =	smul.u32 $0x5000, s13  }
0xa: {  	s16 =	sor.u32 s13, s19;
	s20 =	ssub.s32 $0x2, s13;
	s28 =	smul.u32 $0x4F00, s13  }
0xb: {  	s9 =	sor.u32 $0x1C07, s25;
	s13 =	smul.u32 $0x2800, s13;
	s10 =	sshrl.u32 s7, $0x3  }
0xc: {  	s14 =	sshrl.u32 s11, $0x3;
	s18 =	smul.u32 $0x2800, s16;
	s22 =	sshrl.u32 s20, $0x1  }
0xd: {  	s19 =	smul.u32 $0x28000, s16;
	s7 =	sadd.s32 s7, s1;
	s11 =	sadd.s32 s11, s3  }
0xe: {  	s16 =	smul.u32 $0x5000, s16;
	s12 =	sadd.s32 s10, s0;
	s17 =	sadd.s32 s14, s0  }
0xf: {  	s0 =	sadd.s32 s15, s0;
	s15 =	ssub.s32 s20, s22;
	[dreg:$0x7] =	wrdreg s7  }
0x10: {  	[dreg:$0x9] =	wrdreg s11;
	s7 =	sadd.s32 s26, s23;
	s2 =	sadd.s32 s2, s28  }
0x11: {  	s24 =	sadd.s32 $0xAD800, s12;
	s20 =	sshrl.u32 s18, $0x3;
	s17 =	sadd.s32 $0xD5000, s17  }
0x12: {  	s22 =	sadd.s32 s5, s19;
	s23 =	sor.u32 $0x80, s18;
	[dreg:$0x8] =	wrdreg s24  }
0x13: {  	s12 =	sadd.s32 s13, s29;
	s16 =	sadd.s32 s6, s16;
	[dreg:$0xa] =	wrdreg s17  }
0x14: {  	s0 =	sadd.s32 $0xDA000, s0;
	s21 =	sadd.s32 s8, s20;
	[dreg:$0xc] =	wrdreg s22  }
0x15: {  	s24 =	sadd.s32 s6, s7;
	s25 =	sshrl.u32 s23, $0x3;
	s12 =	sor.u32 $0x100, s12  }
0x16: {  	s28 =	sshll.u32 s23, $0x4;
	s29 =	sshll.u32 s23, $0x1;
	[dreg:$0xe] =	wrdreg s16  }
0x17: {  	s7 =	sor.u32 $0x200, s7;
	s20 =	smax.u32 s15, $0x1;
	s22 =	sadd.s32 s10, s0  }
0x18: {  	s23 =	simm.s32 $0x7;
	[dreg:$0xb] =	wrdreg s21;
	s11 =	sadd.s32 $0x200, s24  }
0x19: {  	s13 =	sadd.s32 s8, s25;
	s26 =	sshrl.u32 s12, $0x3;
	[dreg:$0x6] =	wrdreg s7  }
0x1a: {  	s18 =	sadd.s32 s6, s29;
	s19 =	sshll.u32 s12, $0x4;
	[dreg:$0xd] =	wrdreg s13  }
0x1b: {  	[dreg:$0x5] =	wrdreg s11;
	s11 =	sadd.s32 s26, s8;
	s8 =	sadd.s32 s5, s28  }
0x1c: {  	s24 =	sadd.s32 s14, s2;
	s30 =	sadd.s32 s19, s5;
	[dreg:$0xf] =	wrdreg s8  }
.LBB2_1:
0x1d: {  	s0 =	rddreg [dreg:$0x7]  }
0x1e: {  	s2 =	rddreg [dreg:$0x8];
	s0 =	sshrl.u32 s0, $0x3  }
0x1f: {  	[spmem:s0], [sflag:s9] =	dma.local [hbm:s2], $0x2780  }
0x20: {  	_ =	swait.ge [sflag:s23], $0x2780  }
0x21: {  	[sflag:s23] =	ssyncset.done $0x0;
	s8 =	rddreg [dreg:$0x9]  }
0x22: {  	s7 =	rddreg [dreg:$0xa];
	[sflag:s23] =	ssyncadd.s32 $0xFFFFD880;
	s2 =	sshrl.u32 s8, $0x3  }
0x23: {  	[spmem:s2], [sflag:s9] =	dma.local [hbm:s7], $0x4F0  }
0x24: {  	_ =	swait.ge [sflag:s23], $0x4F0  }
0x25: {  	[sflag:s23] =	ssyncset.done $0x0  }
0x26: {  	[sflag:s23] =	ssyncadd.s32 $0xFFFFFB10  }
0x27: {  	[bflag:$0x0] =	sbarrier.arrive $0xFFFF  }
0x28: {  	s10 =	rddreg [dreg:$0xb]  }
0x29: {  	[tilespmem:s4], [sflag:$0x1] =	stream.linear.gather [hbm4b:s10+s4], $0x80, $0x38;
	[tilespmem:$0x1F480] =	vst v63  }
0x2a: {  	s8 =	simm.s32 $0x100;
	s12 =	rddreg [dreg:$0xc]  }
0x2b: {  	[tilespmem:s8], [sflag:$0x3] =	stream.linear.gather [hbm4b:s12+s4], $0x4000, $0x38;
	[tilespmem:$0x1F480] =	vst v63  }
0x2c: {  	s14 =	simm.s32 $0x8100;
	s13 =	rddreg [dreg:$0xe]  }
0x2d: {  	[tilespmem:s14], [sflag:$0x5] =	stream.linear.gather [hbm4b:s13+s4], $0x800, $0x38;
	[tilespmem:$0x1F480] =	vst v63  }
0x2e: {  	s16 =	simm.s32 $0x80;
	s26 =	sand.u32 $0x1, s4;
	s15 =	rddreg [dreg:$0xd]  }
0x2f: {  	[tilespmem:s16], [sflag:$0x2] =	stream.linear.gather [hbm4b:s15+s4], $0x80, $0x38;
	[tilespmem:$0x1F480] =	vst v63  }
0x30: {  	s21 =	simm.s32 $0x4100;
	p0 =	seq.s32 s26, $0x1;
	s17 =	rddreg [dreg:$0xf]  }
0x31: {  	[tilespmem:s21], [sflag:$0x4] =	stream.linear.gather [hbm4b:s17+s4], $0x4000, $0x38;
	[tilespmem:$0x1F480] =	vst v63  }
0x32: {  	s25 =	simm.s32 $0x8900;
	s7 =	simm.s32 @p0 $0x2  }
0x33: {  	[tilespmem:s25], [sflag:$0x6] =	stream.linear.gather [hbm4b:s18+s4], $0x800, $0x38;
	[tilespmem:$0x1F480] =	vst v63  }
0x34: {  	_ =	swait.ge @p0 [sflag:s7], $0x80  }
0x35: {  	[sflag:s7] =	ssyncset.done @p0 $0x0  }
0x36: {  	[sflag:s7] =	ssyncadd.s32 @p0 $0xFFFFFF80;
	s7 =	simm.s32 @p0 $0x4  }
0x37: {  	_ =	swait.ge @p0 [sflag:s7], $0x4000  }
0x38: {  	[sflag:s7] =	ssyncset.done @p0 $0x0  }
0x39: {  	s8 =	simm.s32 @p0 $0x6;
	[sflag:s7] =	ssyncadd.s32 @p0 $0xFFFFC000  }
0x3a: {  	_ =	swait.ge @p0 [sflag:s8], $0x800  }
0x3b: {  	s10 =	simm.s32 @p0 $0x80;
	[sflag:s8] =	ssyncset.done @p0 $0x0  }
0x3c: {  	s12 =	simm.s32 @p0 $0x4100;
	s7 =	simm.s32 @p0 $0x7;
	[sflag:s8] =	ssyncadd.s32 @p0 $0xFFFFF800  }
0x3d: {  	[spmem:s1] =	stream.indirect.scatter.add.f32 @p0 [tilespmem:s12], [sflag:$0x7], $0x80, s10, s10, $0xb8;
	[tilespmem:$0x1F480] =	vst v63  }
0x3e: {  	_ =	swait.ge @p0 [sflag:s7], $0x4000  }
0x3f: {  	[sflag:s7] =	ssyncset.done @p0 $0x0  }
0x40: {  	s8 =	simm.s32 @p0 $0x8900;
	[sflag:s7] =	ssyncadd.s32 @p0 $0xFFFFC000  }
0x41: {  	[spmem:s3] =	stream.indirect.scatter.add.f32 @p0 [tilespmem:s8], [sflag:$0x7], $0x10, s10, s10, $0xb8;
	[tilespmem:$0x1F480] =	vst v63  }
0x42: {  	p1 =	por @p0 $0x0, $0x0;
	_ =	swait.ge @p0 [sflag:s7], $0x800  }
0x43: {  	p1 =	por p1, !p0;
	[sflag:s7] =	ssyncset.done @p0 $0x0  }
0x44: {  	s8 =	simm.s32 @!p1 $0x0;
	[sflag:s7] =	ssyncadd.s32 @p0 $0xFFFFF800;
	s7 =	simm.s32 @!p1 $0x80  }
0x45: {  	[tilespmem:s7], [sflag:$0x2] =	stream.linear.gather @!p1 [hbm4b:s11+s8], $0x80, $0x38;
	[tilespmem:$0x1F480] =	vst v63  }
0x46: {  	s10 =	rddreg [dreg:$0x5];
	s7 =	simm.s32 @!p1 $0x4100  }
0x47: {  	[tilespmem:s7], [sflag:$0x4] =	stream.linear.gather @!p1 [hbm4b:s30+s8], $0x4000, $0x38;
	[tilespmem:$0x1F480] =	vst v63  }
0x48: {  	s12 =	simm.s32 @!p0 $0x1;
	s7 =	sadd.s32 @!p1 $0x0, s10;
	s10 =	simm.s32 @!p1 $0x8900  }
0x49: {  	[tilespmem:s10], [sflag:$0x6] =	stream.linear.gather @!p1 [hbm4b:s7+s8], $0x800, $0x38;
	[tilespmem:$0x1F480] =	vst v63  }
0x4a: {  	_ =	swait.ge @!p0 [sflag:s12], $0x80  }
0x4b: {  	[sflag:s12] =	ssyncset.done @!p0 $0x0  }
0x4c: {  	s7 =	simm.s32 @!p0 $0x3;
	[sflag:s12] =	ssyncadd.s32 @!p0 $0xFFFFFF80  }
0x4d: {  	_ =	swait.ge @!p0 [sflag:s7], $0x4000  }
0x4e: {  	[sflag:s7] =	ssyncset.done @!p0 $0x0  }
0x4f: {  	s8 =	simm.s32 @!p0 $0x5;
	[sflag:s7] =	ssyncadd.s32 @!p0 $0xFFFFC000  }
0x50: {  	s29 =	simm.s32 $0x1;
	s28 =	sadd.s32 $0x10, s11;
	_ =	swait.ge @!p0 [sflag:s8], $0x800  }
0x51: {  	s13 =	simm.s32 @!p0 $0x0;
	s10 =	simm.s32 @!p0 $0x80;
	[sflag:s8] =	ssyncset.done @!p0 $0x0  }
0x52: {  	s12 =	simm.s32 @!p0 $0x7;
	s7 =	simm.s32 @!p0 $0x100;
	[sflag:s8] =	ssyncadd.s32 @!p0 $0xFFFFF800  }
0x53: {  	[spmem:s1] =	stream.indirect.scatter.add.f32 @!p0 [tilespmem:s7], [sflag:$0x7], $0x80, s13, s10, $0xb8;
	[tilespmem:$0x1F480] =	vst v63  }
0x54: {  	s26 =	sadd.s32 $0x800, s19;
	s15 =	smov.u32 s11;
	_ =	swait.ge @!p0 [sflag:s12], $0x4000  }
0x55: {  	s21 =	smov.u32 s30;
	p1 =	por @!p0 $0x0, $0x0;
	[sflag:s12] =	ssyncset.done @!p0 $0x0  }
0x56: {  	p3 =	por p1, p0;
	s8 =	simm.s32 @!p0 $0x8100;
	[sflag:s12] =	ssyncadd.s32 @!p0 $0xFFFFC000  }
0x57: {  	[spmem:s3] =	stream.indirect.scatter.add.f32 @!p0 [tilespmem:s8], [sflag:$0x7], $0x10, s13, s10, $0xb8;
	[tilespmem:$0x1F480] =	vst v63  }
0x58: {  	s25 =	simm.s32 $0x100;
	s7 =	simm.s32 $0x200;
	s8 =	sand.u32 @!p3 $0x1FFFF000, s19  }
0x59: {  	s13 =	simm.s32 @!p3 $0x0;
	_ =	swait.ge @!p0 [sflag:s12], $0x800;
	s14 =	sadd.s32 @!p3 s5, s8  }
0x5a: {  	s8 =	simm.s32 $0x0;
	[sflag:s12] =	ssyncset.done @!p0 $0x0;
	s16 =	rddreg [dreg:$0x6]  }
.LBB2_2:
0x5b: {  	[sflag:s12] =	ssyncadd.s32 @!p0 $0xFFFFF800;
	s17 =	sand.u32 $0x1, s29;
	s8 =	sadd.s32 @!p3 s8, s16  }
0x5c: {  	[tilespmem:s13], [sflag:$0x1] =	stream.linear.gather @!p3 [hbm4b:s15+s13], $0x80, $0x38;
	[tilespmem:$0x1F480] =	vst v63  }
0x5d: {  	p0 =	seq.s32 s17, $0x1;
	s15 =	simm.s32 @!p3 $0x100;
	s8 =	sand.u32 @!p3 $0x1FFFFE00, s8  }
0x5e: {  	[tilespmem:s15], [sflag:$0x3] =	stream.linear.gather @!p3 [hbm4b:s14+s13], $0x4000, $0x38;
	[tilespmem:$0x1F480] =	vst v63  }
0x5f: {  	s16 =	simm.s32 @!p3 $0x8100;
	s8 =	sadd.s32 @!p3 s6, s8;
	s14 =	simm.s32 @p0 $0x2  }
0x60: {  	[tilespmem:s16], [sflag:$0x5] =	stream.linear.gather @!p3 [hbm4b:s8+s13], $0x800, $0x38;
	[tilespmem:$0x1F480] =	vst v63  }
0x61: {  	_ =	swait.ge @p0 [sflag:s14], $0x80  }
0x62: {  	s12 =	smov.u32 s7;
	s8 =	smov.u32 s25;
	[sflag:s14] =	ssyncset.done @p0 $0x0  }
0x63: {  	s25 =	smov.u32 s12;
	s12 =	simm.s32 @p0 $0x4;
	[sflag:s14] =	ssyncadd.s32 @p0 $0xFFFFFF80  }
0x64: {  	_ =	swait.ge @p0 [sflag:s12], $0x4000  }
0x65: {  	[sflag:s12] =	ssyncset.done @p0 $0x0  }
0x66: {  	s13 =	simm.s32 @p0 $0x6;
	[sflag:s12] =	ssyncadd.s32 @p0 $0xFFFFC000  }
0x67: {  	_ =	swait.ge @p0 [sflag:s13], $0x800  }
0x68: {  	s17 =	simm.s32 @p0 $0x4100;
	[sflag:s13] =	ssyncset.done @p0 $0x0  }
0x69: {  	s16 =	simm.s32 @p0 $0x80;
	s14 =	simm.s32 @p0 $0x7;
	[sflag:s13] =	ssyncadd.s32 @p0 $0xFFFFF800  }
0x6a: {  	[spmem:s1] =	stream.indirect.scatter.add.f32 @p0 [tilespmem:s17], [sflag:$0x7], $0x80, s16, s16, $0xb8;
	[tilespmem:$0x1F480] =	vst v63  }
0x6b: {  	_ =	swait.ge @p0 [sflag:s14], $0x4000  }
0x6c: {  	[sflag:s14] =	ssyncset.done @p0 $0x0  }
0x6d: {  	s12 =	simm.s32 @p0 $0x8900;
	[sflag:s14] =	ssyncadd.s32 @p0 $0xFFFFC000  }
0x6e: {  	[spmem:s3] =	stream.indirect.scatter.add.f32 @p0 [tilespmem:s12], [sflag:$0x7], $0x10, s16, s16, $0xb8;
	[tilespmem:$0x1F480] =	vst v63  }
0x6f: {  	p3 =	sgt.u32 @p0 s29, $0x4D;
	_ =	swait.ge @p0 [sflag:s14], $0x800  }
0x70: {  	p3 =	por p3, !p0;
	[sflag:s14] =	ssyncset.done @p0 $0x0  }
0x71: {  	s12 =	simm.s32 @!p3 $0x0;
	[sflag:s14] =	ssyncadd.s32 @p0 $0xFFFFF800;
	s14 =	simm.s32 @!p3 $0x80  }
0x72: {  	[tilespmem:s14], [sflag:$0x2] =	stream.linear.gather @!p3 [hbm4b:s28+s12], $0x80, $0x38;
	[tilespmem:$0x1F480] =	vst v63  }
0x73: {  	s21 =	sadd.s32 $0x800, s21;
	s13 =	rddreg [dreg:$0x5];
	s14 =	simm.s32 @!p3 $0x4100  }
0x74: {  	[tilespmem:s14], [sflag:$0x4] =	stream.linear.gather @!p3 [hbm4b:s21+s12], $0x4000, $0x38;
	[tilespmem:$0x1F480] =	vst v63  }
0x75: {  	s16 =	simm.s32 @!p0 $0x1;
	s13 =	sadd.s32 @!p3 s8, s13;
	s14 =	simm.s32 @!p3 $0x8900  }
0x76: {  	[tilespmem:s14], [sflag:$0x6] =	stream.linear.gather @!p3 [hbm4b:s13+s12], $0x800, $0x38;
	[tilespmem:$0x1F480] =	vst v63  }
0x77: {  	_ =	swait.ge @!p0 [sflag:s16], $0x80  }
0x78: {  	[sflag:s16] =	ssyncset.done @!p0 $0x0  }
0x79: {  	s13 =	simm.s32 @!p0 $0x3;
	[sflag:s16] =	ssyncadd.s32 @!p0 $0xFFFFFF80  }
0x7a: {  	_ =	swait.ge @!p0 [sflag:s13], $0x4000  }
0x7b: {  	s7 =	sadd.s32 $0x100, s7;
	s10 =	smov.u32 s26;
	[sflag:s13] =	ssyncset.done @!p0 $0x0  }
0x7c: {  	s26 =	sadd.s32 $0x800, s26;
	s14 =	simm.s32 @!p0 $0x5;
	[sflag:s13] =	ssyncadd.s32 @!p0 $0xFFFFC000  }
0x7d: {  	p1 =	sne.s32 s7, $0x5000;
	p2 =	sgt.u32 @!p0 s29, $0x4D;
	_ =	swait.ge @!p0 [sflag:s14], $0x800  }
0x7e: {  	s17 =	simm.s32 @!p0 $0x0;
	s12 =	simm.s32 @!p0 $0x7;
	[sflag:s14] =	ssyncset.done @!p0 $0x0  }
0x7f: {  	s16 =	simm.s32 @!p0 $0x100;
	s13 =	simm.s32 @!p0 $0x80;
	[sflag:s14] =	ssyncadd.s32 @!p0 $0xFFFFF800  }
0x80: {  	[spmem:s1] =	stream.indirect.scatter.add.f32 @!p0 [tilespmem:s16], [sflag:$0x7], $0x80, s17, s13, $0xb8;
	[tilespmem:$0x1F480] =	vst v63  }
0x81: {  	s15 =	smov.u32 s28;
	s29 =	sadd.s32 $0x1, s29;
	_ =	swait.ge @!p0 [sflag:s12], $0x4000  }
.Ltmp0:
0x82: {  	s28 =	sadd.s32 $0x10, s28;
	[sflag:s12] =	ssyncset.done @!p0 $0x0;
	(pc) =	sbr.rel @p1 .LBB2_2-.Ltmp0, $4  }
0x83: {  	p3 =	por p2, p0;
	s14 =	simm.s32 @!p0 $0x8100;
	[sflag:s12] =	ssyncadd.s32 @!p0 $0xFFFFC000  }
0x84: {  	[spmem:s3] =	stream.indirect.scatter.add.f32 @!p0 [tilespmem:s14], [sflag:$0x7], $0x10, s17, s13, $0xb8;
	[tilespmem:$0x1F480] =	vst v63  }
0x85: {  	s10 =	sand.u32 @!p3 $0x1FFFF000, s10;
	s13 =	simm.s32 @!p3 $0x0;
	_ =	swait.ge @!p0 [sflag:s12], $0x800  }
0x86: {  	s14 =	sadd.s32 @!p3 s5, s10;
	[sflag:s12] =	ssyncset.done @!p0 $0x0;
	s16 =	rddreg [dreg:$0x6]  }
0x87: {  	[sflag:s12] =	ssyncadd.s32 @!p0 $0xFFFFF800;
	s7 =	sand.u32 $0x1, s29;
	s8 =	sadd.s32 @!p3 s8, s16  }
0x88: {  	[tilespmem:s13], [sflag:$0x1] =	stream.linear.gather @!p3 [hbm4b:s15+s13], $0x80, $0x38;
	[tilespmem:$0x1F480] =	vst v63  }
0x89: {  	p0 =	seq.s32 s7, $0x1;
	s7 =	simm.s32 @!p3 $0x100;
	s8 =	sand.u32 @!p3 $0x1FFFFE00, s8  }
0x8a: {  	[tilespmem:s7], [sflag:$0x3] =	stream.linear.gather @!p3 [hbm4b:s14+s13], $0x4000, $0x38;
	[tilespmem:$0x1F480] =	vst v63  }
0x8b: {  	s10 =	simm.s32 @p0 $0x2;
	s8 =	sadd.s32 @!p3 s6, s8;
	s7 =	simm.s32 @!p3 $0x8100  }
0x8c: {  	[tilespmem:s7], [sflag:$0x5] =	stream.linear.gather @!p3 [hbm4b:s8+s13], $0x800, $0x38;
	[tilespmem:$0x1F480] =	vst v63  }
0x8d: {  	_ =	swait.ge @p0 [sflag:s10], $0x80  }
0x8e: {  	[sflag:s10] =	ssyncset.done @p0 $0x0  }
0x8f: {  	s7 =	simm.s32 @p0 $0x4;
	[sflag:s10] =	ssyncadd.s32 @p0 $0xFFFFFF80  }
0x90: {  	_ =	swait.ge @p0 [sflag:s7], $0x4000  }
0x91: {  	[sflag:s7] =	ssyncset.done @p0 $0x0  }
0x92: {  	s8 =	simm.s32 @p0 $0x6;
	[sflag:s7] =	ssyncadd.s32 @p0 $0xFFFFC000  }
0x93: {  	_ =	swait.ge @p0 [sflag:s8], $0x800  }
0x94: {  	s12 =	simm.s32 @p0 $0x4100;
	[sflag:s8] =	ssyncset.done @p0 $0x0  }
0x95: {  	s10 =	simm.s32 @p0 $0x80;
	s7 =	simm.s32 @p0 $0x7;
	[sflag:s8] =	ssyncadd.s32 @p0 $0xFFFFF800  }
0x96: {  	[spmem:s1] =	stream.indirect.scatter.add.f32 @p0 [tilespmem:s12], [sflag:$0x7], $0x80, s10, s10, $0xb8;
	[tilespmem:$0x1F480] =	vst v63  }
0x97: {  	_ =	swait.ge @p0 [sflag:s7], $0x4000  }
0x98: {  	[sflag:s7] =	ssyncset.done @p0 $0x0  }
0x99: {  	s8 =	simm.s32 @p0 $0x8900;
	[sflag:s7] =	ssyncadd.s32 @p0 $0xFFFFC000  }
0x9a: {  	[spmem:s3] =	stream.indirect.scatter.add.f32 @p0 [tilespmem:s8], [sflag:$0x7], $0x10, s10, s10, $0xb8;
	[tilespmem:$0x1F480] =	vst v63  }
0x9b: {  	p1 =	sgt.u32 @p0 s29, $0x4D;
	_ =	swait.ge @p0 [sflag:s7], $0x800  }
0x9c: {  	p1 =	por p1, !p0;
	[sflag:s7] =	ssyncset.done @p0 $0x0  }
0x9d: {  	s8 =	simm.s32 @!p1 $0x0;
	[sflag:s7] =	ssyncadd.s32 @p0 $0xFFFFF800;
	s7 =	simm.s32 @!p1 $0x80  }
0x9e: {  	[tilespmem:s7], [sflag:$0x2] =	stream.linear.gather @!p1 [hbm4b:s28+s8], $0x80, $0x38;
	[tilespmem:$0x1F480] =	vst v63  }
0x9f: {  	s12 =	simm.s32 @!p1 $0x4100;
	s10 =	rddreg [dreg:$0x5];
	s7 =	sadd.s32 $0x800, s21  }
0xa0: {  	[tilespmem:s12], [sflag:$0x4] =	stream.linear.gather @!p1 [hbm4b:s7+s8], $0x4000, $0x38;
	[tilespmem:$0x1F480] =	vst v63  }
0xa1: {  	s7 =	sadd.s32 @!p1 s25, s10;
	s10 =	simm.s32 @!p1 $0x8900;
	s12 =	simm.s32 @!p0 $0x1  }
0xa2: {  	[tilespmem:s10], [sflag:$0x6] =	stream.linear.gather @!p1 [hbm4b:s7+s8], $0x800, $0x38;
	[tilespmem:$0x1F480] =	vst v63  }
0xa3: {  	_ =	swait.ge @!p0 [sflag:s12], $0x80  }
0xa4: {  	[sflag:s12] =	ssyncset.done @!p0 $0x0  }
0xa5: {  	s7 =	simm.s32 @!p0 $0x3;
	[sflag:s12] =	ssyncadd.s32 @!p0 $0xFFFFFF80  }
0xa6: {  	_ =	swait.ge @!p0 [sflag:s7], $0x4000  }
0xa7: {  	[sflag:s7] =	ssyncset.done @!p0 $0x0  }
0xa8: {  	s8 =	simm.s32 @!p0 $0x5;
	[sflag:s7] =	ssyncadd.s32 @!p0 $0xFFFFC000  }
0xa9: {  	_ =	swait.ge @!p0 [sflag:s8], $0x800  }
0xaa: {  	s13 =	simm.s32 @!p0 $0x0;
	s10 =	simm.s32 @!p0 $0x7;
	[sflag:s8] =	ssyncset.done @!p0 $0x0  }
0xab: {  	s12 =	simm.s32 @!p0 $0x80;
	s7 =	simm.s32 @!p0 $0x100;
	[sflag:s8] =	ssyncadd.s32 @!p0 $0xFFFFF800  }
0xac: {  	[spmem:s1] =	stream.indirect.scatter.add.f32 @!p0 [tilespmem:s7], [sflag:$0x7], $0x80, s13, s12, $0xb8;
	[tilespmem:$0x1F480] =	vst v63  }
0xad: {  	_ =	swait.ge @!p0 [sflag:s10], $0x4000  }
0xae: {  	[sflag:s10] =	ssyncset.done @!p0 $0x0  }
0xaf: {  	p1 =	sgt.u32 @!p0 s29, $0x4D;
	s7 =	simm.s32 @!p0 $0x8100;
	[sflag:s10] =	ssyncadd.s32 @!p0 $0xFFFFC000  }
0xb0: {  	[spmem:s3] =	stream.indirect.scatter.add.f32 @!p0 [tilespmem:s7], [sflag:$0x7], $0x10, s13, s12, $0xb8;
	[tilespmem:$0x1F480] =	vst v63  }
0xb1: {  	p1 =	por p1, p0;
	_ =	swait.ge @!p0 [sflag:s10], $0x800  }
0xb2: {  	s8 =	simm.s32 @!p1 $0x0;
	[sflag:s10] =	ssyncset.done @!p0 $0x0;
	s7 =	rddreg [dreg:$0x6]  }
0xb3: {  	[sflag:s10] =	ssyncadd.s32 @!p0 $0xFFFFF800;
	s10 =	sand.u32 @!p1 $0x1FFFF000, s26;
	s7 =	sadd.s32 @!p1 s25, s7  }
0xb4: {  	[tilespmem:s8], [sflag:$0x1] =	stream.linear.gather @!p1 [hbm4b:s28+s8], $0x80, $0x38;
	[tilespmem:$0x1F480] =	vst v63  }
0xb5: {  	s12 =	simm.s32 @!p1 $0x100;
	s10 =	sadd.s32 @!p1 s5, s10;
	s7 =	sand.u32 @!p1 $0x1FFFFE00, s7  }
0xb6: {  	[tilespmem:s12], [sflag:$0x3] =	stream.linear.gather @!p1 [hbm4b:s10+s8], $0x4000, $0x38;
	[tilespmem:$0x1F480] =	vst v63  }
0xb7: {  	s7 =	sadd.s32 @!p1 s6, s7;
	s10 =	simm.s32 @!p1 $0x8100  }
0xb8: {  	[tilespmem:s10], [sflag:$0x5] =	stream.linear.gather @!p1 [hbm4b:s7+s8], $0x800, $0x38;
	[tilespmem:$0x1F480] =	vst v63  }
0xb9: {  	[bflag:$0x0] =	sbarrier.arrive $0xFFFF  }
0xba: {  	[hbm:s22], [sflag:s9] =	dma.local [spmem:s0], $0x2780  }
0xbb: {  	s31 =	sadd.s32 $0x1, s31;
	_ =	swait.ge [sflag:s23], $0x2780  }
0xbc: {  	p0 =	sne.s32 s31, s20;
	[sflag:s23] =	ssyncset.done $0x0  }
.Ltmp1:
0xbd: {  	[sflag:s23] =	ssyncadd.s32 $0xFFFFD880;
	(pc) =	sbr.rel @p0 .LBB2_1-.Ltmp1, $4  }
0xbe: {  	[hbm:s24], [sflag:s9] =	dma.local [spmem:s2], $0x4F0  }
0xbf: {  	_ =	swait.ge [sflag:s23], $0x4F0  }
0xc0: {  	[sflag:s23] =	ssyncset.done $0x0  }
0xc1: {  	[sflag:s23] =	ssyncadd.s32 $0xFFFFFB10  }
0xc2: {  	_ =	sfence.sel $0x180000  }
0xc3: {  	[bflag:$0x0] =	sbarrier.arrive $0xFFFF  }
0xc4: {  	_ =	strace $0x9000004A  }
0xc5: {  	s0 =	stileid.u32;
	[bflag:$0x2] =	sbarrier.arrive $0xFFFF  }
0xc6: {  	p0 =	sne.s32 s0, $0x0;
	s0 =	rddreg [dreg:$0x4]  }
0xc7: {  	s0 =	sadd.s32 @!p0 $0x100000, s0  }
0xc8: {  	[sflag:s0] =	ssyncadd.tile.s32 @!p0 $0x1;
	_ =	shalt  }
.Lfunc_end2:
_tile_overlayer_lowered:
.L_overlay_start_2:
0xc9: {  	(tag) =	ssettag $0x2  }
0xca: {  	s0 =	rddreg [dreg:$0x0];
	s2 =	stileid.u32  }
0xcb: {  	s1 =	rddreg [dreg:$0x1];
	p0 =	sne.s32 s2, $0x0  }
0xcc: {  	s3 =	rddreg [dreg:$0x2];
	[bflag:$0x3] =	sbarrier.arrive $0xFFFF;
	s2 =	simm.s32 @!p0 $0x1C07  }
0xcd: {  	[timem:s3], [sflag:s2] =	dma.local @!p0 [hbm:s0], s1  }
0xce: {  	s0 =	simm.s32 @!p0 $0x7  }
0xcf: {  	_ =	swait.ge @!p0 [sflag:s0], s1  }
0xd0: {  	s1 =	ssub.s32 @!p0 $0x0, s1;
	[sflag:s0] =	ssyncset.done @!p0 $0x0  }
0xd1: {  	[sflag:s0] =	ssyncadd.s32 @!p0 s1  }
0xd2: {  	[bflag:$0x3] =	sbarrier.arrive $0xFFFF  }
0xd3: {  	_ =	shalt  }

</sc_bundles>
